<compile_context>
chip_gen: v7x
topology: tpu7x:2x2x1
jax: 0.10.2.dev20260603
libtpu: 0.0.44.dev20260713+nightly
codegen_flags: <defaults>
</compile_context>

<pallas_src>
import functools

import jax
import jax.numpy as jnp
from jax import lax
from jax.experimental import pallas as pl
from jax.experimental.pallas import tpu as pltpu
from jax.experimental.pallas import tpu_sc as plsc

_TOPK = 5
_INF = float("inf")
_BIG = 1 << 30
_CHUNK = 128
_SLOT = 16
_NC, _NS, _L = 2, 16, 16



def _tc_body(q_ref, l_ref, dist_ref, cmin_ref, *, kt, k_total):
    t = pl.program_id(0)
    b = q_ref.shape[0]

    q = q_ref[...]
    lab = l_ref[...]
    dots = jax.lax.dot_general(q, lab, (((1,), (1,)), ((), ())),
                               preferred_element_type=jnp.float32)
    qn = jnp.sqrt(jnp.sum(q * q, axis=1, keepdims=True))
    ones8 = jnp.ones((8, q.shape[1]), jnp.float32)
    lsq = jax.lax.dot_general(ones8, lab * lab, (((1,), (1,)), ((), ())),
                              precision=jax.lax.Precision.HIGHEST,
                              preferred_element_type=jnp.float32)
    ln = jnp.sqrt(lsq[0:1, :])
    denom = jnp.maximum(qn * ln, 1e-8)
    dist = 1.0 - dots / denom
    dist_ref[...] = dist

    col = jax.lax.broadcasted_iota(jnp.int32, (b, kt), 1)
    dm = jnp.where(col + t * kt < k_total, dist, _INF)
    for c in range(kt // _CHUNK):
        cm = jnp.min(dm[:, c * _CHUNK:(c + 1) * _CHUNK], axis=1,
                     keepdims=True)
        cmin_ref[0, :, c:c + 1] = cm



def _make_sc_kernel(b, k_total, nsteps, cpb, rows_per_w):
    nchunks = (k_total + _CHUNK - 1) // _CHUNK
    nslots = nsteps * _SLOT
    nvec = (nslots + _L - 1) // _L
    vpc = _CHUNK // _L

    mesh = plsc.VectorSubcoreMesh(core_axis_name="c", subcore_axis_name="s")

    @functools.partial(
        pl.kernel, mesh=mesh,
        compiler_params=pltpu.CompilerParams(needs_layout_passes=False),
        out_type=jax.ShapeDtypeStruct((b, _L), jnp.int32),
        scratch_types=[
            pltpu.VMEM((rows_per_w, nslots), jnp.float32),
            pltpu.VMEM((_TOPK, 8, _CHUNK), jnp.float32),
            pltpu.VMEM((rows_per_w, _L), jnp.int32),
            pltpu.SemaphoreType.DMA,
        ],
    )
    def sc_kernel(cmin_hbm, dist_hbm, out_hbm, cmv, dbuf, resv, sem):
        wid = lax.axis_index("s") * _NC + lax.axis_index("c")
        base_row = wid * rows_per_w
        iota = lax.iota(jnp.int32, _L)
        lane0 = iota == 0
        inf_v = jnp.full((_L,), _INF, jnp.float32)

        pltpu.sync_copy(cmin_hbm.at[pl.ds(base_row, rows_per_w), :], cmv)

        def row_fn(i, carry):
            row_v = jnp.full((_L,), i, jnp.int32)

            ids = jnp.full((_L,), nchunks, jnp.int32)
            for j in range(_TOPK):
                def cscan(w, sc):
                    acc, gcc = sc
                    g = iota + w * _L
                    d = cmv[i, pl.ds(w * _L, _L)]
                    lt = d < acc
                    return (jnp.where(lt, d, acc), jnp.where(lt, g, gcc))

                acc, gcc = lax.fori_loop(
                    0, nvec, cscan, (inf_v, jnp.zeros((_L,), jnp.int32)))
                m = jnp.min(acc)
                gj = jnp.min(jnp.where(acc == m, gcc, _BIG))
                ids = jnp.where(iota == j, gj, ids)
                plsc.store_scatter(
                    cmv, [row_v, jnp.full((_L,), gj, jnp.int32)],
                    inf_v, mask=lane0)

            ids, _ = plsc.sort_key_val(ids, iota)
            his = jnp.minimum(ids * _CHUNK + _CHUNK, k_total)
            lbs = [jnp.min(jnp.where(iota == j, ids * _CHUNK, _BIG))
                   for j in range(_TOPK)]
            hbs = [jnp.min(jnp.where(iota == j, his, _BIG))
                   for j in range(_TOPK)]
            rb = pl.multiple_of(base_row + ((i >> 3) << 3), 8)
            r8 = i & 7
            cps = [pltpu.async_copy(
                       dist_hbm.at[pl.ds(rb, 8),
                                   pl.ds(pl.multiple_of(lbs[j], _CHUNK),
                                         _CHUNK)],
                       dbuf.at[j], sem)
                   for j in range(_TOPK)]
            for cp in cps:
                cp.wait()

            res = jnp.zeros((_L,), jnp.int32)
            for j in range(_TOPK):
                carry_v = (inf_v, jnp.zeros((_L,), jnp.int32),
                           jnp.zeros((_L,), jnp.int32))
                for cj in range(_TOPK):
                    def vscan(w2, sc, cj=cj):
                        acc, gcc, pcc = sc
                        d = dbuf[cj, r8, pl.ds(w2 * _L, _L)]
                        g = lbs[cj] + w2 * _L + iota
                        pos = cj * _CHUNK + w2 * _L + iota
                        d = jnp.where(g < hbs[cj], d, _INF)
                        lt = d < acc
                        return (jnp.where(lt, d, acc),
                                jnp.where(lt, g, gcc),
                                jnp.where(lt, pos, pcc))

                    carry_v = lax.fori_loop(0, vpc, vscan, carry_v)
                acc, gcc, pcc = carry_v
                m = jnp.min(acc)
                hit = acc == m
                gj = jnp.min(jnp.where(hit, gcc, _BIG))
                pj = jnp.min(jnp.where(hit & (gcc == gj), pcc, _BIG))
                res = jnp.where(iota == j, gj, res)
                plsc.store_scatter(
                    dbuf, [jnp.full((_L,), pj >> 7, jnp.int32),
                           jnp.full((_L,), r8, jnp.int32),
                           jnp.full((_L,), pj & (_CHUNK - 1), jnp.int32)],
                    inf_v, mask=lane0)

            resv[i, :] = res
            return carry

        lax.fori_loop(0, rows_per_w, row_fn, 0)
        pltpu.sync_copy(resv, out_hbm.at[pl.ds(base_row, rows_per_w)])

    return sc_kernel



def kernel(queries, labelvec, k):
    del k
    b, d = queries.shape
    k_total = labelvec.shape[0]
    kt = _CHUNK * _SLOT
    nsteps = pl.cdiv(k_total, kt)
    cpb = kt // _CHUNK
    dist, cmin = pl.pallas_call(
        functools.partial(_tc_body, kt=kt, k_total=k_total),
        grid=(nsteps,),
        in_specs=[pl.BlockSpec((b, d), lambda t: (0, 0)),
                  pl.BlockSpec((kt, d), lambda t: (t, 0))],
        out_specs=[pl.BlockSpec((b, kt), lambda t: (0, t)),
                   pl.BlockSpec((1, b, _SLOT), lambda t: (t, 0, 0))],
        out_shape=[jax.ShapeDtypeStruct((b, k_total), jnp.float32),
                   jax.ShapeDtypeStruct((nsteps, b, _SLOT), jnp.float32)],
        compiler_params=pltpu.CompilerParams(
            dimension_semantics=("arbitrary",)),
    )(queries, labelvec)

    rows_per_w = b // (_NC * _NS)
    cmin2 = cmin.transpose(1, 0, 2).reshape(b, nsteps * _SLOT)
    sc = _make_sc_kernel(b, k_total, nsteps, cpb, rows_per_w)
    idxpad = sc(cmin2, dist)
    return dist, idxpad[:, :_TOPK]

# --- scband reference (transcript-rebuilt; emitter-appended) ---
"""Pipeline reference for scband-trainer-30210799960095 (READ-ONLY COPY).

The authoritative reference and input builder live on the scoring server;
editing this copy changes nothing except your own understanding.
"""

import jax, jax.numpy as jnp
import numpy as np

B, K, D = 1024, 100000, 128
TOPK = 5


def setup_inputs(seed: int = 0) -> dict:
    key = jax.random.key(seed)
    k1, k2 = jax.random.split(key)
    queries = jax.random.normal(k1, (B, D), dtype=jnp.float32)
    labelvec = jax.random.normal(k2, (K, D), dtype=jnp.float32)
    return {"queries": queries, "labelvec": labelvec, "k": TOPK}


def reference(queries, labelvec, k):
    # Faithful translation of Trainer.get_cosine_dist (mode='train') followed by
    # torch.topk(dist, k, largest=False) as used in train/evaluate.
    # F.cosine_similarity semantics: dot / max(|x|*|y|, eps), eps=1e-8
    eps = 1e-8
    qnorm = jnp.linalg.norm(queries, axis=-1, keepdims=True)          # [B, 1]
    lnorm = jnp.linalg.norm(labelvec, axis=-1, keepdims=True)          # [K, 1]
    dots = jnp.matmul(queries, labelvec.T)                             # [B, K]
    denom = jnp.maximum(qnorm * lnorm.T, eps)                          # [B, K]
    cosine = dots / denom
    dist = 1.0 - cosine                                                # [B, K]
    # smallest-k distances == top-k of negated distances
    neg_vals, pred_idx = jax.lax.top_k(-dist, TOPK)                    # [B, k]
    pred_idx = pred_idx + 0 * jnp.asarray(k, dtype=pred_idx.dtype)
    return dist, pred_idx

if __name__ == "__main__":
    import jax
    _d = setup_inputs()
    print(jax.jit(kernel)(*tuple(_d.values())))

</pallas_src>

<mosaic_0001>
#map = affine_map<(d0, d1) -> (0, 0)>
module attributes {stable_mosaic.version = 14 : i64} {
  func.func @sc_kernel(%arg0: i32, %arg1: i32, %arg2: memref<1024x784xf32, #tpu.memory_space<hbm>>, %arg3: memref<1024x100000xf32, #tpu.memory_space<hbm>>, %arg4: memref<1024x16xi32, #tpu.memory_space<hbm>>, %arg5: memref<32x784xf32, #tpu.memory_space<vmem>>, %arg6: memref<5x8x128xf32, #tpu.memory_space<vmem>>, %arg7: memref<32x16xi32, #tpu.memory_space<vmem>>, %arg8: memref<!tpu.dma_semaphore, #tpu.memory_space<semaphore_mem>>) attributes {dimension_semantics = [#tpu.dimension_semantics<core_parallel>, #tpu.dimension_semantics<subcore_parallel>], iteration_bounds = array<i64: 2, 16>, scalar_prefetch = 0 : i64, scratch_operands = 4 : i64, tpu.core_type = #tpu.core_type<sc_vector_subcore>, window_params = [{transform_indices = #map}, {transform_indices = #map}, {transform_indices = #map}]} {
    %mul3A = arith.constant 2 : i32
    %mul3A_0 = arith.muli %arg1, %mul3A : i32
    %add3A = arith.addi %mul3A_0, %arg0 : i32
    %mul3A_1 = arith.constant 32 : i32
    %mul3A_2 = arith.muli %add3A, %mul3A_1 : i32
    %iota3A = tpu.iota {dimensions = array<i32: 0>} : vector<16xi32>
    %eq3A = arith.constant 0 : i32
    %eq3A_3 = vector.broadcast %eq3A : i32 to vector<16xi32>
    %eq3A_4 = arith.cmpi eq, %iota3A, %eq3A_3 : vector<16xi32>
    %broadcast_in_dim3A = arith.constant 0x7F800000 : f32
    %broadcast_in_dim3A_5 = vector.broadcast %broadcast_in_dim3A : f32 to vector<16xf32>
    "tpu.region"() ({
      %run_scoped3A = tpu.sem_alloc : memref<!tpu.dma_semaphore, #tpu.memory_space<semaphore_mem>>
      %dma_start3A = arith.constant 0 : i32
      %dma_start3A_11 = tpu.memref_slice %arg2[%mul3A_2, %dma_start3A] : memref<1024x784xf32, #tpu.memory_space<hbm>> -> memref<32x784xf32, #tpu.memory_space<hbm>>
      %dma_start3A_12 = arith.constant 0 : i32
      %dma_start3A_13 = tpu.memref_slice %arg2[%mul3A_2, %dma_start3A_12] : memref<1024x784xf32, #tpu.memory_space<hbm>> -> memref<32x784xf32, #tpu.memory_space<hbm>>
      tpu.enqueue_dma source(%dma_start3A_13 : memref<32x784xf32, #tpu.memory_space<hbm>>) target(%arg5 : memref<32x784xf32, #tpu.memory_space<vmem>>) target_semaphore(%run_scoped3A : memref<!tpu.dma_semaphore, #tpu.memory_space<semaphore_mem>>)
      %dma_wait3A = arith.constant 0 : i32
      %dma_wait3A_14 = tpu.memref_slice %arg2[%mul3A_2, %dma_wait3A] : memref<1024x784xf32, #tpu.memory_space<hbm>> -> memref<32x784xf32, #tpu.memory_space<hbm>>
      %dma_wait3A_15 = arith.constant 0 : i32
      %dma_wait3A_16 = tpu.memref_slice %arg2[%mul3A_2, %dma_wait3A_15] : memref<1024x784xf32, #tpu.memory_space<hbm>> -> memref<32x784xf32, #tpu.memory_space<hbm>>
      tpu.wait_dma2 semaphore(%run_scoped3A : memref<!tpu.dma_semaphore, #tpu.memory_space<semaphore_mem>>) src(%dma_wait3A_16 : memref<32x784xf32, #tpu.memory_space<hbm>>) dst(%arg5 : memref<32x784xf32, #tpu.memory_space<vmem>>)
      tpu.yield
    }) : () -> ()
    %scan3A = arith.constant 0 : i32
    %scan3A_6 = arith.constant 0 : i32
    %scan3A_7 = arith.constant 32 : i32
    %scan3A_8 = arith.addi %scan3A_6, %scan3A_7 : i32
    %scan3A_9 = arith.constant 1 : i32
    scf.for %scan3A_11 = %scan3A_6 to %scan3A_8 step %scan3A_9  : i32 {
      %broadcast_in_dim3A_12 = vector.broadcast %scan3A_11 : i32 to vector<16xi32>
      %broadcast_in_dim3A_13 = arith.constant 782 : i32
      %broadcast_in_dim3A_14 = vector.broadcast %broadcast_in_dim3A_13 : i32 to vector<16xi32>
      %broadcast_in_dim3A_15 = arith.constant 0 : i32
      %broadcast_in_dim3A_16 = vector.broadcast %broadcast_in_dim3A_15 : i32 to vector<16xi32>
      %scan3A_17 = arith.constant 0 : i32
      %scan3A_18 = arith.constant 49 : i32
      %scan3A_19 = arith.addi %scan3A_17, %scan3A_18 : i32
      %scan3A_20 = arith.constant 1 : i32
      %scan3A_21:2 = scf.for %scan3A_843 = %scan3A_17 to %scan3A_19 step %scan3A_20 iter_args(%scan3A_844 = %broadcast_in_dim3A_5, %scan3A_845 = %broadcast_in_dim3A_16) -> (vector<16xf32>, vector<16xi32>)  : i32 {
        %mul3A_846 = arith.constant 16 : i32
        %mul3A_847 = arith.muli %scan3A_843, %mul3A_846 : i32
        %add3A_848 = vector.broadcast %mul3A_847 : i32 to vector<16xi32>
        %add3A_849 = arith.addi %iota3A, %add3A_848 : vector<16xi32>
        %mul3A_850 = arith.constant 16 : i32
        %mul3A_851 = arith.muli %scan3A_843, %mul3A_850 : i32
        %get3A = arith.index_cast %scan3A_11 : i32 to index
        %get3A_852 = arith.index_cast %mul3A_851 : i32 to index
        %get3A_853 = tpu.vector_load %arg5[%get3A, %get3A_852] {strides = array<i32>} : memref<32x784xf32, #tpu.memory_space<vmem>>, vector<16xf32>,
        %lt3A = arith.cmpf olt, %get3A_853, %scan3A_844 : vector<16xf32>
        %select_n3A_854 = arith.select %lt3A, %get3A_853, %scan3A_844 : vector<16xi1>, vector<16xf32>
        %select_n3A_855 = arith.select %lt3A, %add3A_849, %scan3A_845 : vector<16xi1>, vector<16xi32>
        scf.yield %select_n3A_854, %select_n3A_855 : vector<16xf32>, vector<16xi32>
      }
      %scan3A_22 = arith.constant 49 : i32
      %reduce_min3A = arith.constant true
      %reduce_min3A_23 = vector.broadcast %reduce_min3A : i1 to vector<16xi1>
      %reduce_min3A_24 = tpu.scan <min>, %scan3A_21#0 masked %reduce_min3A_23 : vector<16xf32>, vector<16xi1> -> vector<16xf32>
      %reduce_min3A_25 = vector.extract %reduce_min3A_24[15] : f32 from vector<16xf32>
      %eq3A_26 = vector.broadcast %reduce_min3A_25 : f32 to vector<16xf32>
      %eq3A_27 = arith.cmpf oeq, %scan3A_21#0, %eq3A_26 : vector<16xf32>
      %jit3A = arith.constant 1073741824 : i32
      %broadcast_in_dim3A_28 = vector.broadcast %jit3A : i32 to vector<16xi32>
      %select_n3A = arith.select %eq3A_27, %scan3A_21#1, %broadcast_in_dim3A_28 : vector<16xi1>, vector<16xi32>
      %reduce_min3A_29 = arith.constant true
      %reduce_min3A_30 = vector.broadcast %reduce_min3A_29 : i1 to vector<16xi1>
      %reduce_min3A_31 = arith.constant -2147483648 : i32
      %reduce_min3A_32 = vector.broadcast %reduce_min3A_31 : i32 to vector<16xi32>
      %reduce_min3A_33 = arith.xori %select_n3A, %reduce_min3A_32 : vector<16xi32>
      %reduce_min3A_34 = tpu.scan <min>, %reduce_min3A_33 masked %reduce_min3A_30 : vector<16xi32>, vector<16xi1> -> vector<16xi32>
      %reduce_min3A_35 = arith.xori %reduce_min3A_34, %reduce_min3A_32 : vector<16xi32>
      %reduce_min3A_36 = vector.extract %reduce_min3A_35[15] : i32 from vector<16xi32>
      %eq3A_37 = arith.constant 0 : i32
      %eq3A_38 = vector.broadcast %eq3A_37 : i32 to vector<16xi32>
      %eq3A_39 = arith.cmpi eq, %iota3A, %eq3A_38 : vector<16xi32>
      %broadcast_in_dim3A_40 = vector.broadcast %reduce_min3A_36 : i32 to vector<16xi32>
      %select_n3A_41 = arith.select %eq3A_39, %broadcast_in_dim3A_40, %broadcast_in_dim3A_14 : vector<16xi1>, vector<16xi32>
      %broadcast_in_dim3A_42 = vector.broadcast %reduce_min3A_36 : i32 to vector<16xi32>
      tpu.vector_store_idx %arg5[%broadcast_in_dim3A_12, %broadcast_in_dim3A_42], %broadcast_in_dim3A_5 masked %eq3A_4 : memref<32x784xf32, #tpu.memory_space<vmem>>[vector<16xi32>, vector<16xi32>], vector<16xf32>, vector<16xi1>
      %broadcast_in_dim3A_43 = arith.constant 0 : i32
      %broadcast_in_dim3A_44 = vector.broadcast %broadcast_in_dim3A_43 : i32 to vector<16xi32>
      %scan3A_45 = arith.constant 0 : i32
      %scan3A_46 = arith.constant 49 : i32
      %scan3A_47 = arith.addi %scan3A_45, %scan3A_46 : i32
      %scan3A_48 = arith.constant 1 : i32
      %scan3A_49:2 = scf.for %scan3A_843 = %scan3A_45 to %scan3A_47 step %scan3A_48 iter_args(%scan3A_844 = %broadcast_in_dim3A_5, %scan3A_845 = %broadcast_in_dim3A_44) -> (vector<16xf32>, vector<16xi32>)  : i32 {
        %mul3A_846 = arith.constant 16 : i32
        %mul3A_847 = arith.muli %scan3A_843, %mul3A_846 : i32
        %add3A_848 = vector.broadcast %mul3A_847 : i32 to vector<16xi32>
        %add3A_849 = arith.addi %iota3A, %add3A_848 : vector<16xi32>
        %mul3A_850 = arith.constant 16 : i32
        %mul3A_851 = arith.muli %scan3A_843, %mul3A_850 : i32
        %get3A = arith.index_cast %scan3A_11 : i32 to index
        %get3A_852 = arith.index_cast %mul3A_851 : i32 to index
        %get3A_853 = tpu.vector_load %arg5[%get3A, %get3A_852] {strides = array<i32>} : memref<32x784xf32, #tpu.memory_space<vmem>>, vector<16xf32>,
        %lt3A = arith.cmpf olt, %get3A_853, %scan3A_844 : vector<16xf32>
        %select_n3A_854 = arith.select %lt3A, %get3A_853, %scan3A_844 : vector<16xi1>, vector<16xf32>
        %select_n3A_855 = arith.select %lt3A, %add3A_849, %scan3A_845 : vector<16xi1>, vector<16xi32>
        scf.yield %select_n3A_854, %select_n3A_855 : vector<16xf32>, vector<16xi32>
      }
      %scan3A_50 = arith.constant 49 : i32
      %reduce_min3A_51 = arith.constant true
      %reduce_min3A_52 = vector.broadcast %reduce_min3A_51 : i1 to vector<16xi1>
      %reduce_min3A_53 = tpu.scan <min>, %scan3A_49#0 masked %reduce_min3A_52 : vector<16xf32>, vector<16xi1> -> vector<16xf32>
      %reduce_min3A_54 = vector.extract %reduce_min3A_53[15] : f32 from vector<16xf32>
      %eq3A_55 = vector.broadcast %reduce_min3A_54 : f32 to vector<16xf32>
      %eq3A_56 = arith.cmpf oeq, %scan3A_49#0, %eq3A_55 : vector<16xf32>
      %jit3A_57 = arith.constant 1073741824 : i32
      %broadcast_in_dim3A_58 = vector.broadcast %jit3A_57 : i32 to vector<16xi32>
      %select_n3A_59 = arith.select %eq3A_56, %scan3A_49#1, %broadcast_in_dim3A_58 : vector<16xi1>, vector<16xi32>
      %reduce_min3A_60 = arith.constant true
      %reduce_min3A_61 = vector.broadcast %reduce_min3A_60 : i1 to vector<16xi1>
      %reduce_min3A_62 = arith.constant -2147483648 : i32
      %reduce_min3A_63 = vector.broadcast %reduce_min3A_62 : i32 to vector<16xi32>
      %reduce_min3A_64 = arith.xori %select_n3A_59, %reduce_min3A_63 : vector<16xi32>
      %reduce_min3A_65 = tpu.scan <min>, %reduce_min3A_64 masked %reduce_min3A_61 : vector<16xi32>, vector<16xi1> -> vector<16xi32>
      %reduce_min3A_66 = arith.xori %reduce_min3A_65, %reduce_min3A_63 : vector<16xi32>
      %reduce_min3A_67 = vector.extract %reduce_min3A_66[15] : i32 from vector<16xi32>
      %eq3A_68 = arith.constant 1 : i32
      %eq3A_69 = vector.broadcast %eq3A_68 : i32 to vector<16xi32>
      %eq3A_70 = arith.cmpi eq, %iota3A, %eq3A_69 : vector<16xi32>
      %broadcast_in_dim3A_71 = vector.broadcast %reduce_min3A_67 : i32 to vector<16xi32>
      %select_n3A_72 = arith.select %eq3A_70, %broadcast_in_dim3A_71, %select_n3A_41 : vector<16xi1>, vector<16xi32>
      %broadcast_in_dim3A_73 = vector.broadcast %reduce_min3A_67 : i32 to vector<16xi32>
      tpu.vector_store_idx %arg5[%broadcast_in_dim3A_12, %broadcast_in_dim3A_73], %broadcast_in_dim3A_5 masked %eq3A_4 : memref<32x784xf32, #tpu.memory_space<vmem>>[vector<16xi32>, vector<16xi32>], vector<16xf32>, vector<16xi1>
      %broadcast_in_dim3A_74 = arith.constant 0 : i32
      %broadcast_in_dim3A_75 = vector.broadcast %broadcast_in_dim3A_74 : i32 to vector<16xi32>
      %scan3A_76 = arith.constant 0 : i32
      %scan3A_77 = arith.constant 49 : i32
      %scan3A_78 = arith.addi %scan3A_76, %scan3A_77 : i32
      %scan3A_79 = arith.constant 1 : i32
      %scan3A_80:2 = scf.for %scan3A_843 = %scan3A_76 to %scan3A_78 step %scan3A_79 iter_args(%scan3A_844 = %broadcast_in_dim3A_5, %scan3A_845 = %broadcast_in_dim3A_75) -> (vector<16xf32>, vector<16xi32>)  : i32 {
        %mul3A_846 = arith.constant 16 : i32
        %mul3A_847 = arith.muli %scan3A_843, %mul3A_846 : i32
        %add3A_848 = vector.broadcast %mul3A_847 : i32 to vector<16xi32>
        %add3A_849 = arith.addi %iota3A, %add3A_848 : vector<16xi32>
        %mul3A_850 = arith.constant 16 : i32
        %mul3A_851 = arith.muli %scan3A_843, %mul3A_850 : i32
        %get3A = arith.index_cast %scan3A_11 : i32 to index
        %get3A_852 = arith.index_cast %mul3A_851 : i32 to index
        %get3A_853 = tpu.vector_load %arg5[%get3A, %get3A_852] {strides = array<i32>} : memref<32x784xf32, #tpu.memory_space<vmem>>, vector<16xf32>,
        %lt3A = arith.cmpf olt, %get3A_853, %scan3A_844 : vector<16xf32>
        %select_n3A_854 = arith.select %lt3A, %get3A_853, %scan3A_844 : vector<16xi1>, vector<16xf32>
        %select_n3A_855 = arith.select %lt3A, %add3A_849, %scan3A_845 : vector<16xi1>, vector<16xi32>
        scf.yield %select_n3A_854, %select_n3A_855 : vector<16xf32>, vector<16xi32>
      }
      %scan3A_81 = arith.constant 49 : i32
      %reduce_min3A_82 = arith.constant true
      %reduce_min3A_83 = vector.broadcast %reduce_min3A_82 : i1 to vector<16xi1>
      %reduce_min3A_84 = tpu.scan <min>, %scan3A_80#0 masked %reduce_min3A_83 : vector<16xf32>, vector<16xi1> -> vector<16xf32>
      %reduce_min3A_85 = vector.extract %reduce_min3A_84[15] : f32 from vector<16xf32>
      %eq3A_86 = vector.broadcast %reduce_min3A_85 : f32 to vector<16xf32>
      %eq3A_87 = arith.cmpf oeq, %scan3A_80#0, %eq3A_86 : vector<16xf32>
      %jit3A_88 = arith.constant 1073741824 : i32
      %broadcast_in_dim3A_89 = vector.broadcast %jit3A_88 : i32 to vector<16xi32>
      %select_n3A_90 = arith.select %eq3A_87, %scan3A_80#1, %broadcast_in_dim3A_89 : vector<16xi1>, vector<16xi32>
      %reduce_min3A_91 = arith.constant true
      %reduce_min3A_92 = vector.broadcast %reduce_min3A_91 : i1 to vector<16xi1>
      %reduce_min3A_93 = arith.constant -2147483648 : i32
      %reduce_min3A_94 = vector.broadcast %reduce_min3A_93 : i32 to vector<16xi32>
      %reduce_min3A_95 = arith.xori %select_n3A_90, %reduce_min3A_94 : vector<16xi32>
      %reduce_min3A_96 = tpu.scan <min>, %reduce_min3A_95 masked %reduce_min3A_92 : vector<16xi32>, vector<16xi1> -> vector<16xi32>
      %reduce_min3A_97 = arith.xori %reduce_min3A_96, %reduce_min3A_94 : vector<16xi32>
      %reduce_min3A_98 = vector.extract %reduce_min3A_97[15] : i32 from vector<16xi32>
      %eq3A_99 = arith.constant 2 : i32
      %eq3A_100 = vector.broadcast %eq3A_99 : i32 to vector<16xi32>
      %eq3A_101 = arith.cmpi eq, %iota3A, %eq3A_100 : vector<16xi32>
      %broadcast_in_dim3A_102 = vector.broadcast %reduce_min3A_98 : i32 to vector<16xi32>
      %select_n3A_103 = arith.select %eq3A_101, %broadcast_in_dim3A_102, %select_n3A_72 : vector<16xi1>, vector<16xi32>
      %broadcast_in_dim3A_104 = vector.broadcast %reduce_min3A_98 : i32 to vector<16xi32>
      tpu.vector_store_idx %arg5[%broadcast_in_dim3A_12, %broadcast_in_dim3A_104], %broadcast_in_dim3A_5 masked %eq3A_4 : memref<32x784xf32, #tpu.memory_space<vmem>>[vector<16xi32>, vector<16xi32>], vector<16xf32>, vector<16xi1>
      %broadcast_in_dim3A_105 = arith.constant 0 : i32
      %broadcast_in_dim3A_106 = vector.broadcast %broadcast_in_dim3A_105 : i32 to vector<16xi32>
      %scan3A_107 = arith.constant 0 : i32
      %scan3A_108 = arith.constant 49 : i32
      %scan3A_109 = arith.addi %scan3A_107, %scan3A_108 : i32
      %scan3A_110 = arith.constant 1 : i32
      %scan3A_111:2 = scf.for %scan3A_843 = %scan3A_107 to %scan3A_109 step %scan3A_110 iter_args(%scan3A_844 = %broadcast_in_dim3A_5, %scan3A_845 = %broadcast_in_dim3A_106) -> (vector<16xf32>, vector<16xi32>)  : i32 {
        %mul3A_846 = arith.constant 16 : i32
        %mul3A_847 = arith.muli %scan3A_843, %mul3A_846 : i32
        %add3A_848 = vector.broadcast %mul3A_847 : i32 to vector<16xi32>
        %add3A_849 = arith.addi %iota3A, %add3A_848 : vector<16xi32>
        %mul3A_850 = arith.constant 16 : i32
        %mul3A_851 = arith.muli %scan3A_843, %mul3A_850 : i32
        %get3A = arith.index_cast %scan3A_11 : i32 to index
        %get3A_852 = arith.index_cast %mul3A_851 : i32 to index
        %get3A_853 = tpu.vector_load %arg5[%get3A, %get3A_852] {strides = array<i32>} : memref<32x784xf32, #tpu.memory_space<vmem>>, vector<16xf32>,
        %lt3A = arith.cmpf olt, %get3A_853, %scan3A_844 : vector<16xf32>
        %select_n3A_854 = arith.select %lt3A, %get3A_853, %scan3A_844 : vector<16xi1>, vector<16xf32>
        %select_n3A_855 = arith.select %lt3A, %add3A_849, %scan3A_845 : vector<16xi1>, vector<16xi32>
        scf.yield %select_n3A_854, %select_n3A_855 : vector<16xf32>, vector<16xi32>
      }
      %scan3A_112 = arith.constant 49 : i32
      %reduce_min3A_113 = arith.constant true
      %reduce_min3A_114 = vector.broadcast %reduce_min3A_113 : i1 to vector<16xi1>
      %reduce_min3A_115 = tpu.scan <min>, %scan3A_111#0 masked %reduce_min3A_114 : vector<16xf32>, vector<16xi1> -> vector<16xf32>
      %reduce_min3A_116 = vector.extract %reduce_min3A_115[15] : f32 from vector<16xf32>
      %eq3A_117 = vector.broadcast %reduce_min3A_116 : f32 to vector<16xf32>
      %eq3A_118 = arith.cmpf oeq, %scan3A_111#0, %eq3A_117 : vector<16xf32>
      %jit3A_119 = arith.constant 1073741824 : i32
      %broadcast_in_dim3A_120 = vector.broadcast %jit3A_119 : i32 to vector<16xi32>
      %select_n3A_121 = arith.select %eq3A_118, %scan3A_111#1, %broadcast_in_dim3A_120 : vector<16xi1>, vector<16xi32>
      %reduce_min3A_122 = arith.constant true
      %reduce_min3A_123 = vector.broadcast %reduce_min3A_122 : i1 to vector<16xi1>
      %reduce_min3A_124 = arith.constant -2147483648 : i32
      %reduce_min3A_125 = vector.broadcast %reduce_min3A_124 : i32 to vector<16xi32>
      %reduce_min3A_126 = arith.xori %select_n3A_121, %reduce_min3A_125 : vector<16xi32>
      %reduce_min3A_127 = tpu.scan <min>, %reduce_min3A_126 masked %reduce_min3A_123 : vector<16xi32>, vector<16xi1> -> vector<16xi32>
      %reduce_min3A_128 = arith.xori %reduce_min3A_127, %reduce_min3A_125 : vector<16xi32>
      %reduce_min3A_129 = vector.extract %reduce_min3A_128[15] : i32 from vector<16xi32>
      %eq3A_130 = arith.constant 3 : i32
      %eq3A_131 = vector.broadcast %eq3A_130 : i32 to vector<16xi32>
      %eq3A_132 = arith.cmpi eq, %iota3A, %eq3A_131 : vector<16xi32>
      %broadcast_in_dim3A_133 = vector.broadcast %reduce_min3A_129 : i32 to vector<16xi32>
      %select_n3A_134 = arith.select %eq3A_132, %broadcast_in_dim3A_133, %select_n3A_103 : vector<16xi1>, vector<16xi32>
      %broadcast_in_dim3A_135 = vector.broadcast %reduce_min3A_129 : i32 to vector<16xi32>
      tpu.vector_store_idx %arg5[%broadcast_in_dim3A_12, %broadcast_in_dim3A_135], %broadcast_in_dim3A_5 masked %eq3A_4 : memref<32x784xf32, #tpu.memory_space<vmem>>[vector<16xi32>, vector<16xi32>], vector<16xf32>, vector<16xi1>
      %broadcast_in_dim3A_136 = arith.constant 0 : i32
      %broadcast_in_dim3A_137 = vector.broadcast %broadcast_in_dim3A_136 : i32 to vector<16xi32>
      %scan3A_138 = arith.constant 0 : i32
      %scan3A_139 = arith.constant 49 : i32
      %scan3A_140 = arith.addi %scan3A_138, %scan3A_139 : i32
      %scan3A_141 = arith.constant 1 : i32
      %scan3A_142:2 = scf.for %scan3A_843 = %scan3A_138 to %scan3A_140 step %scan3A_141 iter_args(%scan3A_844 = %broadcast_in_dim3A_5, %scan3A_845 = %broadcast_in_dim3A_137) -> (vector<16xf32>, vector<16xi32>)  : i32 {
        %mul3A_846 = arith.constant 16 : i32
        %mul3A_847 = arith.muli %scan3A_843, %mul3A_846 : i32
        %add3A_848 = vector.broadcast %mul3A_847 : i32 to vector<16xi32>
        %add3A_849 = arith.addi %iota3A, %add3A_848 : vector<16xi32>
        %mul3A_850 = arith.constant 16 : i32
        %mul3A_851 = arith.muli %scan3A_843, %mul3A_850 : i32
        %get3A = arith.index_cast %scan3A_11 : i32 to index
        %get3A_852 = arith.index_cast %mul3A_851 : i32 to index
        %get3A_853 = tpu.vector_load %arg5[%get3A, %get3A_852] {strides = array<i32>} : memref<32x784xf32, #tpu.memory_space<vmem>>, vector<16xf32>,
        %lt3A = arith.cmpf olt, %get3A_853, %scan3A_844 : vector<16xf32>
        %select_n3A_854 = arith.select %lt3A, %get3A_853, %scan3A_844 : vector<16xi1>, vector<16xf32>
        %select_n3A_855 = arith.select %lt3A, %add3A_849, %scan3A_845 : vector<16xi1>, vector<16xi32>
        scf.yield %select_n3A_854, %select_n3A_855 : vector<16xf32>, vector<16xi32>
      }
      %scan3A_143 = arith.constant 49 : i32
      %reduce_min3A_144 = arith.constant true
      %reduce_min3A_145 = vector.broadcast %reduce_min3A_144 : i1 to vector<16xi1>
      %reduce_min3A_146 = tpu.scan <min>, %scan3A_142#0 masked %reduce_min3A_145 : vector<16xf32>, vector<16xi1> -> vector<16xf32>
      %reduce_min3A_147 = vector.extract %reduce_min3A_146[15] : f32 from vector<16xf32>
      %eq3A_148 = vector.broadcast %reduce_min3A_147 : f32 to vector<16xf32>
      %eq3A_149 = arith.cmpf oeq, %scan3A_142#0, %eq3A_148 : vector<16xf32>
      %jit3A_150 = arith.constant 1073741824 : i32
      %broadcast_in_dim3A_151 = vector.broadcast %jit3A_150 : i32 to vector<16xi32>
      %select_n3A_152 = arith.select %eq3A_149, %scan3A_142#1, %broadcast_in_dim3A_151 : vector<16xi1>, vector<16xi32>
      %reduce_min3A_153 = arith.constant true
      %reduce_min3A_154 = vector.broadcast %reduce_min3A_153 : i1 to vector<16xi1>
      %reduce_min3A_155 = arith.constant -2147483648 : i32
      %reduce_min3A_156 = vector.broadcast %reduce_min3A_155 : i32 to vector<16xi32>
      %reduce_min3A_157 = arith.xori %select_n3A_152, %reduce_min3A_156 : vector<16xi32>
      %reduce_min3A_158 = tpu.scan <min>, %reduce_min3A_157 masked %reduce_min3A_154 : vector<16xi32>, vector<16xi1> -> vector<16xi32>
      %reduce_min3A_159 = arith.xori %reduce_min3A_158, %reduce_min3A_156 : vector<16xi32>
      %reduce_min3A_160 = vector.extract %reduce_min3A_159[15] : i32 from vector<16xi32>
      %eq3A_161 = arith.constant 4 : i32
      %eq3A_162 = vector.broadcast %eq3A_161 : i32 to vector<16xi32>
      %eq3A_163 = arith.cmpi eq, %iota3A, %eq3A_162 : vector<16xi32>
      %broadcast_in_dim3A_164 = vector.broadcast %reduce_min3A_160 : i32 to vector<16xi32>
      %select_n3A_165 = arith.select %eq3A_163, %broadcast_in_dim3A_164, %select_n3A_134 : vector<16xi1>, vector<16xi32>
      %broadcast_in_dim3A_166 = vector.broadcast %reduce_min3A_160 : i32 to vector<16xi32>
      tpu.vector_store_idx %arg5[%broadcast_in_dim3A_12, %broadcast_in_dim3A_166], %broadcast_in_dim3A_5 masked %eq3A_4 : memref<32x784xf32, #tpu.memory_space<vmem>>[vector<16xi32>, vector<16xi32>], vector<16xf32>, vector<16xi1>
      %masked_sort3A = arith.constant dense<true> : vector<16xi1>
      %masked_sort3A_167 = arith.constant -2147483648 : i32
      %masked_sort3A_168 = vector.broadcast %masked_sort3A_167 : i32 to vector<16xi32>
      %masked_sort3A_169 = arith.xori %select_n3A_165, %masked_sort3A_168 : vector<16xi32>
      %masked_sort3A_170, %masked_sort3A_171, %masked_sort3A_172 = tpu.sort %masked_sort3A_169, %iota3A masked %masked_sort3A : (vector<16xi32>, vector<16xi32>, vector<16xi1>) -> (vector<16xi1>, vector<16xi32>, vector<16xi32>)
      %masked_sort3A_173 = arith.xori %masked_sort3A_171, %masked_sort3A_168 : vector<16xi32>
      %mul3A_174 = arith.constant 128 : i32
      %mul3A_175 = vector.broadcast %mul3A_174 : i32 to vector<16xi32>
      %mul3A_176 = arith.muli %masked_sort3A_173, %mul3A_175 : vector<16xi32>
      %add3A_177 = arith.constant 128 : i32
      %add3A_178 = vector.broadcast %add3A_177 : i32 to vector<16xi32>
      %add3A_179 = arith.addi %mul3A_176, %add3A_178 : vector<16xi32>
      %min3A = arith.constant 100000 : i32
      %min3A_180 = vector.broadcast %min3A : i32 to vector<16xi32>
      %min3A_181 = arith.minsi %add3A_179, %min3A_180 : vector<16xi32>
      %eq3A_182 = arith.constant 0 : i32
      %eq3A_183 = vector.broadcast %eq3A_182 : i32 to vector<16xi32>
      %eq3A_184 = arith.cmpi eq, %iota3A, %eq3A_183 : vector<16xi32>
      %mul3A_185 = arith.constant 128 : i32
      %mul3A_186 = vector.broadcast %mul3A_185 : i32 to vector<16xi32>
      %mul3A_187 = arith.muli %masked_sort3A_173, %mul3A_186 : vector<16xi32>
      %jit3A_188 = arith.constant 1073741824 : i32
      %broadcast_in_dim3A_189 = vector.broadcast %jit3A_188 : i32 to vector<16xi32>
      %select_n3A_190 = arith.select %eq3A_184, %mul3A_187, %broadcast_in_dim3A_189 : vector<16xi1>, vector<16xi32>
      %reduce_min3A_191 = arith.constant true
      %reduce_min3A_192 = vector.broadcast %reduce_min3A_191 : i1 to vector<16xi1>
      %reduce_min3A_193 = arith.constant -2147483648 : i32
      %reduce_min3A_194 = vector.broadcast %reduce_min3A_193 : i32 to vector<16xi32>
      %reduce_min3A_195 = arith.xori %select_n3A_190, %reduce_min3A_194 : vector<16xi32>
      %reduce_min3A_196 = tpu.scan <min>, %reduce_min3A_195 masked %reduce_min3A_192 : vector<16xi32>, vector<16xi1> -> vector<16xi32>
      %reduce_min3A_197 = arith.xori %reduce_min3A_196, %reduce_min3A_194 : vector<16xi32>
      %reduce_min3A_198 = vector.extract %reduce_min3A_197[15] : i32 from vector<16xi32>
      %eq3A_199 = arith.constant 1 : i32
      %eq3A_200 = vector.broadcast %eq3A_199 : i32 to vector<16xi32>
      %eq3A_201 = arith.cmpi eq, %iota3A, %eq3A_200 : vector<16xi32>
      %mul3A_202 = arith.constant 128 : i32
      %mul3A_203 = vector.broadcast %mul3A_202 : i32 to vector<16xi32>
      %mul3A_204 = arith.muli %masked_sort3A_173, %mul3A_203 : vector<16xi32>
      %jit3A_205 = arith.constant 1073741824 : i32
      %broadcast_in_dim3A_206 = vector.broadcast %jit3A_205 : i32 to vector<16xi32>
      %select_n3A_207 = arith.select %eq3A_201, %mul3A_204, %broadcast_in_dim3A_206 : vector<16xi1>, vector<16xi32>
      %reduce_min3A_208 = arith.constant true
      %reduce_min3A_209 = vector.broadcast %reduce_min3A_208 : i1 to vector<16xi1>
      %reduce_min3A_210 = arith.constant -2147483648 : i32
      %reduce_min3A_211 = vector.broadcast %reduce_min3A_210 : i32 to vector<16xi32>
      %reduce_min3A_212 = arith.xori %select_n3A_207, %reduce_min3A_211 : vector<16xi32>
      %reduce_min3A_213 = tpu.scan <min>, %reduce_min3A_212 masked %reduce_min3A_209 : vector<16xi32>, vector<16xi1> -> vector<16xi32>
      %reduce_min3A_214 = arith.xori %reduce_min3A_213, %reduce_min3A_211 : vector<16xi32>
      %reduce_min3A_215 = vector.extract %reduce_min3A_214[15] : i32 from vector<16xi32>
      %eq3A_216 = arith.constant 2 : i32
      %eq3A_217 = vector.broadcast %eq3A_216 : i32 to vector<16xi32>
      %eq3A_218 = arith.cmpi eq, %iota3A, %eq3A_217 : vector<16xi32>
      %mul3A_219 = arith.constant 128 : i32
      %mul3A_220 = vector.broadcast %mul3A_219 : i32 to vector<16xi32>
      %mul3A_221 = arith.muli %masked_sort3A_173, %mul3A_220 : vector<16xi32>
      %jit3A_222 = arith.constant 1073741824 : i32
      %broadcast_in_dim3A_223 = vector.broadcast %jit3A_222 : i32 to vector<16xi32>
      %select_n3A_224 = arith.select %eq3A_218, %mul3A_221, %broadcast_in_dim3A_223 : vector<16xi1>, vector<16xi32>
      %reduce_min3A_225 = arith.constant true
      %reduce_min3A_226 = vector.broadcast %reduce_min3A_225 : i1 to vector<16xi1>
      %reduce_min3A_227 = arith.constant -2147483648 : i32
      %reduce_min3A_228 = vector.broadcast %reduce_min3A_227 : i32 to vector<16xi32>
      %reduce_min3A_229 = arith.xori %select_n3A_224, %reduce_min3A_228 : vector<16xi32>
      %reduce_min3A_230 = tpu.scan <min>, %reduce_min3A_229 masked %reduce_min3A_226 : vector<16xi32>, vector<16xi1> -> vector<16xi32>
      %reduce_min3A_231 = arith.xori %reduce_min3A_230, %reduce_min3A_228 : vector<16xi32>
      %reduce_min3A_232 = vector.extract %reduce_min3A_231[15] : i32 from vector<16xi32>
      %eq3A_233 = arith.constant 3 : i32
      %eq3A_234 = vector.broadcast %eq3A_233 : i32 to vector<16xi32>
      %eq3A_235 = arith.cmpi eq, %iota3A, %eq3A_234 : vector<16xi32>
      %mul3A_236 = arith.constant 128 : i32
      %mul3A_237 = vector.broadcast %mul3A_236 : i32 to vector<16xi32>
      %mul3A_238 = arith.muli %masked_sort3A_173, %mul3A_237 : vector<16xi32>
      %jit3A_239 = arith.constant 1073741824 : i32
      %broadcast_in_dim3A_240 = vector.broadcast %jit3A_239 : i32 to vector<16xi32>
      %select_n3A_241 = arith.select %eq3A_235, %mul3A_238, %broadcast_in_dim3A_240 : vector<16xi1>, vector<16xi32>
      %reduce_min3A_242 = arith.constant true
      %reduce_min3A_243 = vector.broadcast %reduce_min3A_242 : i1 to vector<16xi1>
      %reduce_min3A_244 = arith.constant -2147483648 : i32
      %reduce_min3A_245 = vector.broadcast %reduce_min3A_244 : i32 to vector<16xi32>
      %reduce_min3A_246 = arith.xori %select_n3A_241, %reduce_min3A_245 : vector<16xi32>
      %reduce_min3A_247 = tpu.scan <min>, %reduce_min3A_246 masked %reduce_min3A_243 : vector<16xi32>, vector<16xi1> -> vector<16xi32>
      %reduce_min3A_248 = arith.xori %reduce_min3A_247, %reduce_min3A_245 : vector<16xi32>
      %reduce_min3A_249 = vector.extract %reduce_min3A_248[15] : i32 from vector<16xi32>
      %eq3A_250 = arith.constant 4 : i32
      %eq3A_251 = vector.broadcast %eq3A_250 : i32 to vector<16xi32>
      %eq3A_252 = arith.cmpi eq, %iota3A, %eq3A_251 : vector<16xi32>
      %mul3A_253 = arith.constant 128 : i32
      %mul3A_254 = vector.broadcast %mul3A_253 : i32 to vector<16xi32>
      %mul3A_255 = arith.muli %masked_sort3A_173, %mul3A_254 : vector<16xi32>
      %jit3A_256 = arith.constant 1073741824 : i32
      %broadcast_in_dim3A_257 = vector.broadcast %jit3A_256 : i32 to vector<16xi32>
      %select_n3A_258 = arith.select %eq3A_252, %mul3A_255, %broadcast_in_dim3A_257 : vector<16xi1>, vector<16xi32>
      %reduce_min3A_259 = arith.constant true
      %reduce_min3A_260 = vector.broadcast %reduce_min3A_259 : i1 to vector<16xi1>
      %reduce_min3A_261 = arith.constant -2147483648 : i32
      %reduce_min3A_262 = vector.broadcast %reduce_min3A_261 : i32 to vector<16xi32>
      %reduce_min3A_263 = arith.xori %select_n3A_258, %reduce_min3A_262 : vector<16xi32>
      %reduce_min3A_264 = tpu.scan <min>, %reduce_min3A_263 masked %reduce_min3A_260 : vector<16xi32>, vector<16xi1> -> vector<16xi32>
      %reduce_min3A_265 = arith.xori %reduce_min3A_264, %reduce_min3A_262 : vector<16xi32>
      %reduce_min3A_266 = vector.extract %reduce_min3A_265[15] : i32 from vector<16xi32>
      %eq3A_267 = arith.constant 0 : i32
      %eq3A_268 = vector.broadcast %eq3A_267 : i32 to vector<16xi32>
      %eq3A_269 = arith.cmpi eq, %iota3A, %eq3A_268 : vector<16xi32>
      %jit3A_270 = arith.constant 1073741824 : i32
      %broadcast_in_dim3A_271 = vector.broadcast %jit3A_270 : i32 to vector<16xi32>
      %select_n3A_272 = arith.select %eq3A_269, %min3A_181, %broadcast_in_dim3A_271 : vector<16xi1>, vector<16xi32>
      %reduce_min3A_273 = arith.constant true
      %reduce_min3A_274 = vector.broadcast %reduce_min3A_273 : i1 to vector<16xi1>
      %reduce_min3A_275 = arith.constant -2147483648 : i32
      %reduce_min3A_276 = vector.broadcast %reduce_min3A_275 : i32 to vector<16xi32>
      %reduce_min3A_277 = arith.xori %select_n3A_272, %reduce_min3A_276 : vector<16xi32>
      %reduce_min3A_278 = tpu.scan <min>, %reduce_min3A_277 masked %reduce_min3A_274 : vector<16xi32>, vector<16xi1> -> vector<16xi32>
      %reduce_min3A_279 = arith.xori %reduce_min3A_278, %reduce_min3A_276 : vector<16xi32>
      %reduce_min3A_280 = vector.extract %reduce_min3A_279[15] : i32 from vector<16xi32>
      %eq3A_281 = arith.constant 1 : i32
      %eq3A_282 = vector.broadcast %eq3A_281 : i32 to vector<16xi32>
      %eq3A_283 = arith.cmpi eq, %iota3A, %eq3A_282 : vector<16xi32>
      %jit3A_284 = arith.constant 1073741824 : i32
      %broadcast_in_dim3A_285 = vector.broadcast %jit3A_284 : i32 to vector<16xi32>
      %select_n3A_286 = arith.select %eq3A_283, %min3A_181, %broadcast_in_dim3A_285 : vector<16xi1>, vector<16xi32>
      %reduce_min3A_287 = arith.constant true
      %reduce_min3A_288 = vector.broadcast %reduce_min3A_287 : i1 to vector<16xi1>
      %reduce_min3A_289 = arith.constant -2147483648 : i32
      %reduce_min3A_290 = vector.broadcast %reduce_min3A_289 : i32 to vector<16xi32>
      %reduce_min3A_291 = arith.xori %select_n3A_286, %reduce_min3A_290 : vector<16xi32>
      %reduce_min3A_292 = tpu.scan <min>, %reduce_min3A_291 masked %reduce_min3A_288 : vector<16xi32>, vector<16xi1> -> vector<16xi32>
      %reduce_min3A_293 = arith.xori %reduce_min3A_292, %reduce_min3A_290 : vector<16xi32>
      %reduce_min3A_294 = vector.extract %reduce_min3A_293[15] : i32 from vector<16xi32>
      %eq3A_295 = arith.constant 2 : i32
      %eq3A_296 = vector.broadcast %eq3A_295 : i32 to vector<16xi32>
      %eq3A_297 = arith.cmpi eq, %iota3A, %eq3A_296 : vector<16xi32>
      %jit3A_298 = arith.constant 1073741824 : i32
      %broadcast_in_dim3A_299 = vector.broadcast %jit3A_298 : i32 to vector<16xi32>
      %select_n3A_300 = arith.select %eq3A_297, %min3A_181, %broadcast_in_dim3A_299 : vector<16xi1>, vector<16xi32>
      %reduce_min3A_301 = arith.constant true
      %reduce_min3A_302 = vector.broadcast %reduce_min3A_301 : i1 to vector<16xi1>
      %reduce_min3A_303 = arith.constant -2147483648 : i32
      %reduce_min3A_304 = vector.broadcast %reduce_min3A_303 : i32 to vector<16xi32>
      %reduce_min3A_305 = arith.xori %select_n3A_300, %reduce_min3A_304 : vector<16xi32>
      %reduce_min3A_306 = tpu.scan <min>, %reduce_min3A_305 masked %reduce_min3A_302 : vector<16xi32>, vector<16xi1> -> vector<16xi32>
      %reduce_min3A_307 = arith.xori %reduce_min3A_306, %reduce_min3A_304 : vector<16xi32>
      %reduce_min3A_308 = vector.extract %reduce_min3A_307[15] : i32 from vector<16xi32>
      %eq3A_309 = arith.constant 3 : i32
      %eq3A_310 = vector.broadcast %eq3A_309 : i32 to vector<16xi32>
      %eq3A_311 = arith.cmpi eq, %iota3A, %eq3A_310 : vector<16xi32>
      %jit3A_312 = arith.constant 1073741824 : i32
      %broadcast_in_dim3A_313 = vector.broadcast %jit3A_312 : i32 to vector<16xi32>
      %select_n3A_314 = arith.select %eq3A_311, %min3A_181, %broadcast_in_dim3A_313 : vector<16xi1>, vector<16xi32>
      %reduce_min3A_315 = arith.constant true
      %reduce_min3A_316 = vector.broadcast %reduce_min3A_315 : i1 to vector<16xi1>
      %reduce_min3A_317 = arith.constant -2147483648 : i32
      %reduce_min3A_318 = vector.broadcast %reduce_min3A_317 : i32 to vector<16xi32>
      %reduce_min3A_319 = arith.xori %select_n3A_314, %reduce_min3A_318 : vector<16xi32>
      %reduce_min3A_320 = tpu.scan <min>, %reduce_min3A_319 masked %reduce_min3A_316 : vector<16xi32>, vector<16xi1> -> vector<16xi32>
      %reduce_min3A_321 = arith.xori %reduce_min3A_320, %reduce_min3A_318 : vector<16xi32>
      %reduce_min3A_322 = vector.extract %reduce_min3A_321[15] : i32 from vector<16xi32>
      %eq3A_323 = arith.constant 4 : i32
      %eq3A_324 = vector.broadcast %eq3A_323 : i32 to vector<16xi32>
      %eq3A_325 = arith.cmpi eq, %iota3A, %eq3A_324 : vector<16xi32>
      %jit3A_326 = arith.constant 1073741824 : i32
      %broadcast_in_dim3A_327 = vector.broadcast %jit3A_326 : i32 to vector<16xi32>
      %select_n3A_328 = arith.select %eq3A_325, %min3A_181, %broadcast_in_dim3A_327 : vector<16xi1>, vector<16xi32>
      %reduce_min3A_329 = arith.constant true
      %reduce_min3A_330 = vector.broadcast %reduce_min3A_329 : i1 to vector<16xi1>
      %reduce_min3A_331 = arith.constant -2147483648 : i32
      %reduce_min3A_332 = vector.broadcast %reduce_min3A_331 : i32 to vector<16xi32>
      %reduce_min3A_333 = arith.xori %select_n3A_328, %reduce_min3A_332 : vector<16xi32>
      %reduce_min3A_334 = tpu.scan <min>, %reduce_min3A_333 masked %reduce_min3A_330 : vector<16xi32>, vector<16xi1> -> vector<16xi32>
      %reduce_min3A_335 = arith.xori %reduce_min3A_334, %reduce_min3A_332 : vector<16xi32>
      %reduce_min3A_336 = vector.extract %reduce_min3A_335[15] : i32 from vector<16xi32>
      %shift_right_arithmetic3A = arith.constant 3 : i32
      %shift_right_arithmetic3A_337 = arith.shrsi %scan3A_11, %shift_right_arithmetic3A : i32
      %shift_left3A = arith.constant 3 : i32
      %shift_left3A_338 = arith.shli %shift_right_arithmetic3A_337, %shift_left3A : i32
      %add3A_339 = arith.addi %mul3A_2, %shift_left3A_338 : i32
      %multiple_of3A = tpu.assume_multiple %add3A_339, 8 : i32
      %and3A = arith.constant 7 : i32
      %and3A_340 = arith.andi %scan3A_11, %and3A : i32
      %multiple_of3A_341 = tpu.assume_multiple %reduce_min3A_198, 128 : i32
      %dma_start3A = arith.constant 0 : i32
      %dma_start3A_342 = arith.constant 0 : i32
      %dma_start3A_343 = arith.constant 0 : i32
      %dma_start3A_344 = tpu.memref_slice %arg6[%dma_start3A, %dma_start3A_342, %dma_start3A_343] : memref<5x8x128xf32, #tpu.memory_space<vmem>> -> memref<1x8x128xf32, #tpu.memory_space<vmem>>
      %dma_start3A_345 = tpu.memref_squeeze %dma_start3A_344 : memref<1x8x128xf32, #tpu.memory_space<vmem>> -> memref<8x128xf32, #tpu.memory_space<vmem>>
      %dma_start3A_346 = tpu.memref_slice %arg3[%multiple_of3A, %multiple_of3A_341] : memref<1024x100000xf32, #tpu.memory_space<hbm>> -> memref<8x128xf32, #tpu.memory_space<hbm>>
      %dma_start3A_347 = arith.constant 0 : i32
      %dma_start3A_348 = arith.constant 0 : i32
      %dma_start3A_349 = tpu.memref_slice %arg6[%dma_start3A, %dma_start3A_347, %dma_start3A_348] : memref<5x8x128xf32, #tpu.memory_space<vmem>> -> memref<1x8x128xf32, #tpu.memory_space<vmem>>
      %dma_start3A_350 = tpu.memref_squeeze %dma_start3A_349 : memref<1x8x128xf32, #tpu.memory_space<vmem>> -> memref<8x128xf32, #tpu.memory_space<vmem>>
      %dma_start3A_351 = tpu.memref_slice %arg3[%multiple_of3A, %multiple_of3A_341] : memref<1024x100000xf32, #tpu.memory_space<hbm>> -> memref<8x128xf32, #tpu.memory_space<hbm>>
      tpu.enqueue_dma source(%dma_start3A_351 : memref<8x128xf32, #tpu.memory_space<hbm>>) target(%dma_start3A_350 : memref<8x128xf32, #tpu.memory_space<vmem>>) target_semaphore(%arg8 : memref<!tpu.dma_semaphore, #tpu.memory_space<semaphore_mem>>)
      %multiple_of3A_352 = tpu.assume_multiple %reduce_min3A_215, 128 : i32
      %dma_start3A_353 = arith.constant 1 : i32
      %dma_start3A_354 = arith.constant 0 : i32
      %dma_start3A_355 = arith.constant 0 : i32
      %dma_start3A_356 = tpu.memref_slice %arg6[%dma_start3A_353, %dma_start3A_354, %dma_start3A_355] : memref<5x8x128xf32, #tpu.memory_space<vmem>> -> memref<1x8x128xf32, #tpu.memory_space<vmem>>
      %dma_start3A_357 = tpu.memref_squeeze %dma_start3A_356 : memref<1x8x128xf32, #tpu.memory_space<vmem>> -> memref<8x128xf32, #tpu.memory_space<vmem>>
      %dma_start3A_358 = tpu.memref_slice %arg3[%multiple_of3A, %multiple_of3A_352] : memref<1024x100000xf32, #tpu.memory_space<hbm>> -> memref<8x128xf32, #tpu.memory_space<hbm>>
      %dma_start3A_359 = arith.constant 0 : i32
      %dma_start3A_360 = arith.constant 0 : i32
      %dma_start3A_361 = tpu.memref_slice %arg6[%dma_start3A_353, %dma_start3A_359, %dma_start3A_360] : memref<5x8x128xf32, #tpu.memory_space<vmem>> -> memref<1x8x128xf32, #tpu.memory_space<vmem>>
      %dma_start3A_362 = tpu.memref_squeeze %dma_start3A_361 : memref<1x8x128xf32, #tpu.memory_space<vmem>> -> memref<8x128xf32, #tpu.memory_space<vmem>>
      %dma_start3A_363 = tpu.memref_slice %arg3[%multiple_of3A, %multiple_of3A_352] : memref<1024x100000xf32, #tpu.memory_space<hbm>> -> memref<8x128xf32, #tpu.memory_space<hbm>>
      tpu.enqueue_dma source(%dma_start3A_363 : memref<8x128xf32, #tpu.memory_space<hbm>>) target(%dma_start3A_362 : memref<8x128xf32, #tpu.memory_space<vmem>>) target_semaphore(%arg8 : memref<!tpu.dma_semaphore, #tpu.memory_space<semaphore_mem>>)
      %multiple_of3A_364 = tpu.assume_multiple %reduce_min3A_232, 128 : i32
      %dma_start3A_365 = arith.constant 2 : i32
      %dma_start3A_366 = arith.constant 0 : i32
      %dma_start3A_367 = arith.constant 0 : i32
      %dma_start3A_368 = tpu.memref_slice %arg6[%dma_start3A_365, %dma_start3A_366, %dma_start3A_367] : memref<5x8x128xf32, #tpu.memory_space<vmem>> -> memref<1x8x128xf32, #tpu.memory_space<vmem>>
      %dma_start3A_369 = tpu.memref_squeeze %dma_start3A_368 : memref<1x8x128xf32, #tpu.memory_space<vmem>> -> memref<8x128xf32, #tpu.memory_space<vmem>>
      %dma_start3A_370 = tpu.memref_slice %arg3[%multiple_of3A, %multiple_of3A_364] : memref<1024x100000xf32, #tpu.memory_space<hbm>> -> memref<8x128xf32, #tpu.memory_space<hbm>>
      %dma_start3A_371 = arith.constant 0 : i32
      %dma_start3A_372 = arith.constant 0 : i32
      %dma_start3A_373 = tpu.memref_slice %arg6[%dma_start3A_365, %dma_start3A_371, %dma_start3A_372] : memref<5x8x128xf32, #tpu.memory_space<vmem>> -> memref<1x8x128xf32, #tpu.memory_space<vmem>>
      %dma_start3A_374 = tpu.memref_squeeze %dma_start3A_373 : memref<1x8x128xf32, #tpu.memory_space<vmem>> -> memref<8x128xf32, #tpu.memory_space<vmem>>
      %dma_start3A_375 = tpu.memref_slice %arg3[%multiple_of3A, %multiple_of3A_364] : memref<1024x100000xf32, #tpu.memory_space<hbm>> -> memref<8x128xf32, #tpu.memory_space<hbm>>
      tpu.enqueue_dma source(%dma_start3A_375 : memref<8x128xf32, #tpu.memory_space<hbm>>) target(%dma_start3A_374 : memref<8x128xf32, #tpu.memory_space<vmem>>) target_semaphore(%arg8 : memref<!tpu.dma_semaphore, #tpu.memory_space<semaphore_mem>>)
      %multiple_of3A_376 = tpu.assume_multiple %reduce_min3A_249, 128 : i32
      %dma_start3A_377 = arith.constant 3 : i32
      %dma_start3A_378 = arith.constant 0 : i32
      %dma_start3A_379 = arith.constant 0 : i32
      %dma_start3A_380 = tpu.memref_slice %arg6[%dma_start3A_377, %dma_start3A_378, %dma_start3A_379] : memref<5x8x128xf32, #tpu.memory_space<vmem>> -> memref<1x8x128xf32, #tpu.memory_space<vmem>>
      %dma_start3A_381 = tpu.memref_squeeze %dma_start3A_380 : memref<1x8x128xf32, #tpu.memory_space<vmem>> -> memref<8x128xf32, #tpu.memory_space<vmem>>
      %dma_start3A_382 = tpu.memref_slice %arg3[%multiple_of3A, %multiple_of3A_376] : memref<1024x100000xf32, #tpu.memory_space<hbm>> -> memref<8x128xf32, #tpu.memory_space<hbm>>
      %dma_start3A_383 = arith.constant 0 : i32
      %dma_start3A_384 = arith.constant 0 : i32
      %dma_start3A_385 = tpu.memref_slice %arg6[%dma_start3A_377, %dma_start3A_383, %dma_start3A_384] : memref<5x8x128xf32, #tpu.memory_space<vmem>> -> memref<1x8x128xf32, #tpu.memory_space<vmem>>
      %dma_start3A_386 = tpu.memref_squeeze %dma_start3A_385 : memref<1x8x128xf32, #tpu.memory_space<vmem>> -> memref<8x128xf32, #tpu.memory_space<vmem>>
      %dma_start3A_387 = tpu.memref_slice %arg3[%multiple_of3A, %multiple_of3A_376] : memref<1024x100000xf32, #tpu.memory_space<hbm>> -> memref<8x128xf32, #tpu.memory_space<hbm>>
      tpu.enqueue_dma source(%dma_start3A_387 : memref<8x128xf32, #tpu.memory_space<hbm>>) target(%dma_start3A_386 : memref<8x128xf32, #tpu.memory_space<vmem>>) target_semaphore(%arg8 : memref<!tpu.dma_semaphore, #tpu.memory_space<semaphore_mem>>)
      %multiple_of3A_388 = tpu.assume_multiple %reduce_min3A_266, 128 : i32
      %dma_start3A_389 = arith.constant 4 : i32
      %dma_start3A_390 = arith.constant 0 : i32
      %dma_start3A_391 = arith.constant 0 : i32
      %dma_start3A_392 = tpu.memref_slice %arg6[%dma_start3A_389, %dma_start3A_390, %dma_start3A_391] : memref<5x8x128xf32, #tpu.memory_space<vmem>> -> memref<1x8x128xf32, #tpu.memory_space<vmem>>
      %dma_start3A_393 = tpu.memref_squeeze %dma_start3A_392 : memref<1x8x128xf32, #tpu.memory_space<vmem>> -> memref<8x128xf32, #tpu.memory_space<vmem>>
      %dma_start3A_394 = tpu.memref_slice %arg3[%multiple_of3A, %multiple_of3A_388] : memref<1024x100000xf32, #tpu.memory_space<hbm>> -> memref<8x128xf32, #tpu.memory_space<hbm>>
      %dma_start3A_395 = arith.constant 0 : i32
      %dma_start3A_396 = arith.constant 0 : i32
      %dma_start3A_397 = tpu.memref_slice %arg6[%dma_start3A_389, %dma_start3A_395, %dma_start3A_396] : memref<5x8x128xf32, #tpu.memory_space<vmem>> -> memref<1x8x128xf32, #tpu.memory_space<vmem>>
      %dma_start3A_398 = tpu.memref_squeeze %dma_start3A_397 : memref<1x8x128xf32, #tpu.memory_space<vmem>> -> memref<8x128xf32, #tpu.memory_space<vmem>>
      %dma_start3A_399 = tpu.memref_slice %arg3[%multiple_of3A, %multiple_of3A_388] : memref<1024x100000xf32, #tpu.memory_space<hbm>> -> memref<8x128xf32, #tpu.memory_space<hbm>>
      tpu.enqueue_dma source(%dma_start3A_399 : memref<8x128xf32, #tpu.memory_space<hbm>>) target(%dma_start3A_398 : memref<8x128xf32, #tpu.memory_space<vmem>>) target_semaphore(%arg8 : memref<!tpu.dma_semaphore, #tpu.memory_space<semaphore_mem>>)
      %dma_wait3A = arith.constant 0 : i32
      %dma_wait3A_400 = arith.constant 0 : i32
      %dma_wait3A_401 = arith.constant 0 : i32
      %dma_wait3A_402 = tpu.memref_slice %arg6[%dma_wait3A, %dma_wait3A_400, %dma_wait3A_401] : memref<5x8x128xf32, #tpu.memory_space<vmem>> -> memref<1x8x128xf32, #tpu.memory_space<vmem>>
      %dma_wait3A_403 = tpu.memref_squeeze %dma_wait3A_402 : memref<1x8x128xf32, #tpu.memory_space<vmem>> -> memref<8x128xf32, #tpu.memory_space<vmem>>
      %dma_wait3A_404 = tpu.memref_slice %arg3[%multiple_of3A, %multiple_of3A_341] : memref<1024x100000xf32, #tpu.memory_space<hbm>> -> memref<8x128xf32, #tpu.memory_space<hbm>>
      %dma_wait3A_405 = arith.constant 0 : i32
      %dma_wait3A_406 = arith.constant 0 : i32
      %dma_wait3A_407 = tpu.memref_slice %arg6[%dma_wait3A, %dma_wait3A_405, %dma_wait3A_406] : memref<5x8x128xf32, #tpu.memory_space<vmem>> -> memref<1x8x128xf32, #tpu.memory_space<vmem>>
      %dma_wait3A_408 = tpu.memref_squeeze %dma_wait3A_407 : memref<1x8x128xf32, #tpu.memory_space<vmem>> -> memref<8x128xf32, #tpu.memory_space<vmem>>
      %dma_wait3A_409 = tpu.memref_slice %arg3[%multiple_of3A, %multiple_of3A_341] : memref<1024x100000xf32, #tpu.memory_space<hbm>> -> memref<8x128xf32, #tpu.memory_space<hbm>>
      tpu.wait_dma2 semaphore(%arg8 : memref<!tpu.dma_semaphore, #tpu.memory_space<semaphore_mem>>) src(%dma_wait3A_409 : memref<8x128xf32, #tpu.memory_space<hbm>>) dst(%dma_wait3A_408 : memref<8x128xf32, #tpu.memory_space<vmem>>)
      %dma_wait3A_410 = arith.constant 1 : i32
      %dma_wait3A_411 = arith.constant 0 : i32
      %dma_wait3A_412 = arith.constant 0 : i32
      %dma_wait3A_413 = tpu.memref_slice %arg6[%dma_wait3A_410, %dma_wait3A_411, %dma_wait3A_412] : memref<5x8x128xf32, #tpu.memory_space<vmem>> -> memref<1x8x128xf32, #tpu.memory_space<vmem>>
      %dma_wait3A_414 = tpu.memref_squeeze %dma_wait3A_413 : memref<1x8x128xf32, #tpu.memory_space<vmem>> -> memref<8x128xf32, #tpu.memory_space<vmem>>
      %dma_wait3A_415 = tpu.memref_slice %arg3[%multiple_of3A, %multiple_of3A_352] : memref<1024x100000xf32, #tpu.memory_space<hbm>> -> memref<8x128xf32, #tpu.memory_space<hbm>>
      %dma_wait3A_416 = arith.constant 0 : i32
      %dma_wait3A_417 = arith.constant 0 : i32
      %dma_wait3A_418 = tpu.memref_slice %arg6[%dma_wait3A_410, %dma_wait3A_416, %dma_wait3A_417] : memref<5x8x128xf32, #tpu.memory_space<vmem>> -> memref<1x8x128xf32, #tpu.memory_space<vmem>>
      %dma_wait3A_419 = tpu.memref_squeeze %dma_wait3A_418 : memref<1x8x128xf32, #tpu.memory_space<vmem>> -> memref<8x128xf32, #tpu.memory_space<vmem>>
      %dma_wait3A_420 = tpu.memref_slice %arg3[%multiple_of3A, %multiple_of3A_352] : memref<1024x100000xf32, #tpu.memory_space<hbm>> -> memref<8x128xf32, #tpu.memory_space<hbm>>
      tpu.wait_dma2 semaphore(%arg8 : memref<!tpu.dma_semaphore, #tpu.memory_space<semaphore_mem>>) src(%dma_wait3A_420 : memref<8x128xf32, #tpu.memory_space<hbm>>) dst(%dma_wait3A_419 : memref<8x128xf32, #tpu.memory_space<vmem>>)
      %dma_wait3A_421 = arith.constant 2 : i32
      %dma_wait3A_422 = arith.constant 0 : i32
      %dma_wait3A_423 = arith.constant 0 : i32
      %dma_wait3A_424 = tpu.memref_slice %arg6[%dma_wait3A_421, %dma_wait3A_422, %dma_wait3A_423] : memref<5x8x128xf32, #tpu.memory_space<vmem>> -> memref<1x8x128xf32, #tpu.memory_space<vmem>>
      %dma_wait3A_425 = tpu.memref_squeeze %dma_wait3A_424 : memref<1x8x128xf32, #tpu.memory_space<vmem>> -> memref<8x128xf32, #tpu.memory_space<vmem>>
      %dma_wait3A_426 = tpu.memref_slice %arg3[%multiple_of3A, %multiple_of3A_364] : memref<1024x100000xf32, #tpu.memory_space<hbm>> -> memref<8x128xf32, #tpu.memory_space<hbm>>
      %dma_wait3A_427 = arith.constant 0 : i32
      %dma_wait3A_428 = arith.constant 0 : i32
      %dma_wait3A_429 = tpu.memref_slice %arg6[%dma_wait3A_421, %dma_wait3A_427, %dma_wait3A_428] : memref<5x8x128xf32, #tpu.memory_space<vmem>> -> memref<1x8x128xf32, #tpu.memory_space<vmem>>
      %dma_wait3A_430 = tpu.memref_squeeze %dma_wait3A_429 : memref<1x8x128xf32, #tpu.memory_space<vmem>> -> memref<8x128xf32, #tpu.memory_space<vmem>>
      %dma_wait3A_431 = tpu.memref_slice %arg3[%multiple_of3A, %multiple_of3A_364] : memref<1024x100000xf32, #tpu.memory_space<hbm>> -> memref<8x128xf32, #tpu.memory_space<hbm>>
      tpu.wait_dma2 semaphore(%arg8 : memref<!tpu.dma_semaphore, #tpu.memory_space<semaphore_mem>>) src(%dma_wait3A_431 : memref<8x128xf32, #tpu.memory_space<hbm>>) dst(%dma_wait3A_430 : memref<8x128xf32, #tpu.memory_space<vmem>>)
      %dma_wait3A_432 = arith.constant 3 : i32
      %dma_wait3A_433 = arith.constant 0 : i32
      %dma_wait3A_434 = arith.constant 0 : i32
      %dma_wait3A_435 = tpu.memref_slice %arg6[%dma_wait3A_432, %dma_wait3A_433, %dma_wait3A_434] : memref<5x8x128xf32, #tpu.memory_space<vmem>> -> memref<1x8x128xf32, #tpu.memory_space<vmem>>
      %dma_wait3A_436 = tpu.memref_squeeze %dma_wait3A_435 : memref<1x8x128xf32, #tpu.memory_space<vmem>> -> memref<8x128xf32, #tpu.memory_space<vmem>>
      %dma_wait3A_437 = tpu.memref_slice %arg3[%multiple_of3A, %multiple_of3A_376] : memref<1024x100000xf32, #tpu.memory_space<hbm>> -> memref<8x128xf32, #tpu.memory_space<hbm>>
      %dma_wait3A_438 = arith.constant 0 : i32
      %dma_wait3A_439 = arith.constant 0 : i32
      %dma_wait3A_440 = tpu.memref_slice %arg6[%dma_wait3A_432, %dma_wait3A_438, %dma_wait3A_439] : memref<5x8x128xf32, #tpu.memory_space<vmem>> -> memref<1x8x128xf32, #tpu.memory_space<vmem>>
      %dma_wait3A_441 = tpu.memref_squeeze %dma_wait3A_440 : memref<1x8x128xf32, #tpu.memory_space<vmem>> -> memref<8x128xf32, #tpu.memory_space<vmem>>
      %dma_wait3A_442 = tpu.memref_slice %arg3[%multiple_of3A, %multiple_of3A_376] : memref<1024x100000xf32, #tpu.memory_space<hbm>> -> memref<8x128xf32, #tpu.memory_space<hbm>>
      tpu.wait_dma2 semaphore(%arg8 : memref<!tpu.dma_semaphore, #tpu.memory_space<semaphore_mem>>) src(%dma_wait3A_442 : memref<8x128xf32, #tpu.memory_space<hbm>>) dst(%dma_wait3A_441 : memref<8x128xf32, #tpu.memory_space<vmem>>)
      %dma_wait3A_443 = arith.constant 4 : i32
      %dma_wait3A_444 = arith.constant 0 : i32
      %dma_wait3A_445 = arith.constant 0 : i32
      %dma_wait3A_446 = tpu.memref_slice %arg6[%dma_wait3A_443, %dma_wait3A_444, %dma_wait3A_445] : memref<5x8x128xf32, #tpu.memory_space<vmem>> -> memref<1x8x128xf32, #tpu.memory_space<vmem>>
      %dma_wait3A_447 = tpu.memref_squeeze %dma_wait3A_446 : memref<1x8x128xf32, #tpu.memory_space<vmem>> -> memref<8x128xf32, #tpu.memory_space<vmem>>
      %dma_wait3A_448 = tpu.memref_slice %arg3[%multiple_of3A, %multiple_of3A_388] : memref<1024x100000xf32, #tpu.memory_space<hbm>> -> memref<8x128xf32, #tpu.memory_space<hbm>>
      %dma_wait3A_449 = arith.constant 0 : i32
      %dma_wait3A_450 = arith.constant 0 : i32
      %dma_wait3A_451 = tpu.memref_slice %arg6[%dma_wait3A_443, %dma_wait3A_449, %dma_wait3A_450] : memref<5x8x128xf32, #tpu.memory_space<vmem>> -> memref<1x8x128xf32, #tpu.memory_space<vmem>>
      %dma_wait3A_452 = tpu.memref_squeeze %dma_wait3A_451 : memref<1x8x128xf32, #tpu.memory_space<vmem>> -> memref<8x128xf32, #tpu.memory_space<vmem>>
      %dma_wait3A_453 = tpu.memref_slice %arg3[%multiple_of3A, %multiple_of3A_388] : memref<1024x100000xf32, #tpu.memory_space<hbm>> -> memref<8x128xf32, #tpu.memory_space<hbm>>
      tpu.wait_dma2 semaphore(%arg8 : memref<!tpu.dma_semaphore, #tpu.memory_space<semaphore_mem>>) src(%dma_wait3A_453 : memref<8x128xf32, #tpu.memory_space<hbm>>) dst(%dma_wait3A_452 : memref<8x128xf32, #tpu.memory_space<vmem>>)
      %broadcast_in_dim3A_454 = arith.constant 0 : i32
      %broadcast_in_dim3A_455 = vector.broadcast %broadcast_in_dim3A_454 : i32 to vector<16xi32>
      %broadcast_in_dim3A_456 = arith.constant 0 : i32
      %broadcast_in_dim3A_457 = vector.broadcast %broadcast_in_dim3A_456 : i32 to vector<16xi32>
      %broadcast_in_dim3A_458 = arith.constant 0 : i32
      %broadcast_in_dim3A_459 = vector.broadcast %broadcast_in_dim3A_458 : i32 to vector<16xi32>
      %scan3A_460 = arith.constant 0 : i32
      %scan3A_461 = arith.constant 8 : i32
      %scan3A_462 = arith.addi %scan3A_460, %scan3A_461 : i32
      %scan3A_463 = arith.constant 1 : i32
      %scan3A_464:3 = scf.for %scan3A_843 = %scan3A_460 to %scan3A_462 step %scan3A_463 iter_args(%scan3A_844 = %broadcast_in_dim3A_5, %scan3A_845 = %broadcast_in_dim3A_457, %scan3A_846 = %broadcast_in_dim3A_459) -> (vector<16xf32>, vector<16xi32>, vector<16xi32>)  : i32 {
        %mul3A_847 = arith.constant 16 : i32
        %mul3A_848 = arith.muli %scan3A_843, %mul3A_847 : i32
        %get3A = arith.constant 0 : i32
        %get3A_849 = arith.index_cast %get3A : i32 to index
        %get3A_850 = arith.index_cast %and3A_340 : i32 to index
        %get3A_851 = arith.index_cast %mul3A_848 : i32 to index
        %get3A_852 = tpu.vector_load %arg6[%get3A_849, %get3A_850, %get3A_851] {strides = array<i32>} : memref<5x8x128xf32, #tpu.memory_space<vmem>>, vector<16xf32>,
        %mul3A_853 = arith.constant 16 : i32
        %mul3A_854 = arith.muli %scan3A_843, %mul3A_853 : i32
        %add3A_855 = arith.addi %reduce_min3A_198, %mul3A_854 : i32
        %add3A_856 = vector.broadcast %add3A_855 : i32 to vector<16xi32>
        %add3A_857 = arith.addi %add3A_856, %iota3A : vector<16xi32>
        %mul3A_858 = arith.constant 16 : i32
        %mul3A_859 = arith.muli %scan3A_843, %mul3A_858 : i32
        %add3A_860 = arith.constant 0 : i32
        %add3A_861 = arith.addi %add3A_860, %mul3A_859 : i32
        %add3A_862 = vector.broadcast %add3A_861 : i32 to vector<16xi32>
        %add3A_863 = arith.addi %add3A_862, %iota3A : vector<16xi32>
        %lt3A = vector.broadcast %reduce_min3A_280 : i32 to vector<16xi32>
        %lt3A_864 = arith.cmpi slt, %add3A_857, %lt3A : vector<16xi32>
        %jit3A_865 = arith.constant 0x7F800000 : f32
        %broadcast_in_dim3A_866 = vector.broadcast %jit3A_865 : f32 to vector<16xf32>
        %select_n3A_867 = arith.select %lt3A_864, %get3A_852, %broadcast_in_dim3A_866 : vector<16xi1>, vector<16xf32>
        %lt3A_868 = arith.cmpf olt, %select_n3A_867, %scan3A_844 : vector<16xf32>
        %select_n3A_869 = arith.select %lt3A_868, %select_n3A_867, %scan3A_844 : vector<16xi1>, vector<16xf32>
        %select_n3A_870 = arith.select %lt3A_868, %add3A_857, %scan3A_845 : vector<16xi1>, vector<16xi32>
        %select_n3A_871 = arith.select %lt3A_868, %add3A_863, %scan3A_846 : vector<16xi1>, vector<16xi32>
        scf.yield %select_n3A_869, %select_n3A_870, %select_n3A_871 : vector<16xf32>, vector<16xi32>, vector<16xi32>
      }
      %scan3A_465 = arith.constant 8 : i32
      %scan3A_466 = arith.constant 0 : i32
      %scan3A_467 = arith.constant 8 : i32
      %scan3A_468 = arith.addi %scan3A_466, %scan3A_467 : i32
      %scan3A_469 = arith.constant 1 : i32
      %scan3A_470:3 = scf.for %scan3A_843 = %scan3A_466 to %scan3A_468 step %scan3A_469 iter_args(%scan3A_844 = %scan3A_464#0, %scan3A_845 = %scan3A_464#1, %scan3A_846 = %scan3A_464#2) -> (vector<16xf32>, vector<16xi32>, vector<16xi32>)  : i32 {
        %mul3A_847 = arith.constant 16 : i32
        %mul3A_848 = arith.muli %scan3A_843, %mul3A_847 : i32
        %get3A = arith.constant 1 : i32
        %get3A_849 = arith.index_cast %get3A : i32 to index
        %get3A_850 = arith.index_cast %and3A_340 : i32 to index
        %get3A_851 = arith.index_cast %mul3A_848 : i32 to index
        %get3A_852 = tpu.vector_load %arg6[%get3A_849, %get3A_850, %get3A_851] {strides = array<i32>} : memref<5x8x128xf32, #tpu.memory_space<vmem>>, vector<16xf32>,
        %mul3A_853 = arith.constant 16 : i32
        %mul3A_854 = arith.muli %scan3A_843, %mul3A_853 : i32
        %add3A_855 = arith.addi %reduce_min3A_215, %mul3A_854 : i32
        %add3A_856 = vector.broadcast %add3A_855 : i32 to vector<16xi32>
        %add3A_857 = arith.addi %add3A_856, %iota3A : vector<16xi32>
        %mul3A_858 = arith.constant 16 : i32
        %mul3A_859 = arith.muli %scan3A_843, %mul3A_858 : i32
        %add3A_860 = arith.constant 128 : i32
        %add3A_861 = arith.addi %add3A_860, %mul3A_859 : i32
        %add3A_862 = vector.broadcast %add3A_861 : i32 to vector<16xi32>
        %add3A_863 = arith.addi %add3A_862, %iota3A : vector<16xi32>
        %lt3A = vector.broadcast %reduce_min3A_294 : i32 to vector<16xi32>
        %lt3A_864 = arith.cmpi slt, %add3A_857, %lt3A : vector<16xi32>
        %jit3A_865 = arith.constant 0x7F800000 : f32
        %broadcast_in_dim3A_866 = vector.broadcast %jit3A_865 : f32 to vector<16xf32>
        %select_n3A_867 = arith.select %lt3A_864, %get3A_852, %broadcast_in_dim3A_866 : vector<16xi1>, vector<16xf32>
        %lt3A_868 = arith.cmpf olt, %select_n3A_867, %scan3A_844 : vector<16xf32>
        %select_n3A_869 = arith.select %lt3A_868, %select_n3A_867, %scan3A_844 : vector<16xi1>, vector<16xf32>
        %select_n3A_870 = arith.select %lt3A_868, %add3A_857, %scan3A_845 : vector<16xi1>, vector<16xi32>
        %select_n3A_871 = arith.select %lt3A_868, %add3A_863, %scan3A_846 : vector<16xi1>, vector<16xi32>
        scf.yield %select_n3A_869, %select_n3A_870, %select_n3A_871 : vector<16xf32>, vector<16xi32>, vector<16xi32>
      }
      %scan3A_471 = arith.constant 8 : i32
      %scan3A_472 = arith.constant 0 : i32
      %scan3A_473 = arith.constant 8 : i32
      %scan3A_474 = arith.addi %scan3A_472, %scan3A_473 : i32
      %scan3A_475 = arith.constant 1 : i32
      %scan3A_476:3 = scf.for %scan3A_843 = %scan3A_472 to %scan3A_474 step %scan3A_475 iter_args(%scan3A_844 = %scan3A_470#0, %scan3A_845 = %scan3A_470#1, %scan3A_846 = %scan3A_470#2) -> (vector<16xf32>, vector<16xi32>, vector<16xi32>)  : i32 {
        %mul3A_847 = arith.constant 16 : i32
        %mul3A_848 = arith.muli %scan3A_843, %mul3A_847 : i32
        %get3A = arith.constant 2 : i32
        %get3A_849 = arith.index_cast %get3A : i32 to index
        %get3A_850 = arith.index_cast %and3A_340 : i32 to index
        %get3A_851 = arith.index_cast %mul3A_848 : i32 to index
        %get3A_852 = tpu.vector_load %arg6[%get3A_849, %get3A_850, %get3A_851] {strides = array<i32>} : memref<5x8x128xf32, #tpu.memory_space<vmem>>, vector<16xf32>,
        %mul3A_853 = arith.constant 16 : i32
        %mul3A_854 = arith.muli %scan3A_843, %mul3A_853 : i32
        %add3A_855 = arith.addi %reduce_min3A_232, %mul3A_854 : i32
        %add3A_856 = vector.broadcast %add3A_855 : i32 to vector<16xi32>
        %add3A_857 = arith.addi %add3A_856, %iota3A : vector<16xi32>
        %mul3A_858 = arith.constant 16 : i32
        %mul3A_859 = arith.muli %scan3A_843, %mul3A_858 : i32
        %add3A_860 = arith.constant 256 : i32
        %add3A_861 = arith.addi %add3A_860, %mul3A_859 : i32
        %add3A_862 = vector.broadcast %add3A_861 : i32 to vector<16xi32>
        %add3A_863 = arith.addi %add3A_862, %iota3A : vector<16xi32>
        %lt3A = vector.broadcast %reduce_min3A_308 : i32 to vector<16xi32>
        %lt3A_864 = arith.cmpi slt, %add3A_857, %lt3A : vector<16xi32>
        %jit3A_865 = arith.constant 0x7F800000 : f32
        %broadcast_in_dim3A_866 = vector.broadcast %jit3A_865 : f32 to vector<16xf32>
        %select_n3A_867 = arith.select %lt3A_864, %get3A_852, %broadcast_in_dim3A_866 : vector<16xi1>, vector<16xf32>
        %lt3A_868 = arith.cmpf olt, %select_n3A_867, %scan3A_844 : vector<16xf32>
        %select_n3A_869 = arith.select %lt3A_868, %select_n3A_867, %scan3A_844 : vector<16xi1>, vector<16xf32>
        %select_n3A_870 = arith.select %lt3A_868, %add3A_857, %scan3A_845 : vector<16xi1>, vector<16xi32>
        %select_n3A_871 = arith.select %lt3A_868, %add3A_863, %scan3A_846 : vector<16xi1>, vector<16xi32>
        scf.yield %select_n3A_869, %select_n3A_870, %select_n3A_871 : vector<16xf32>, vector<16xi32>, vector<16xi32>
      }
      %scan3A_477 = arith.constant 8 : i32
      %scan3A_478 = arith.constant 0 : i32
      %scan3A_479 = arith.constant 8 : i32
      %scan3A_480 = arith.addi %scan3A_478, %scan3A_479 : i32
      %scan3A_481 = arith.constant 1 : i32
      %scan3A_482:3 = scf.for %scan3A_843 = %scan3A_478 to %scan3A_480 step %scan3A_481 iter_args(%scan3A_844 = %scan3A_476#0, %scan3A_845 = %scan3A_476#1, %scan3A_846 = %scan3A_476#2) -> (vector<16xf32>, vector<16xi32>, vector<16xi32>)  : i32 {
        %mul3A_847 = arith.constant 16 : i32
        %mul3A_848 = arith.muli %scan3A_843, %mul3A_847 : i32
        %get3A = arith.constant 3 : i32
        %get3A_849 = arith.index_cast %get3A : i32 to index
        %get3A_850 = arith.index_cast %and3A_340 : i32 to index
        %get3A_851 = arith.index_cast %mul3A_848 : i32 to index
        %get3A_852 = tpu.vector_load %arg6[%get3A_849, %get3A_850, %get3A_851] {strides = array<i32>} : memref<5x8x128xf32, #tpu.memory_space<vmem>>, vector<16xf32>,
        %mul3A_853 = arith.constant 16 : i32
        %mul3A_854 = arith.muli %scan3A_843, %mul3A_853 : i32
        %add3A_855 = arith.addi %reduce_min3A_249, %mul3A_854 : i32
        %add3A_856 = vector.broadcast %add3A_855 : i32 to vector<16xi32>
        %add3A_857 = arith.addi %add3A_856, %iota3A : vector<16xi32>
        %mul3A_858 = arith.constant 16 : i32
        %mul3A_859 = arith.muli %scan3A_843, %mul3A_858 : i32
        %add3A_860 = arith.constant 384 : i32
        %add3A_861 = arith.addi %add3A_860, %mul3A_859 : i32
        %add3A_862 = vector.broadcast %add3A_861 : i32 to vector<16xi32>
        %add3A_863 = arith.addi %add3A_862, %iota3A : vector<16xi32>
        %lt3A = vector.broadcast %reduce_min3A_322 : i32 to vector<16xi32>
        %lt3A_864 = arith.cmpi slt, %add3A_857, %lt3A : vector<16xi32>
        %jit3A_865 = arith.constant 0x7F800000 : f32
        %broadcast_in_dim3A_866 = vector.broadcast %jit3A_865 : f32 to vector<16xf32>
        %select_n3A_867 = arith.select %lt3A_864, %get3A_852, %broadcast_in_dim3A_866 : vector<16xi1>, vector<16xf32>
        %lt3A_868 = arith.cmpf olt, %select_n3A_867, %scan3A_844 : vector<16xf32>
        %select_n3A_869 = arith.select %lt3A_868, %select_n3A_867, %scan3A_844 : vector<16xi1>, vector<16xf32>
        %select_n3A_870 = arith.select %lt3A_868, %add3A_857, %scan3A_845 : vector<16xi1>, vector<16xi32>
        %select_n3A_871 = arith.select %lt3A_868, %add3A_863, %scan3A_846 : vector<16xi1>, vector<16xi32>
        scf.yield %select_n3A_869, %select_n3A_870, %select_n3A_871 : vector<16xf32>, vector<16xi32>, vector<16xi32>
      }
      %scan3A_483 = arith.constant 8 : i32
      %scan3A_484 = arith.constant 0 : i32
      %scan3A_485 = arith.constant 8 : i32
      %scan3A_486 = arith.addi %scan3A_484, %scan3A_485 : i32
      %scan3A_487 = arith.constant 1 : i32
      %scan3A_488:3 = scf.for %scan3A_843 = %scan3A_484 to %scan3A_486 step %scan3A_487 iter_args(%scan3A_844 = %scan3A_482#0, %scan3A_845 = %scan3A_482#1, %scan3A_846 = %scan3A_482#2) -> (vector<16xf32>, vector<16xi32>, vector<16xi32>)  : i32 {
        %mul3A_847 = arith.constant 16 : i32
        %mul3A_848 = arith.muli %scan3A_843, %mul3A_847 : i32
        %get3A = arith.constant 4 : i32
        %get3A_849 = arith.index_cast %get3A : i32 to index
        %get3A_850 = arith.index_cast %and3A_340 : i32 to index
        %get3A_851 = arith.index_cast %mul3A_848 : i32 to index
        %get3A_852 = tpu.vector_load %arg6[%get3A_849, %get3A_850, %get3A_851] {strides = array<i32>} : memref<5x8x128xf32, #tpu.memory_space<vmem>>, vector<16xf32>,
        %mul3A_853 = arith.constant 16 : i32
        %mul3A_854 = arith.muli %scan3A_843, %mul3A_853 : i32
        %add3A_855 = arith.addi %reduce_min3A_266, %mul3A_854 : i32
        %add3A_856 = vector.broadcast %add3A_855 : i32 to vector<16xi32>
        %add3A_857 = arith.addi %add3A_856, %iota3A : vector<16xi32>
        %mul3A_858 = arith.constant 16 : i32
        %mul3A_859 = arith.muli %scan3A_843, %mul3A_858 : i32
        %add3A_860 = arith.constant 512 : i32
        %add3A_861 = arith.addi %add3A_860, %mul3A_859 : i32
        %add3A_862 = vector.broadcast %add3A_861 : i32 to vector<16xi32>
        %add3A_863 = arith.addi %add3A_862, %iota3A : vector<16xi32>
        %lt3A = vector.broadcast %reduce_min3A_336 : i32 to vector<16xi32>
        %lt3A_864 = arith.cmpi slt, %add3A_857, %lt3A : vector<16xi32>
        %jit3A_865 = arith.constant 0x7F800000 : f32
        %broadcast_in_dim3A_866 = vector.broadcast %jit3A_865 : f32 to vector<16xf32>
        %select_n3A_867 = arith.select %lt3A_864, %get3A_852, %broadcast_in_dim3A_866 : vector<16xi1>, vector<16xf32>
        %lt3A_868 = arith.cmpf olt, %select_n3A_867, %scan3A_844 : vector<16xf32>
        %select_n3A_869 = arith.select %lt3A_868, %select_n3A_867, %scan3A_844 : vector<16xi1>, vector<16xf32>
        %select_n3A_870 = arith.select %lt3A_868, %add3A_857, %scan3A_845 : vector<16xi1>, vector<16xi32>
        %select_n3A_871 = arith.select %lt3A_868, %add3A_863, %scan3A_846 : vector<16xi1>, vector<16xi32>
        scf.yield %select_n3A_869, %select_n3A_870, %select_n3A_871 : vector<16xf32>, vector<16xi32>, vector<16xi32>
      }
      %scan3A_489 = arith.constant 8 : i32
      %reduce_min3A_490 = arith.constant true
      %reduce_min3A_491 = vector.broadcast %reduce_min3A_490 : i1 to vector<16xi1>
      %reduce_min3A_492 = tpu.scan <min>, %scan3A_488#0 masked %reduce_min3A_491 : vector<16xf32>, vector<16xi1> -> vector<16xf32>
      %reduce_min3A_493 = vector.extract %reduce_min3A_492[15] : f32 from vector<16xf32>
      %eq3A_494 = vector.broadcast %reduce_min3A_493 : f32 to vector<16xf32>
      %eq3A_495 = arith.cmpf oeq, %scan3A_488#0, %eq3A_494 : vector<16xf32>
      %jit3A_496 = arith.constant 1073741824 : i32
      %broadcast_in_dim3A_497 = vector.broadcast %jit3A_496 : i32 to vector<16xi32>
      %select_n3A_498 = arith.select %eq3A_495, %scan3A_488#1, %broadcast_in_dim3A_497 : vector<16xi1>, vector<16xi32>
      %reduce_min3A_499 = arith.constant true
      %reduce_min3A_500 = vector.broadcast %reduce_min3A_499 : i1 to vector<16xi1>
      %reduce_min3A_501 = arith.constant -2147483648 : i32
      %reduce_min3A_502 = vector.broadcast %reduce_min3A_501 : i32 to vector<16xi32>
      %reduce_min3A_503 = arith.xori %select_n3A_498, %reduce_min3A_502 : vector<16xi32>
      %reduce_min3A_504 = tpu.scan <min>, %reduce_min3A_503 masked %reduce_min3A_500 : vector<16xi32>, vector<16xi1> -> vector<16xi32>
      %reduce_min3A_505 = arith.xori %reduce_min3A_504, %reduce_min3A_502 : vector<16xi32>
      %reduce_min3A_506 = vector.extract %reduce_min3A_505[15] : i32 from vector<16xi32>
      %eq3A_507 = vector.broadcast %reduce_min3A_506 : i32 to vector<16xi32>
      %eq3A_508 = arith.cmpi eq, %scan3A_488#1, %eq3A_507 : vector<16xi32>
      %and3A_509 = arith.andi %eq3A_495, %eq3A_508 : vector<16xi1>
      %jit3A_510 = arith.constant 1073741824 : i32
      %broadcast_in_dim3A_511 = vector.broadcast %jit3A_510 : i32 to vector<16xi32>
      %select_n3A_512 = arith.select %and3A_509, %scan3A_488#2, %broadcast_in_dim3A_511 : vector<16xi1>, vector<16xi32>
      %reduce_min3A_513 = arith.constant true
      %reduce_min3A_514 = vector.broadcast %reduce_min3A_513 : i1 to vector<16xi1>
      %reduce_min3A_515 = arith.constant -2147483648 : i32
      %reduce_min3A_516 = vector.broadcast %reduce_min3A_515 : i32 to vector<16xi32>
      %reduce_min3A_517 = arith.xori %select_n3A_512, %reduce_min3A_516 : vector<16xi32>
      %reduce_min3A_518 = tpu.scan <min>, %reduce_min3A_517 masked %reduce_min3A_514 : vector<16xi32>, vector<16xi1> -> vector<16xi32>
      %reduce_min3A_519 = arith.xori %reduce_min3A_518, %reduce_min3A_516 : vector<16xi32>
      %reduce_min3A_520 = vector.extract %reduce_min3A_519[15] : i32 from vector<16xi32>
      %eq3A_521 = arith.constant 0 : i32
      %eq3A_522 = vector.broadcast %eq3A_521 : i32 to vector<16xi32>
      %eq3A_523 = arith.cmpi eq, %iota3A, %eq3A_522 : vector<16xi32>
      %broadcast_in_dim3A_524 = vector.broadcast %reduce_min3A_506 : i32 to vector<16xi32>
      %select_n3A_525 = arith.select %eq3A_523, %broadcast_in_dim3A_524, %broadcast_in_dim3A_455 : vector<16xi1>, vector<16xi32>
      %shift_right_arithmetic3A_526 = arith.constant 7 : i32
      %shift_right_arithmetic3A_527 = arith.shrsi %reduce_min3A_520, %shift_right_arithmetic3A_526 : i32
      %broadcast_in_dim3A_528 = vector.broadcast %shift_right_arithmetic3A_527 : i32 to vector<16xi32>
      %broadcast_in_dim3A_529 = vector.broadcast %and3A_340 : i32 to vector<16xi32>
      %and3A_530 = arith.constant 127 : i32
      %and3A_531 = arith.andi %reduce_min3A_520, %and3A_530 : i32
      %broadcast_in_dim3A_532 = vector.broadcast %and3A_531 : i32 to vector<16xi32>
      tpu.vector_store_idx %arg6[%broadcast_in_dim3A_528, %broadcast_in_dim3A_529, %broadcast_in_dim3A_532], %broadcast_in_dim3A_5 masked %eq3A_4 : memref<5x8x128xf32, #tpu.memory_space<vmem>>[vector<16xi32>, vector<16xi32>, vector<16xi32>], vector<16xf32>, vector<16xi1>
      %broadcast_in_dim3A_533 = arith.constant 0 : i32
      %broadcast_in_dim3A_534 = vector.broadcast %broadcast_in_dim3A_533 : i32 to vector<16xi32>
      %broadcast_in_dim3A_535 = arith.constant 0 : i32
      %broadcast_in_dim3A_536 = vector.broadcast %broadcast_in_dim3A_535 : i32 to vector<16xi32>
      %scan3A_537 = arith.constant 0 : i32
      %scan3A_538 = arith.constant 8 : i32
      %scan3A_539 = arith.addi %scan3A_537, %scan3A_538 : i32
      %scan3A_540 = arith.constant 1 : i32
      %scan3A_541:3 = scf.for %scan3A_843 = %scan3A_537 to %scan3A_539 step %scan3A_540 iter_args(%scan3A_844 = %broadcast_in_dim3A_5, %scan3A_845 = %broadcast_in_dim3A_534, %scan3A_846 = %broadcast_in_dim3A_536) -> (vector<16xf32>, vector<16xi32>, vector<16xi32>)  : i32 {
        %mul3A_847 = arith.constant 16 : i32
        %mul3A_848 = arith.muli %scan3A_843, %mul3A_847 : i32
        %get3A = arith.constant 0 : i32
        %get3A_849 = arith.index_cast %get3A : i32 to index
        %get3A_850 = arith.index_cast %and3A_340 : i32 to index
        %get3A_851 = arith.index_cast %mul3A_848 : i32 to index
        %get3A_852 = tpu.vector_load %arg6[%get3A_849, %get3A_850, %get3A_851] {strides = array<i32>} : memref<5x8x128xf32, #tpu.memory_space<vmem>>, vector<16xf32>,
        %mul3A_853 = arith.constant 16 : i32
        %mul3A_854 = arith.muli %scan3A_843, %mul3A_853 : i32
        %add3A_855 = arith.addi %reduce_min3A_198, %mul3A_854 : i32
        %add3A_856 = vector.broadcast %add3A_855 : i32 to vector<16xi32>
        %add3A_857 = arith.addi %add3A_856, %iota3A : vector<16xi32>
        %mul3A_858 = arith.constant 16 : i32
        %mul3A_859 = arith.muli %scan3A_843, %mul3A_858 : i32
        %add3A_860 = arith.constant 0 : i32
        %add3A_861 = arith.addi %add3A_860, %mul3A_859 : i32
        %add3A_862 = vector.broadcast %add3A_861 : i32 to vector<16xi32>
        %add3A_863 = arith.addi %add3A_862, %iota3A : vector<16xi32>
        %lt3A = vector.broadcast %reduce_min3A_280 : i32 to vector<16xi32>
        %lt3A_864 = arith.cmpi slt, %add3A_857, %lt3A : vector<16xi32>
        %jit3A_865 = arith.constant 0x7F800000 : f32
        %broadcast_in_dim3A_866 = vector.broadcast %jit3A_865 : f32 to vector<16xf32>
        %select_n3A_867 = arith.select %lt3A_864, %get3A_852, %broadcast_in_dim3A_866 : vector<16xi1>, vector<16xf32>
        %lt3A_868 = arith.cmpf olt, %select_n3A_867, %scan3A_844 : vector<16xf32>
        %select_n3A_869 = arith.select %lt3A_868, %select_n3A_867, %scan3A_844 : vector<16xi1>, vector<16xf32>
        %select_n3A_870 = arith.select %lt3A_868, %add3A_857, %scan3A_845 : vector<16xi1>, vector<16xi32>
        %select_n3A_871 = arith.select %lt3A_868, %add3A_863, %scan3A_846 : vector<16xi1>, vector<16xi32>
        scf.yield %select_n3A_869, %select_n3A_870, %select_n3A_871 : vector<16xf32>, vector<16xi32>, vector<16xi32>
      }
      %scan3A_542 = arith.constant 8 : i32
      %scan3A_543 = arith.constant 0 : i32
      %scan3A_544 = arith.constant 8 : i32
      %scan3A_545 = arith.addi %scan3A_543, %scan3A_544 : i32
      %scan3A_546 = arith.constant 1 : i32
      %scan3A_547:3 = scf.for %scan3A_843 = %scan3A_543 to %scan3A_545 step %scan3A_546 iter_args(%scan3A_844 = %scan3A_541#0, %scan3A_845 = %scan3A_541#1, %scan3A_846 = %scan3A_541#2) -> (vector<16xf32>, vector<16xi32>, vector<16xi32>)  : i32 {
        %mul3A_847 = arith.constant 16 : i32
        %mul3A_848 = arith.muli %scan3A_843, %mul3A_847 : i32
        %get3A = arith.constant 1 : i32
        %get3A_849 = arith.index_cast %get3A : i32 to index
        %get3A_850 = arith.index_cast %and3A_340 : i32 to index
        %get3A_851 = arith.index_cast %mul3A_848 : i32 to index
        %get3A_852 = tpu.vector_load %arg6[%get3A_849, %get3A_850, %get3A_851] {strides = array<i32>} : memref<5x8x128xf32, #tpu.memory_space<vmem>>, vector<16xf32>,
        %mul3A_853 = arith.constant 16 : i32
        %mul3A_854 = arith.muli %scan3A_843, %mul3A_853 : i32
        %add3A_855 = arith.addi %reduce_min3A_215, %mul3A_854 : i32
        %add3A_856 = vector.broadcast %add3A_855 : i32 to vector<16xi32>
        %add3A_857 = arith.addi %add3A_856, %iota3A : vector<16xi32>
        %mul3A_858 = arith.constant 16 : i32
        %mul3A_859 = arith.muli %scan3A_843, %mul3A_858 : i32
        %add3A_860 = arith.constant 128 : i32
        %add3A_861 = arith.addi %add3A_860, %mul3A_859 : i32
        %add3A_862 = vector.broadcast %add3A_861 : i32 to vector<16xi32>
        %add3A_863 = arith.addi %add3A_862, %iota3A : vector<16xi32>
        %lt3A = vector.broadcast %reduce_min3A_294 : i32 to vector<16xi32>
        %lt3A_864 = arith.cmpi slt, %add3A_857, %lt3A : vector<16xi32>
        %jit3A_865 = arith.constant 0x7F800000 : f32
        %broadcast_in_dim3A_866 = vector.broadcast %jit3A_865 : f32 to vector<16xf32>
        %select_n3A_867 = arith.select %lt3A_864, %get3A_852, %broadcast_in_dim3A_866 : vector<16xi1>, vector<16xf32>
        %lt3A_868 = arith.cmpf olt, %select_n3A_867, %scan3A_844 : vector<16xf32>
        %select_n3A_869 = arith.select %lt3A_868, %select_n3A_867, %scan3A_844 : vector<16xi1>, vector<16xf32>
        %select_n3A_870 = arith.select %lt3A_868, %add3A_857, %scan3A_845 : vector<16xi1>, vector<16xi32>
        %select_n3A_871 = arith.select %lt3A_868, %add3A_863, %scan3A_846 : vector<16xi1>, vector<16xi32>
        scf.yield %select_n3A_869, %select_n3A_870, %select_n3A_871 : vector<16xf32>, vector<16xi32>, vector<16xi32>
      }
      %scan3A_548 = arith.constant 8 : i32
      %scan3A_549 = arith.constant 0 : i32
      %scan3A_550 = arith.constant 8 : i32
      %scan3A_551 = arith.addi %scan3A_549, %scan3A_550 : i32
      %scan3A_552 = arith.constant 1 : i32
      %scan3A_553:3 = scf.for %scan3A_843 = %scan3A_549 to %scan3A_551 step %scan3A_552 iter_args(%scan3A_844 = %scan3A_547#0, %scan3A_845 = %scan3A_547#1, %scan3A_846 = %scan3A_547#2) -> (vector<16xf32>, vector<16xi32>, vector<16xi32>)  : i32 {
        %mul3A_847 = arith.constant 16 : i32
        %mul3A_848 = arith.muli %scan3A_843, %mul3A_847 : i32
        %get3A = arith.constant 2 : i32
        %get3A_849 = arith.index_cast %get3A : i32 to index
        %get3A_850 = arith.index_cast %and3A_340 : i32 to index
        %get3A_851 = arith.index_cast %mul3A_848 : i32 to index
        %get3A_852 = tpu.vector_load %arg6[%get3A_849, %get3A_850, %get3A_851] {strides = array<i32>} : memref<5x8x128xf32, #tpu.memory_space<vmem>>, vector<16xf32>,
        %mul3A_853 = arith.constant 16 : i32
        %mul3A_854 = arith.muli %scan3A_843, %mul3A_853 : i32
        %add3A_855 = arith.addi %reduce_min3A_232, %mul3A_854 : i32
        %add3A_856 = vector.broadcast %add3A_855 : i32 to vector<16xi32>
        %add3A_857 = arith.addi %add3A_856, %iota3A : vector<16xi32>
        %mul3A_858 = arith.constant 16 : i32
        %mul3A_859 = arith.muli %scan3A_843, %mul3A_858 : i32
        %add3A_860 = arith.constant 256 : i32
        %add3A_861 = arith.addi %add3A_860, %mul3A_859 : i32
        %add3A_862 = vector.broadcast %add3A_861 : i32 to vector<16xi32>
        %add3A_863 = arith.addi %add3A_862, %iota3A : vector<16xi32>
        %lt3A = vector.broadcast %reduce_min3A_308 : i32 to vector<16xi32>
        %lt3A_864 = arith.cmpi slt, %add3A_857, %lt3A : vector<16xi32>
        %jit3A_865 = arith.constant 0x7F800000 : f32
        %broadcast_in_dim3A_866 = vector.broadcast %jit3A_865 : f32 to vector<16xf32>
        %select_n3A_867 = arith.select %lt3A_864, %get3A_852, %broadcast_in_dim3A_866 : vector<16xi1>, vector<16xf32>
        %lt3A_868 = arith.cmpf olt, %select_n3A_867, %scan3A_844 : vector<16xf32>
        %select_n3A_869 = arith.select %lt3A_868, %select_n3A_867, %scan3A_844 : vector<16xi1>, vector<16xf32>
        %select_n3A_870 = arith.select %lt3A_868, %add3A_857, %scan3A_845 : vector<16xi1>, vector<16xi32>
        %select_n3A_871 = arith.select %lt3A_868, %add3A_863, %scan3A_846 : vector<16xi1>, vector<16xi32>
        scf.yield %select_n3A_869, %select_n3A_870, %select_n3A_871 : vector<16xf32>, vector<16xi32>, vector<16xi32>
      }
      %scan3A_554 = arith.constant 8 : i32
      %scan3A_555 = arith.constant 0 : i32
      %scan3A_556 = arith.constant 8 : i32
      %scan3A_557 = arith.addi %scan3A_555, %scan3A_556 : i32
      %scan3A_558 = arith.constant 1 : i32
      %scan3A_559:3 = scf.for %scan3A_843 = %scan3A_555 to %scan3A_557 step %scan3A_558 iter_args(%scan3A_844 = %scan3A_553#0, %scan3A_845 = %scan3A_553#1, %scan3A_846 = %scan3A_553#2) -> (vector<16xf32>, vector<16xi32>, vector<16xi32>)  : i32 {
        %mul3A_847 = arith.constant 16 : i32
        %mul3A_848 = arith.muli %scan3A_843, %mul3A_847 : i32
        %get3A = arith.constant 3 : i32
        %get3A_849 = arith.index_cast %get3A : i32 to index
        %get3A_850 = arith.index_cast %and3A_340 : i32 to index
        %get3A_851 = arith.index_cast %mul3A_848 : i32 to index
        %get3A_852 = tpu.vector_load %arg6[%get3A_849, %get3A_850, %get3A_851] {strides = array<i32>} : memref<5x8x128xf32, #tpu.memory_space<vmem>>, vector<16xf32>,
        %mul3A_853 = arith.constant 16 : i32
        %mul3A_854 = arith.muli %scan3A_843, %mul3A_853 : i32
        %add3A_855 = arith.addi %reduce_min3A_249, %mul3A_854 : i32
        %add3A_856 = vector.broadcast %add3A_855 : i32 to vector<16xi32>
        %add3A_857 = arith.addi %add3A_856, %iota3A : vector<16xi32>
        %mul3A_858 = arith.constant 16 : i32
        %mul3A_859 = arith.muli %scan3A_843, %mul3A_858 : i32
        %add3A_860 = arith.constant 384 : i32
        %add3A_861 = arith.addi %add3A_860, %mul3A_859 : i32
        %add3A_862 = vector.broadcast %add3A_861 : i32 to vector<16xi32>
        %add3A_863 = arith.addi %add3A_862, %iota3A : vector<16xi32>
        %lt3A = vector.broadcast %reduce_min3A_322 : i32 to vector<16xi32>
        %lt3A_864 = arith.cmpi slt, %add3A_857, %lt3A : vector<16xi32>
        %jit3A_865 = arith.constant 0x7F800000 : f32
        %broadcast_in_dim3A_866 = vector.broadcast %jit3A_865 : f32 to vector<16xf32>
        %select_n3A_867 = arith.select %lt3A_864, %get3A_852, %broadcast_in_dim3A_866 : vector<16xi1>, vector<16xf32>
        %lt3A_868 = arith.cmpf olt, %select_n3A_867, %scan3A_844 : vector<16xf32>
        %select_n3A_869 = arith.select %lt3A_868, %select_n3A_867, %scan3A_844 : vector<16xi1>, vector<16xf32>
        %select_n3A_870 = arith.select %lt3A_868, %add3A_857, %scan3A_845 : vector<16xi1>, vector<16xi32>
        %select_n3A_871 = arith.select %lt3A_868, %add3A_863, %scan3A_846 : vector<16xi1>, vector<16xi32>
        scf.yield %select_n3A_869, %select_n3A_870, %select_n3A_871 : vector<16xf32>, vector<16xi32>, vector<16xi32>
      }
      %scan3A_560 = arith.constant 8 : i32
      %scan3A_561 = arith.constant 0 : i32
      %scan3A_562 = arith.constant 8 : i32
      %scan3A_563 = arith.addi %scan3A_561, %scan3A_562 : i32
      %scan3A_564 = arith.constant 1 : i32
      %scan3A_565:3 = scf.for %scan3A_843 = %scan3A_561 to %scan3A_563 step %scan3A_564 iter_args(%scan3A_844 = %scan3A_559#0, %scan3A_845 = %scan3A_559#1, %scan3A_846 = %scan3A_559#2) -> (vector<16xf32>, vector<16xi32>, vector<16xi32>)  : i32 {
        %mul3A_847 = arith.constant 16 : i32
        %mul3A_848 = arith.muli %scan3A_843, %mul3A_847 : i32
        %get3A = arith.constant 4 : i32
        %get3A_849 = arith.index_cast %get3A : i32 to index
        %get3A_850 = arith.index_cast %and3A_340 : i32 to index
        %get3A_851 = arith.index_cast %mul3A_848 : i32 to index
        %get3A_852 = tpu.vector_load %arg6[%get3A_849, %get3A_850, %get3A_851] {strides = array<i32>} : memref<5x8x128xf32, #tpu.memory_space<vmem>>, vector<16xf32>,
        %mul3A_853 = arith.constant 16 : i32
        %mul3A_854 = arith.muli %scan3A_843, %mul3A_853 : i32
        %add3A_855 = arith.addi %reduce_min3A_266, %mul3A_854 : i32
        %add3A_856 = vector.broadcast %add3A_855 : i32 to vector<16xi32>
        %add3A_857 = arith.addi %add3A_856, %iota3A : vector<16xi32>
        %mul3A_858 = arith.constant 16 : i32
        %mul3A_859 = arith.muli %scan3A_843, %mul3A_858 : i32
        %add3A_860 = arith.constant 512 : i32
        %add3A_861 = arith.addi %add3A_860, %mul3A_859 : i32
        %add3A_862 = vector.broadcast %add3A_861 : i32 to vector<16xi32>
        %add3A_863 = arith.addi %add3A_862, %iota3A : vector<16xi32>
        %lt3A = vector.broadcast %reduce_min3A_336 : i32 to vector<16xi32>
        %lt3A_864 = arith.cmpi slt, %add3A_857, %lt3A : vector<16xi32>
        %jit3A_865 = arith.constant 0x7F800000 : f32
        %broadcast_in_dim3A_866 = vector.broadcast %jit3A_865 : f32 to vector<16xf32>
        %select_n3A_867 = arith.select %lt3A_864, %get3A_852, %broadcast_in_dim3A_866 : vector<16xi1>, vector<16xf32>
        %lt3A_868 = arith.cmpf olt, %select_n3A_867, %scan3A_844 : vector<16xf32>
        %select_n3A_869 = arith.select %lt3A_868, %select_n3A_867, %scan3A_844 : vector<16xi1>, vector<16xf32>
        %select_n3A_870 = arith.select %lt3A_868, %add3A_857, %scan3A_845 : vector<16xi1>, vector<16xi32>
        %select_n3A_871 = arith.select %lt3A_868, %add3A_863, %scan3A_846 : vector<16xi1>, vector<16xi32>
        scf.yield %select_n3A_869, %select_n3A_870, %select_n3A_871 : vector<16xf32>, vector<16xi32>, vector<16xi32>
      }
      %scan3A_566 = arith.constant 8 : i32
      %reduce_min3A_567 = arith.constant true
      %reduce_min3A_568 = vector.broadcast %reduce_min3A_567 : i1 to vector<16xi1>
      %reduce_min3A_569 = tpu.scan <min>, %scan3A_565#0 masked %reduce_min3A_568 : vector<16xf32>, vector<16xi1> -> vector<16xf32>
      %reduce_min3A_570 = vector.extract %reduce_min3A_569[15] : f32 from vector<16xf32>
      %eq3A_571 = vector.broadcast %reduce_min3A_570 : f32 to vector<16xf32>
      %eq3A_572 = arith.cmpf oeq, %scan3A_565#0, %eq3A_571 : vector<16xf32>
      %jit3A_573 = arith.constant 1073741824 : i32
      %broadcast_in_dim3A_574 = vector.broadcast %jit3A_573 : i32 to vector<16xi32>
      %select_n3A_575 = arith.select %eq3A_572, %scan3A_565#1, %broadcast_in_dim3A_574 : vector<16xi1>, vector<16xi32>
      %reduce_min3A_576 = arith.constant true
      %reduce_min3A_577 = vector.broadcast %reduce_min3A_576 : i1 to vector<16xi1>
      %reduce_min3A_578 = arith.constant -2147483648 : i32
      %reduce_min3A_579 = vector.broadcast %reduce_min3A_578 : i32 to vector<16xi32>
      %reduce_min3A_580 = arith.xori %select_n3A_575, %reduce_min3A_579 : vector<16xi32>
      %reduce_min3A_581 = tpu.scan <min>, %reduce_min3A_580 masked %reduce_min3A_577 : vector<16xi32>, vector<16xi1> -> vector<16xi32>
      %reduce_min3A_582 = arith.xori %reduce_min3A_581, %reduce_min3A_579 : vector<16xi32>
      %reduce_min3A_583 = vector.extract %reduce_min3A_582[15] : i32 from vector<16xi32>
      %eq3A_584 = vector.broadcast %reduce_min3A_583 : i32 to vector<16xi32>
      %eq3A_585 = arith.cmpi eq, %scan3A_565#1, %eq3A_584 : vector<16xi32>
      %and3A_586 = arith.andi %eq3A_572, %eq3A_585 : vector<16xi1>
      %jit3A_587 = arith.constant 1073741824 : i32
      %broadcast_in_dim3A_588 = vector.broadcast %jit3A_587 : i32 to vector<16xi32>
      %select_n3A_589 = arith.select %and3A_586, %scan3A_565#2, %broadcast_in_dim3A_588 : vector<16xi1>, vector<16xi32>
      %reduce_min3A_590 = arith.constant true
      %reduce_min3A_591 = vector.broadcast %reduce_min3A_590 : i1 to vector<16xi1>
      %reduce_min3A_592 = arith.constant -2147483648 : i32
      %reduce_min3A_593 = vector.broadcast %reduce_min3A_592 : i32 to vector<16xi32>
      %reduce_min3A_594 = arith.xori %select_n3A_589, %reduce_min3A_593 : vector<16xi32>
      %reduce_min3A_595 = tpu.scan <min>, %reduce_min3A_594 masked %reduce_min3A_591 : vector<16xi32>, vector<16xi1> -> vector<16xi32>
      %reduce_min3A_596 = arith.xori %reduce_min3A_595, %reduce_min3A_593 : vector<16xi32>
      %reduce_min3A_597 = vector.extract %reduce_min3A_596[15] : i32 from vector<16xi32>
      %eq3A_598 = arith.constant 1 : i32
      %eq3A_599 = vector.broadcast %eq3A_598 : i32 to vector<16xi32>
      %eq3A_600 = arith.cmpi eq, %iota3A, %eq3A_599 : vector<16xi32>
      %broadcast_in_dim3A_601 = vector.broadcast %reduce_min3A_583 : i32 to vector<16xi32>
      %select_n3A_602 = arith.select %eq3A_600, %broadcast_in_dim3A_601, %select_n3A_525 : vector<16xi1>, vector<16xi32>
      %shift_right_arithmetic3A_603 = arith.constant 7 : i32
      %shift_right_arithmetic3A_604 = arith.shrsi %reduce_min3A_597, %shift_right_arithmetic3A_603 : i32
      %broadcast_in_dim3A_605 = vector.broadcast %shift_right_arithmetic3A_604 : i32 to vector<16xi32>
      %broadcast_in_dim3A_606 = vector.broadcast %and3A_340 : i32 to vector<16xi32>
      %and3A_607 = arith.constant 127 : i32
      %and3A_608 = arith.andi %reduce_min3A_597, %and3A_607 : i32
      %broadcast_in_dim3A_609 = vector.broadcast %and3A_608 : i32 to vector<16xi32>
      tpu.vector_store_idx %arg6[%broadcast_in_dim3A_605, %broadcast_in_dim3A_606, %broadcast_in_dim3A_609], %broadcast_in_dim3A_5 masked %eq3A_4 : memref<5x8x128xf32, #tpu.memory_space<vmem>>[vector<16xi32>, vector<16xi32>, vector<16xi32>], vector<16xf32>, vector<16xi1>
      %broadcast_in_dim3A_610 = arith.constant 0 : i32
      %broadcast_in_dim3A_611 = vector.broadcast %broadcast_in_dim3A_610 : i32 to vector<16xi32>
      %broadcast_in_dim3A_612 = arith.constant 0 : i32
      %broadcast_in_dim3A_613 = vector.broadcast %broadcast_in_dim3A_612 : i32 to vector<16xi32>
      %scan3A_614 = arith.constant 0 : i32
      %scan3A_615 = arith.constant 8 : i32
      %scan3A_616 = arith.addi %scan3A_614, %scan3A_615 : i32
      %scan3A_617 = arith.constant 1 : i32
      %scan3A_618:3 = scf.for %scan3A_843 = %scan3A_614 to %scan3A_616 step %scan3A_617 iter_args(%scan3A_844 = %broadcast_in_dim3A_5, %scan3A_845 = %broadcast_in_dim3A_611, %scan3A_846 = %broadcast_in_dim3A_613) -> (vector<16xf32>, vector<16xi32>, vector<16xi32>)  : i32 {
        %mul3A_847 = arith.constant 16 : i32
        %mul3A_848 = arith.muli %scan3A_843, %mul3A_847 : i32
        %get3A = arith.constant 0 : i32
        %get3A_849 = arith.index_cast %get3A : i32 to index
        %get3A_850 = arith.index_cast %and3A_340 : i32 to index
        %get3A_851 = arith.index_cast %mul3A_848 : i32 to index
        %get3A_852 = tpu.vector_load %arg6[%get3A_849, %get3A_850, %get3A_851] {strides = array<i32>} : memref<5x8x128xf32, #tpu.memory_space<vmem>>, vector<16xf32>,
        %mul3A_853 = arith.constant 16 : i32
        %mul3A_854 = arith.muli %scan3A_843, %mul3A_853 : i32
        %add3A_855 = arith.addi %reduce_min3A_198, %mul3A_854 : i32
        %add3A_856 = vector.broadcast %add3A_855 : i32 to vector<16xi32>
        %add3A_857 = arith.addi %add3A_856, %iota3A : vector<16xi32>
        %mul3A_858 = arith.constant 16 : i32
        %mul3A_859 = arith.muli %scan3A_843, %mul3A_858 : i32
        %add3A_860 = arith.constant 0 : i32
        %add3A_861 = arith.addi %add3A_860, %mul3A_859 : i32
        %add3A_862 = vector.broadcast %add3A_861 : i32 to vector<16xi32>
        %add3A_863 = arith.addi %add3A_862, %iota3A : vector<16xi32>
        %lt3A = vector.broadcast %reduce_min3A_280 : i32 to vector<16xi32>
        %lt3A_864 = arith.cmpi slt, %add3A_857, %lt3A : vector<16xi32>
        %jit3A_865 = arith.constant 0x7F800000 : f32
        %broadcast_in_dim3A_866 = vector.broadcast %jit3A_865 : f32 to vector<16xf32>
        %select_n3A_867 = arith.select %lt3A_864, %get3A_852, %broadcast_in_dim3A_866 : vector<16xi1>, vector<16xf32>
        %lt3A_868 = arith.cmpf olt, %select_n3A_867, %scan3A_844 : vector<16xf32>
        %select_n3A_869 = arith.select %lt3A_868, %select_n3A_867, %scan3A_844 : vector<16xi1>, vector<16xf32>
        %select_n3A_870 = arith.select %lt3A_868, %add3A_857, %scan3A_845 : vector<16xi1>, vector<16xi32>
        %select_n3A_871 = arith.select %lt3A_868, %add3A_863, %scan3A_846 : vector<16xi1>, vector<16xi32>
        scf.yield %select_n3A_869, %select_n3A_870, %select_n3A_871 : vector<16xf32>, vector<16xi32>, vector<16xi32>
      }
      %scan3A_619 = arith.constant 8 : i32
      %scan3A_620 = arith.constant 0 : i32
      %scan3A_621 = arith.constant 8 : i32
      %scan3A_622 = arith.addi %scan3A_620, %scan3A_621 : i32
      %scan3A_623 = arith.constant 1 : i32
      %scan3A_624:3 = scf.for %scan3A_843 = %scan3A_620 to %scan3A_622 step %scan3A_623 iter_args(%scan3A_844 = %scan3A_618#0, %scan3A_845 = %scan3A_618#1, %scan3A_846 = %scan3A_618#2) -> (vector<16xf32>, vector<16xi32>, vector<16xi32>)  : i32 {
        %mul3A_847 = arith.constant 16 : i32
        %mul3A_848 = arith.muli %scan3A_843, %mul3A_847 : i32
        %get3A = arith.constant 1 : i32
        %get3A_849 = arith.index_cast %get3A : i32 to index
        %get3A_850 = arith.index_cast %and3A_340 : i32 to index
        %get3A_851 = arith.index_cast %mul3A_848 : i32 to index
        %get3A_852 = tpu.vector_load %arg6[%get3A_849, %get3A_850, %get3A_851] {strides = array<i32>} : memref<5x8x128xf32, #tpu.memory_space<vmem>>, vector<16xf32>,
        %mul3A_853 = arith.constant 16 : i32
        %mul3A_854 = arith.muli %scan3A_843, %mul3A_853 : i32
        %add3A_855 = arith.addi %reduce_min3A_215, %mul3A_854 : i32
        %add3A_856 = vector.broadcast %add3A_855 : i32 to vector<16xi32>
        %add3A_857 = arith.addi %add3A_856, %iota3A : vector<16xi32>
        %mul3A_858 = arith.constant 16 : i32
        %mul3A_859 = arith.muli %scan3A_843, %mul3A_858 : i32
        %add3A_860 = arith.constant 128 : i32
        %add3A_861 = arith.addi %add3A_860, %mul3A_859 : i32
        %add3A_862 = vector.broadcast %add3A_861 : i32 to vector<16xi32>
        %add3A_863 = arith.addi %add3A_862, %iota3A : vector<16xi32>
        %lt3A = vector.broadcast %reduce_min3A_294 : i32 to vector<16xi32>
        %lt3A_864 = arith.cmpi slt, %add3A_857, %lt3A : vector<16xi32>
        %jit3A_865 = arith.constant 0x7F800000 : f32
        %broadcast_in_dim3A_866 = vector.broadcast %jit3A_865 : f32 to vector<16xf32>
        %select_n3A_867 = arith.select %lt3A_864, %get3A_852, %broadcast_in_dim3A_866 : vector<16xi1>, vector<16xf32>
        %lt3A_868 = arith.cmpf olt, %select_n3A_867, %scan3A_844 : vector<16xf32>
        %select_n3A_869 = arith.select %lt3A_868, %select_n3A_867, %scan3A_844 : vector<16xi1>, vector<16xf32>
        %select_n3A_870 = arith.select %lt3A_868, %add3A_857, %scan3A_845 : vector<16xi1>, vector<16xi32>
        %select_n3A_871 = arith.select %lt3A_868, %add3A_863, %scan3A_846 : vector<16xi1>, vector<16xi32>
        scf.yield %select_n3A_869, %select_n3A_870, %select_n3A_871 : vector<16xf32>, vector<16xi32>, vector<16xi32>
      }
      %scan3A_625 = arith.constant 8 : i32
      %scan3A_626 = arith.constant 0 : i32
      %scan3A_627 = arith.constant 8 : i32
      %scan3A_628 = arith.addi %scan3A_626, %scan3A_627 : i32
      %scan3A_629 = arith.constant 1 : i32
      %scan3A_630:3 = scf.for %scan3A_843 = %scan3A_626 to %scan3A_628 step %scan3A_629 iter_args(%scan3A_844 = %scan3A_624#0, %scan3A_845 = %scan3A_624#1, %scan3A_846 = %scan3A_624#2) -> (vector<16xf32>, vector<16xi32>, vector<16xi32>)  : i32 {
        %mul3A_847 = arith.constant 16 : i32
        %mul3A_848 = arith.muli %scan3A_843, %mul3A_847 : i32
        %get3A = arith.constant 2 : i32
        %get3A_849 = arith.index_cast %get3A : i32 to index
        %get3A_850 = arith.index_cast %and3A_340 : i32 to index
        %get3A_851 = arith.index_cast %mul3A_848 : i32 to index
        %get3A_852 = tpu.vector_load %arg6[%get3A_849, %get3A_850, %get3A_851] {strides = array<i32>} : memref<5x8x128xf32, #tpu.memory_space<vmem>>, vector<16xf32>,
        %mul3A_853 = arith.constant 16 : i32
        %mul3A_854 = arith.muli %scan3A_843, %mul3A_853 : i32
        %add3A_855 = arith.addi %reduce_min3A_232, %mul3A_854 : i32
        %add3A_856 = vector.broadcast %add3A_855 : i32 to vector<16xi32>
        %add3A_857 = arith.addi %add3A_856, %iota3A : vector<16xi32>
        %mul3A_858 = arith.constant 16 : i32
        %mul3A_859 = arith.muli %scan3A_843, %mul3A_858 : i32
        %add3A_860 = arith.constant 256 : i32
        %add3A_861 = arith.addi %add3A_860, %mul3A_859 : i32
        %add3A_862 = vector.broadcast %add3A_861 : i32 to vector<16xi32>
        %add3A_863 = arith.addi %add3A_862, %iota3A : vector<16xi32>
        %lt3A = vector.broadcast %reduce_min3A_308 : i32 to vector<16xi32>
        %lt3A_864 = arith.cmpi slt, %add3A_857, %lt3A : vector<16xi32>
        %jit3A_865 = arith.constant 0x7F800000 : f32
        %broadcast_in_dim3A_866 = vector.broadcast %jit3A_865 : f32 to vector<16xf32>
        %select_n3A_867 = arith.select %lt3A_864, %get3A_852, %broadcast_in_dim3A_866 : vector<16xi1>, vector<16xf32>
        %lt3A_868 = arith.cmpf olt, %select_n3A_867, %scan3A_844 : vector<16xf32>
        %select_n3A_869 = arith.select %lt3A_868, %select_n3A_867, %scan3A_844 : vector<16xi1>, vector<16xf32>
        %select_n3A_870 = arith.select %lt3A_868, %add3A_857, %scan3A_845 : vector<16xi1>, vector<16xi32>
        %select_n3A_871 = arith.select %lt3A_868, %add3A_863, %scan3A_846 : vector<16xi1>, vector<16xi32>
        scf.yield %select_n3A_869, %select_n3A_870, %select_n3A_871 : vector<16xf32>, vector<16xi32>, vector<16xi32>
      }
      %scan3A_631 = arith.constant 8 : i32
      %scan3A_632 = arith.constant 0 : i32
      %scan3A_633 = arith.constant 8 : i32
      %scan3A_634 = arith.addi %scan3A_632, %scan3A_633 : i32
      %scan3A_635 = arith.constant 1 : i32
      %scan3A_636:3 = scf.for %scan3A_843 = %scan3A_632 to %scan3A_634 step %scan3A_635 iter_args(%scan3A_844 = %scan3A_630#0, %scan3A_845 = %scan3A_630#1, %scan3A_846 = %scan3A_630#2) -> (vector<16xf32>, vector<16xi32>, vector<16xi32>)  : i32 {
        %mul3A_847 = arith.constant 16 : i32
        %mul3A_848 = arith.muli %scan3A_843, %mul3A_847 : i32
        %get3A = arith.constant 3 : i32
        %get3A_849 = arith.index_cast %get3A : i32 to index
        %get3A_850 = arith.index_cast %and3A_340 : i32 to index
        %get3A_851 = arith.index_cast %mul3A_848 : i32 to index
        %get3A_852 = tpu.vector_load %arg6[%get3A_849, %get3A_850, %get3A_851] {strides = array<i32>} : memref<5x8x128xf32, #tpu.memory_space<vmem>>, vector<16xf32>,
        %mul3A_853 = arith.constant 16 : i32
        %mul3A_854 = arith.muli %scan3A_843, %mul3A_853 : i32
        %add3A_855 = arith.addi %reduce_min3A_249, %mul3A_854 : i32
        %add3A_856 = vector.broadcast %add3A_855 : i32 to vector<16xi32>
        %add3A_857 = arith.addi %add3A_856, %iota3A : vector<16xi32>
        %mul3A_858 = arith.constant 16 : i32
        %mul3A_859 = arith.muli %scan3A_843, %mul3A_858 : i32
        %add3A_860 = arith.constant 384 : i32
        %add3A_861 = arith.addi %add3A_860, %mul3A_859 : i32
        %add3A_862 = vector.broadcast %add3A_861 : i32 to vector<16xi32>
        %add3A_863 = arith.addi %add3A_862, %iota3A : vector<16xi32>
        %lt3A = vector.broadcast %reduce_min3A_322 : i32 to vector<16xi32>
        %lt3A_864 = arith.cmpi slt, %add3A_857, %lt3A : vector<16xi32>
        %jit3A_865 = arith.constant 0x7F800000 : f32
        %broadcast_in_dim3A_866 = vector.broadcast %jit3A_865 : f32 to vector<16xf32>
        %select_n3A_867 = arith.select %lt3A_864, %get3A_852, %broadcast_in_dim3A_866 : vector<16xi1>, vector<16xf32>
        %lt3A_868 = arith.cmpf olt, %select_n3A_867, %scan3A_844 : vector<16xf32>
        %select_n3A_869 = arith.select %lt3A_868, %select_n3A_867, %scan3A_844 : vector<16xi1>, vector<16xf32>
        %select_n3A_870 = arith.select %lt3A_868, %add3A_857, %scan3A_845 : vector<16xi1>, vector<16xi32>
        %select_n3A_871 = arith.select %lt3A_868, %add3A_863, %scan3A_846 : vector<16xi1>, vector<16xi32>
        scf.yield %select_n3A_869, %select_n3A_870, %select_n3A_871 : vector<16xf32>, vector<16xi32>, vector<16xi32>
      }
      %scan3A_637 = arith.constant 8 : i32
      %scan3A_638 = arith.constant 0 : i32
      %scan3A_639 = arith.constant 8 : i32
      %scan3A_640 = arith.addi %scan3A_638, %scan3A_639 : i32
      %scan3A_641 = arith.constant 1 : i32
      %scan3A_642:3 = scf.for %scan3A_843 = %scan3A_638 to %scan3A_640 step %scan3A_641 iter_args(%scan3A_844 = %scan3A_636#0, %scan3A_845 = %scan3A_636#1, %scan3A_846 = %scan3A_636#2) -> (vector<16xf32>, vector<16xi32>, vector<16xi32>)  : i32 {
        %mul3A_847 = arith.constant 16 : i32
        %mul3A_848 = arith.muli %scan3A_843, %mul3A_847 : i32
        %get3A = arith.constant 4 : i32
        %get3A_849 = arith.index_cast %get3A : i32 to index
        %get3A_850 = arith.index_cast %and3A_340 : i32 to index
        %get3A_851 = arith.index_cast %mul3A_848 : i32 to index
        %get3A_852 = tpu.vector_load %arg6[%get3A_849, %get3A_850, %get3A_851] {strides = array<i32>} : memref<5x8x128xf32, #tpu.memory_space<vmem>>, vector<16xf32>,
        %mul3A_853 = arith.constant 16 : i32
        %mul3A_854 = arith.muli %scan3A_843, %mul3A_853 : i32
        %add3A_855 = arith.addi %reduce_min3A_266, %mul3A_854 : i32
        %add3A_856 = vector.broadcast %add3A_855 : i32 to vector<16xi32>
        %add3A_857 = arith.addi %add3A_856, %iota3A : vector<16xi32>
        %mul3A_858 = arith.constant 16 : i32
        %mul3A_859 = arith.muli %scan3A_843, %mul3A_858 : i32
        %add3A_860 = arith.constant 512 : i32
        %add3A_861 = arith.addi %add3A_860, %mul3A_859 : i32
        %add3A_862 = vector.broadcast %add3A_861 : i32 to vector<16xi32>
        %add3A_863 = arith.addi %add3A_862, %iota3A : vector<16xi32>
        %lt3A = vector.broadcast %reduce_min3A_336 : i32 to vector<16xi32>
        %lt3A_864 = arith.cmpi slt, %add3A_857, %lt3A : vector<16xi32>
        %jit3A_865 = arith.constant 0x7F800000 : f32
        %broadcast_in_dim3A_866 = vector.broadcast %jit3A_865 : f32 to vector<16xf32>
        %select_n3A_867 = arith.select %lt3A_864, %get3A_852, %broadcast_in_dim3A_866 : vector<16xi1>, vector<16xf32>
        %lt3A_868 = arith.cmpf olt, %select_n3A_867, %scan3A_844 : vector<16xf32>
        %select_n3A_869 = arith.select %lt3A_868, %select_n3A_867, %scan3A_844 : vector<16xi1>, vector<16xf32>
        %select_n3A_870 = arith.select %lt3A_868, %add3A_857, %scan3A_845 : vector<16xi1>, vector<16xi32>
        %select_n3A_871 = arith.select %lt3A_868, %add3A_863, %scan3A_846 : vector<16xi1>, vector<16xi32>
        scf.yield %select_n3A_869, %select_n3A_870, %select_n3A_871 : vector<16xf32>, vector<16xi32>, vector<16xi32>
      }
      %scan3A_643 = arith.constant 8 : i32
      %reduce_min3A_644 = arith.constant true
      %reduce_min3A_645 = vector.broadcast %reduce_min3A_644 : i1 to vector<16xi1>
      %reduce_min3A_646 = tpu.scan <min>, %scan3A_642#0 masked %reduce_min3A_645 : vector<16xf32>, vector<16xi1> -> vector<16xf32>
      %reduce_min3A_647 = vector.extract %reduce_min3A_646[15] : f32 from vector<16xf32>
      %eq3A_648 = vector.broadcast %reduce_min3A_647 : f32 to vector<16xf32>
      %eq3A_649 = arith.cmpf oeq, %scan3A_642#0, %eq3A_648 : vector<16xf32>
      %jit3A_650 = arith.constant 1073741824 : i32
      %broadcast_in_dim3A_651 = vector.broadcast %jit3A_650 : i32 to vector<16xi32>
      %select_n3A_652 = arith.select %eq3A_649, %scan3A_642#1, %broadcast_in_dim3A_651 : vector<16xi1>, vector<16xi32>
      %reduce_min3A_653 = arith.constant true
      %reduce_min3A_654 = vector.broadcast %reduce_min3A_653 : i1 to vector<16xi1>
      %reduce_min3A_655 = arith.constant -2147483648 : i32
      %reduce_min3A_656 = vector.broadcast %reduce_min3A_655 : i32 to vector<16xi32>
      %reduce_min3A_657 = arith.xori %select_n3A_652, %reduce_min3A_656 : vector<16xi32>
      %reduce_min3A_658 = tpu.scan <min>, %reduce_min3A_657 masked %reduce_min3A_654 : vector<16xi32>, vector<16xi1> -> vector<16xi32>
      %reduce_min3A_659 = arith.xori %reduce_min3A_658, %reduce_min3A_656 : vector<16xi32>
      %reduce_min3A_660 = vector.extract %reduce_min3A_659[15] : i32 from vector<16xi32>
      %eq3A_661 = vector.broadcast %reduce_min3A_660 : i32 to vector<16xi32>
      %eq3A_662 = arith.cmpi eq, %scan3A_642#1, %eq3A_661 : vector<16xi32>
      %and3A_663 = arith.andi %eq3A_649, %eq3A_662 : vector<16xi1>
      %jit3A_664 = arith.constant 1073741824 : i32
      %broadcast_in_dim3A_665 = vector.broadcast %jit3A_664 : i32 to vector<16xi32>
      %select_n3A_666 = arith.select %and3A_663, %scan3A_642#2, %broadcast_in_dim3A_665 : vector<16xi1>, vector<16xi32>
      %reduce_min3A_667 = arith.constant true
      %reduce_min3A_668 = vector.broadcast %reduce_min3A_667 : i1 to vector<16xi1>
      %reduce_min3A_669 = arith.constant -2147483648 : i32
      %reduce_min3A_670 = vector.broadcast %reduce_min3A_669 : i32 to vector<16xi32>
      %reduce_min3A_671 = arith.xori %select_n3A_666, %reduce_min3A_670 : vector<16xi32>
      %reduce_min3A_672 = tpu.scan <min>, %reduce_min3A_671 masked %reduce_min3A_668 : vector<16xi32>, vector<16xi1> -> vector<16xi32>
      %reduce_min3A_673 = arith.xori %reduce_min3A_672, %reduce_min3A_670 : vector<16xi32>
      %reduce_min3A_674 = vector.extract %reduce_min3A_673[15] : i32 from vector<16xi32>
      %eq3A_675 = arith.constant 2 : i32
      %eq3A_676 = vector.broadcast %eq3A_675 : i32 to vector<16xi32>
      %eq3A_677 = arith.cmpi eq, %iota3A, %eq3A_676 : vector<16xi32>
      %broadcast_in_dim3A_678 = vector.broadcast %reduce_min3A_660 : i32 to vector<16xi32>
      %select_n3A_679 = arith.select %eq3A_677, %broadcast_in_dim3A_678, %select_n3A_602 : vector<16xi1>, vector<16xi32>
      %shift_right_arithmetic3A_680 = arith.constant 7 : i32
      %shift_right_arithmetic3A_681 = arith.shrsi %reduce_min3A_674, %shift_right_arithmetic3A_680 : i32
      %broadcast_in_dim3A_682 = vector.broadcast %shift_right_arithmetic3A_681 : i32 to vector<16xi32>
      %broadcast_in_dim3A_683 = vector.broadcast %and3A_340 : i32 to vector<16xi32>
      %and3A_684 = arith.constant 127 : i32
      %and3A_685 = arith.andi %reduce_min3A_674, %and3A_684 : i32
      %broadcast_in_dim3A_686 = vector.broadcast %and3A_685 : i32 to vector<16xi32>
      tpu.vector_store_idx %arg6[%broadcast_in_dim3A_682, %broadcast_in_dim3A_683, %broadcast_in_dim3A_686], %broadcast_in_dim3A_5 masked %eq3A_4 : memref<5x8x128xf32, #tpu.memory_space<vmem>>[vector<16xi32>, vector<16xi32>, vector<16xi32>], vector<16xf32>, vector<16xi1>
      %broadcast_in_dim3A_687 = arith.constant 0 : i32
      %broadcast_in_dim3A_688 = vector.broadcast %broadcast_in_dim3A_687 : i32 to vector<16xi32>
      %broadcast_in_dim3A_689 = arith.constant 0 : i32
      %broadcast_in_dim3A_690 = vector.broadcast %broadcast_in_dim3A_689 : i32 to vector<16xi32>
      %scan3A_691 = arith.constant 0 : i32
      %scan3A_692 = arith.constant 8 : i32
      %scan3A_693 = arith.addi %scan3A_691, %scan3A_692 : i32
      %scan3A_694 = arith.constant 1 : i32
      %scan3A_695:3 = scf.for %scan3A_843 = %scan3A_691 to %scan3A_693 step %scan3A_694 iter_args(%scan3A_844 = %broadcast_in_dim3A_5, %scan3A_845 = %broadcast_in_dim3A_688, %scan3A_846 = %broadcast_in_dim3A_690) -> (vector<16xf32>, vector<16xi32>, vector<16xi32>)  : i32 {
        %mul3A_847 = arith.constant 16 : i32
        %mul3A_848 = arith.muli %scan3A_843, %mul3A_847 : i32
        %get3A = arith.constant 0 : i32
        %get3A_849 = arith.index_cast %get3A : i32 to index
        %get3A_850 = arith.index_cast %and3A_340 : i32 to index
        %get3A_851 = arith.index_cast %mul3A_848 : i32 to index
        %get3A_852 = tpu.vector_load %arg6[%get3A_849, %get3A_850, %get3A_851] {strides = array<i32>} : memref<5x8x128xf32, #tpu.memory_space<vmem>>, vector<16xf32>,
        %mul3A_853 = arith.constant 16 : i32
        %mul3A_854 = arith.muli %scan3A_843, %mul3A_853 : i32
        %add3A_855 = arith.addi %reduce_min3A_198, %mul3A_854 : i32
        %add3A_856 = vector.broadcast %add3A_855 : i32 to vector<16xi32>
        %add3A_857 = arith.addi %add3A_856, %iota3A : vector<16xi32>
        %mul3A_858 = arith.constant 16 : i32
        %mul3A_859 = arith.muli %scan3A_843, %mul3A_858 : i32
        %add3A_860 = arith.constant 0 : i32
        %add3A_861 = arith.addi %add3A_860, %mul3A_859 : i32
        %add3A_862 = vector.broadcast %add3A_861 : i32 to vector<16xi32>
        %add3A_863 = arith.addi %add3A_862, %iota3A : vector<16xi32>
        %lt3A = vector.broadcast %reduce_min3A_280 : i32 to vector<16xi32>
        %lt3A_864 = arith.cmpi slt, %add3A_857, %lt3A : vector<16xi32>
        %jit3A_865 = arith.constant 0x7F800000 : f32
        %broadcast_in_dim3A_866 = vector.broadcast %jit3A_865 : f32 to vector<16xf32>
        %select_n3A_867 = arith.select %lt3A_864, %get3A_852, %broadcast_in_dim3A_866 : vector<16xi1>, vector<16xf32>
        %lt3A_868 = arith.cmpf olt, %select_n3A_867, %scan3A_844 : vector<16xf32>
        %select_n3A_869 = arith.select %lt3A_868, %select_n3A_867, %scan3A_844 : vector<16xi1>, vector<16xf32>
        %select_n3A_870 = arith.select %lt3A_868, %add3A_857, %scan3A_845 : vector<16xi1>, vector<16xi32>
        %select_n3A_871 = arith.select %lt3A_868, %add3A_863, %scan3A_846 : vector<16xi1>, vector<16xi32>
        scf.yield %select_n3A_869, %select_n3A_870, %select_n3A_871 : vector<16xf32>, vector<16xi32>, vector<16xi32>
      }
      %scan3A_696 = arith.constant 8 : i32
      %scan3A_697 = arith.constant 0 : i32
      %scan3A_698 = arith.constant 8 : i32
      %scan3A_699 = arith.addi %scan3A_697, %scan3A_698 : i32
      %scan3A_700 = arith.constant 1 : i32
      %scan3A_701:3 = scf.for %scan3A_843 = %scan3A_697 to %scan3A_699 step %scan3A_700 iter_args(%scan3A_844 = %scan3A_695#0, %scan3A_845 = %scan3A_695#1, %scan3A_846 = %scan3A_695#2) -> (vector<16xf32>, vector<16xi32>, vector<16xi32>)  : i32 {
        %mul3A_847 = arith.constant 16 : i32
        %mul3A_848 = arith.muli %scan3A_843, %mul3A_847 : i32
        %get3A = arith.constant 1 : i32
        %get3A_849 = arith.index_cast %get3A : i32 to index
        %get3A_850 = arith.index_cast %and3A_340 : i32 to index
        %get3A_851 = arith.index_cast %mul3A_848 : i32 to index
        %get3A_852 = tpu.vector_load %arg6[%get3A_849, %get3A_850, %get3A_851] {strides = array<i32>} : memref<5x8x128xf32, #tpu.memory_space<vmem>>, vector<16xf32>,
        %mul3A_853 = arith.constant 16 : i32
        %mul3A_854 = arith.muli %scan3A_843, %mul3A_853 : i32
        %add3A_855 = arith.addi %reduce_min3A_215, %mul3A_854 : i32
        %add3A_856 = vector.broadcast %add3A_855 : i32 to vector<16xi32>
        %add3A_857 = arith.addi %add3A_856, %iota3A : vector<16xi32>
        %mul3A_858 = arith.constant 16 : i32
        %mul3A_859 = arith.muli %scan3A_843, %mul3A_858 : i32
        %add3A_860 = arith.constant 128 : i32
        %add3A_861 = arith.addi %add3A_860, %mul3A_859 : i32
        %add3A_862 = vector.broadcast %add3A_861 : i32 to vector<16xi32>
        %add3A_863 = arith.addi %add3A_862, %iota3A : vector<16xi32>
        %lt3A = vector.broadcast %reduce_min3A_294 : i32 to vector<16xi32>
        %lt3A_864 = arith.cmpi slt, %add3A_857, %lt3A : vector<16xi32>
        %jit3A_865 = arith.constant 0x7F800000 : f32
        %broadcast_in_dim3A_866 = vector.broadcast %jit3A_865 : f32 to vector<16xf32>
        %select_n3A_867 = arith.select %lt3A_864, %get3A_852, %broadcast_in_dim3A_866 : vector<16xi1>, vector<16xf32>
        %lt3A_868 = arith.cmpf olt, %select_n3A_867, %scan3A_844 : vector<16xf32>
        %select_n3A_869 = arith.select %lt3A_868, %select_n3A_867, %scan3A_844 : vector<16xi1>, vector<16xf32>
        %select_n3A_870 = arith.select %lt3A_868, %add3A_857, %scan3A_845 : vector<16xi1>, vector<16xi32>
        %select_n3A_871 = arith.select %lt3A_868, %add3A_863, %scan3A_846 : vector<16xi1>, vector<16xi32>
        scf.yield %select_n3A_869, %select_n3A_870, %select_n3A_871 : vector<16xf32>, vector<16xi32>, vector<16xi32>
      }
      %scan3A_702 = arith.constant 8 : i32
      %scan3A_703 = arith.constant 0 : i32
      %scan3A_704 = arith.constant 8 : i32
      %scan3A_705 = arith.addi %scan3A_703, %scan3A_704 : i32
      %scan3A_706 = arith.constant 1 : i32
      %scan3A_707:3 = scf.for %scan3A_843 = %scan3A_703 to %scan3A_705 step %scan3A_706 iter_args(%scan3A_844 = %scan3A_701#0, %scan3A_845 = %scan3A_701#1, %scan3A_846 = %scan3A_701#2) -> (vector<16xf32>, vector<16xi32>, vector<16xi32>)  : i32 {
        %mul3A_847 = arith.constant 16 : i32
        %mul3A_848 = arith.muli %scan3A_843, %mul3A_847 : i32
        %get3A = arith.constant 2 : i32
        %get3A_849 = arith.index_cast %get3A : i32 to index
        %get3A_850 = arith.index_cast %and3A_340 : i32 to index
        %get3A_851 = arith.index_cast %mul3A_848 : i32 to index
        %get3A_852 = tpu.vector_load %arg6[%get3A_849, %get3A_850, %get3A_851] {strides = array<i32>} : memref<5x8x128xf32, #tpu.memory_space<vmem>>, vector<16xf32>,
        %mul3A_853 = arith.constant 16 : i32
        %mul3A_854 = arith.muli %scan3A_843, %mul3A_853 : i32
        %add3A_855 = arith.addi %reduce_min3A_232, %mul3A_854 : i32
        %add3A_856 = vector.broadcast %add3A_855 : i32 to vector<16xi32>
        %add3A_857 = arith.addi %add3A_856, %iota3A : vector<16xi32>
        %mul3A_858 = arith.constant 16 : i32
        %mul3A_859 = arith.muli %scan3A_843, %mul3A_858 : i32
        %add3A_860 = arith.constant 256 : i32
        %add3A_861 = arith.addi %add3A_860, %mul3A_859 : i32
        %add3A_862 = vector.broadcast %add3A_861 : i32 to vector<16xi32>
        %add3A_863 = arith.addi %add3A_862, %iota3A : vector<16xi32>
        %lt3A = vector.broadcast %reduce_min3A_308 : i32 to vector<16xi32>
        %lt3A_864 = arith.cmpi slt, %add3A_857, %lt3A : vector<16xi32>
        %jit3A_865 = arith.constant 0x7F800000 : f32
        %broadcast_in_dim3A_866 = vector.broadcast %jit3A_865 : f32 to vector<16xf32>
        %select_n3A_867 = arith.select %lt3A_864, %get3A_852, %broadcast_in_dim3A_866 : vector<16xi1>, vector<16xf32>
        %lt3A_868 = arith.cmpf olt, %select_n3A_867, %scan3A_844 : vector<16xf32>
        %select_n3A_869 = arith.select %lt3A_868, %select_n3A_867, %scan3A_844 : vector<16xi1>, vector<16xf32>
        %select_n3A_870 = arith.select %lt3A_868, %add3A_857, %scan3A_845 : vector<16xi1>, vector<16xi32>
        %select_n3A_871 = arith.select %lt3A_868, %add3A_863, %scan3A_846 : vector<16xi1>, vector<16xi32>
        scf.yield %select_n3A_869, %select_n3A_870, %select_n3A_871 : vector<16xf32>, vector<16xi32>, vector<16xi32>
      }
      %scan3A_708 = arith.constant 8 : i32
      %scan3A_709 = arith.constant 0 : i32
      %scan3A_710 = arith.constant 8 : i32
      %scan3A_711 = arith.addi %scan3A_709, %scan3A_710 : i32
      %scan3A_712 = arith.constant 1 : i32
      %scan3A_713:3 = scf.for %scan3A_843 = %scan3A_709 to %scan3A_711 step %scan3A_712 iter_args(%scan3A_844 = %scan3A_707#0, %scan3A_845 = %scan3A_707#1, %scan3A_846 = %scan3A_707#2) -> (vector<16xf32>, vector<16xi32>, vector<16xi32>)  : i32 {
        %mul3A_847 = arith.constant 16 : i32
        %mul3A_848 = arith.muli %scan3A_843, %mul3A_847 : i32
        %get3A = arith.constant 3 : i32
        %get3A_849 = arith.index_cast %get3A : i32 to index
        %get3A_850 = arith.index_cast %and3A_340 : i32 to index
        %get3A_851 = arith.index_cast %mul3A_848 : i32 to index
        %get3A_852 = tpu.vector_load %arg6[%get3A_849, %get3A_850, %get3A_851] {strides = array<i32>} : memref<5x8x128xf32, #tpu.memory_space<vmem>>, vector<16xf32>,
        %mul3A_853 = arith.constant 16 : i32
        %mul3A_854 = arith.muli %scan3A_843, %mul3A_853 : i32
        %add3A_855 = arith.addi %reduce_min3A_249, %mul3A_854 : i32
        %add3A_856 = vector.broadcast %add3A_855 : i32 to vector<16xi32>
        %add3A_857 = arith.addi %add3A_856, %iota3A : vector<16xi32>
        %mul3A_858 = arith.constant 16 : i32
        %mul3A_859 = arith.muli %scan3A_843, %mul3A_858 : i32
        %add3A_860 = arith.constant 384 : i32
        %add3A_861 = arith.addi %add3A_860, %mul3A_859 : i32
        %add3A_862 = vector.broadcast %add3A_861 : i32 to vector<16xi32>
        %add3A_863 = arith.addi %add3A_862, %iota3A : vector<16xi32>
        %lt3A = vector.broadcast %reduce_min3A_322 : i32 to vector<16xi32>
        %lt3A_864 = arith.cmpi slt, %add3A_857, %lt3A : vector<16xi32>
        %jit3A_865 = arith.constant 0x7F800000 : f32
        %broadcast_in_dim3A_866 = vector.broadcast %jit3A_865 : f32 to vector<16xf32>
        %select_n3A_867 = arith.select %lt3A_864, %get3A_852, %broadcast_in_dim3A_866 : vector<16xi1>, vector<16xf32>
        %lt3A_868 = arith.cmpf olt, %select_n3A_867, %scan3A_844 : vector<16xf32>
        %select_n3A_869 = arith.select %lt3A_868, %select_n3A_867, %scan3A_844 : vector<16xi1>, vector<16xf32>
        %select_n3A_870 = arith.select %lt3A_868, %add3A_857, %scan3A_845 : vector<16xi1>, vector<16xi32>
        %select_n3A_871 = arith.select %lt3A_868, %add3A_863, %scan3A_846 : vector<16xi1>, vector<16xi32>
        scf.yield %select_n3A_869, %select_n3A_870, %select_n3A_871 : vector<16xf32>, vector<16xi32>, vector<16xi32>
      }
      %scan3A_714 = arith.constant 8 : i32
      %scan3A_715 = arith.constant 0 : i32
      %scan3A_716 = arith.constant 8 : i32
      %scan3A_717 = arith.addi %scan3A_715, %scan3A_716 : i32
      %scan3A_718 = arith.constant 1 : i32
      %scan3A_719:3 = scf.for %scan3A_843 = %scan3A_715 to %scan3A_717 step %scan3A_718 iter_args(%scan3A_844 = %scan3A_713#0, %scan3A_845 = %scan3A_713#1, %scan3A_846 = %scan3A_713#2) -> (vector<16xf32>, vector<16xi32>, vector<16xi32>)  : i32 {
        %mul3A_847 = arith.constant 16 : i32
        %mul3A_848 = arith.muli %scan3A_843, %mul3A_847 : i32
        %get3A = arith.constant 4 : i32
        %get3A_849 = arith.index_cast %get3A : i32 to index
        %get3A_850 = arith.index_cast %and3A_340 : i32 to index
        %get3A_851 = arith.index_cast %mul3A_848 : i32 to index
        %get3A_852 = tpu.vector_load %arg6[%get3A_849, %get3A_850, %get3A_851] {strides = array<i32>} : memref<5x8x128xf32, #tpu.memory_space<vmem>>, vector<16xf32>,
        %mul3A_853 = arith.constant 16 : i32
        %mul3A_854 = arith.muli %scan3A_843, %mul3A_853 : i32
        %add3A_855 = arith.addi %reduce_min3A_266, %mul3A_854 : i32
        %add3A_856 = vector.broadcast %add3A_855 : i32 to vector<16xi32>
        %add3A_857 = arith.addi %add3A_856, %iota3A : vector<16xi32>
        %mul3A_858 = arith.constant 16 : i32
        %mul3A_859 = arith.muli %scan3A_843, %mul3A_858 : i32
        %add3A_860 = arith.constant 512 : i32
        %add3A_861 = arith.addi %add3A_860, %mul3A_859 : i32
        %add3A_862 = vector.broadcast %add3A_861 : i32 to vector<16xi32>
        %add3A_863 = arith.addi %add3A_862, %iota3A : vector<16xi32>
        %lt3A = vector.broadcast %reduce_min3A_336 : i32 to vector<16xi32>
        %lt3A_864 = arith.cmpi slt, %add3A_857, %lt3A : vector<16xi32>
        %jit3A_865 = arith.constant 0x7F800000 : f32
        %broadcast_in_dim3A_866 = vector.broadcast %jit3A_865 : f32 to vector<16xf32>
        %select_n3A_867 = arith.select %lt3A_864, %get3A_852, %broadcast_in_dim3A_866 : vector<16xi1>, vector<16xf32>
        %lt3A_868 = arith.cmpf olt, %select_n3A_867, %scan3A_844 : vector<16xf32>
        %select_n3A_869 = arith.select %lt3A_868, %select_n3A_867, %scan3A_844 : vector<16xi1>, vector<16xf32>
        %select_n3A_870 = arith.select %lt3A_868, %add3A_857, %scan3A_845 : vector<16xi1>, vector<16xi32>
        %select_n3A_871 = arith.select %lt3A_868, %add3A_863, %scan3A_846 : vector<16xi1>, vector<16xi32>
        scf.yield %select_n3A_869, %select_n3A_870, %select_n3A_871 : vector<16xf32>, vector<16xi32>, vector<16xi32>
      }
      %scan3A_720 = arith.constant 8 : i32
      %reduce_min3A_721 = arith.constant true
      %reduce_min3A_722 = vector.broadcast %reduce_min3A_721 : i1 to vector<16xi1>
      %reduce_min3A_723 = tpu.scan <min>, %scan3A_719#0 masked %reduce_min3A_722 : vector<16xf32>, vector<16xi1> -> vector<16xf32>
      %reduce_min3A_724 = vector.extract %reduce_min3A_723[15] : f32 from vector<16xf32>
      %eq3A_725 = vector.broadcast %reduce_min3A_724 : f32 to vector<16xf32>
      %eq3A_726 = arith.cmpf oeq, %scan3A_719#0, %eq3A_725 : vector<16xf32>
      %jit3A_727 = arith.constant 1073741824 : i32
      %broadcast_in_dim3A_728 = vector.broadcast %jit3A_727 : i32 to vector<16xi32>
      %select_n3A_729 = arith.select %eq3A_726, %scan3A_719#1, %broadcast_in_dim3A_728 : vector<16xi1>, vector<16xi32>
      %reduce_min3A_730 = arith.constant true
      %reduce_min3A_731 = vector.broadcast %reduce_min3A_730 : i1 to vector<16xi1>
      %reduce_min3A_732 = arith.constant -2147483648 : i32
      %reduce_min3A_733 = vector.broadcast %reduce_min3A_732 : i32 to vector<16xi32>
      %reduce_min3A_734 = arith.xori %select_n3A_729, %reduce_min3A_733 : vector<16xi32>
      %reduce_min3A_735 = tpu.scan <min>, %reduce_min3A_734 masked %reduce_min3A_731 : vector<16xi32>, vector<16xi1> -> vector<16xi32>
      %reduce_min3A_736 = arith.xori %reduce_min3A_735, %reduce_min3A_733 : vector<16xi32>
      %reduce_min3A_737 = vector.extract %reduce_min3A_736[15] : i32 from vector<16xi32>
      %eq3A_738 = vector.broadcast %reduce_min3A_737 : i32 to vector<16xi32>
      %eq3A_739 = arith.cmpi eq, %scan3A_719#1, %eq3A_738 : vector<16xi32>
      %and3A_740 = arith.andi %eq3A_726, %eq3A_739 : vector<16xi1>
      %jit3A_741 = arith.constant 1073741824 : i32
      %broadcast_in_dim3A_742 = vector.broadcast %jit3A_741 : i32 to vector<16xi32>
      %select_n3A_743 = arith.select %and3A_740, %scan3A_719#2, %broadcast_in_dim3A_742 : vector<16xi1>, vector<16xi32>
      %reduce_min3A_744 = arith.constant true
      %reduce_min3A_745 = vector.broadcast %reduce_min3A_744 : i1 to vector<16xi1>
      %reduce_min3A_746 = arith.constant -2147483648 : i32
      %reduce_min3A_747 = vector.broadcast %reduce_min3A_746 : i32 to vector<16xi32>
      %reduce_min3A_748 = arith.xori %select_n3A_743, %reduce_min3A_747 : vector<16xi32>
      %reduce_min3A_749 = tpu.scan <min>, %reduce_min3A_748 masked %reduce_min3A_745 : vector<16xi32>, vector<16xi1> -> vector<16xi32>
      %reduce_min3A_750 = arith.xori %reduce_min3A_749, %reduce_min3A_747 : vector<16xi32>
      %reduce_min3A_751 = vector.extract %reduce_min3A_750[15] : i32 from vector<16xi32>
      %eq3A_752 = arith.constant 3 : i32
      %eq3A_753 = vector.broadcast %eq3A_752 : i32 to vector<16xi32>
      %eq3A_754 = arith.cmpi eq, %iota3A, %eq3A_753 : vector<16xi32>
      %broadcast_in_dim3A_755 = vector.broadcast %reduce_min3A_737 : i32 to vector<16xi32>
      %select_n3A_756 = arith.select %eq3A_754, %broadcast_in_dim3A_755, %select_n3A_679 : vector<16xi1>, vector<16xi32>
      %shift_right_arithmetic3A_757 = arith.constant 7 : i32
      %shift_right_arithmetic3A_758 = arith.shrsi %reduce_min3A_751, %shift_right_arithmetic3A_757 : i32
      %broadcast_in_dim3A_759 = vector.broadcast %shift_right_arithmetic3A_758 : i32 to vector<16xi32>
      %broadcast_in_dim3A_760 = vector.broadcast %and3A_340 : i32 to vector<16xi32>
      %and3A_761 = arith.constant 127 : i32
      %and3A_762 = arith.andi %reduce_min3A_751, %and3A_761 : i32
      %broadcast_in_dim3A_763 = vector.broadcast %and3A_762 : i32 to vector<16xi32>
      tpu.vector_store_idx %arg6[%broadcast_in_dim3A_759, %broadcast_in_dim3A_760, %broadcast_in_dim3A_763], %broadcast_in_dim3A_5 masked %eq3A_4 : memref<5x8x128xf32, #tpu.memory_space<vmem>>[vector<16xi32>, vector<16xi32>, vector<16xi32>], vector<16xf32>, vector<16xi1>
      %broadcast_in_dim3A_764 = arith.constant 0 : i32
      %broadcast_in_dim3A_765 = vector.broadcast %broadcast_in_dim3A_764 : i32 to vector<16xi32>
      %broadcast_in_dim3A_766 = arith.constant 0 : i32
      %broadcast_in_dim3A_767 = vector.broadcast %broadcast_in_dim3A_766 : i32 to vector<16xi32>
      %scan3A_768 = arith.constant 0 : i32
      %scan3A_769 = arith.constant 8 : i32
      %scan3A_770 = arith.addi %scan3A_768, %scan3A_769 : i32
      %scan3A_771 = arith.constant 1 : i32
      %scan3A_772:3 = scf.for %scan3A_843 = %scan3A_768 to %scan3A_770 step %scan3A_771 iter_args(%scan3A_844 = %broadcast_in_dim3A_5, %scan3A_845 = %broadcast_in_dim3A_765, %scan3A_846 = %broadcast_in_dim3A_767) -> (vector<16xf32>, vector<16xi32>, vector<16xi32>)  : i32 {
        %mul3A_847 = arith.constant 16 : i32
        %mul3A_848 = arith.muli %scan3A_843, %mul3A_847 : i32
        %get3A = arith.constant 0 : i32
        %get3A_849 = arith.index_cast %get3A : i32 to index
        %get3A_850 = arith.index_cast %and3A_340 : i32 to index
        %get3A_851 = arith.index_cast %mul3A_848 : i32 to index
        %get3A_852 = tpu.vector_load %arg6[%get3A_849, %get3A_850, %get3A_851] {strides = array<i32>} : memref<5x8x128xf32, #tpu.memory_space<vmem>>, vector<16xf32>,
        %mul3A_853 = arith.constant 16 : i32
        %mul3A_854 = arith.muli %scan3A_843, %mul3A_853 : i32
        %add3A_855 = arith.addi %reduce_min3A_198, %mul3A_854 : i32
        %add3A_856 = vector.broadcast %add3A_855 : i32 to vector<16xi32>
        %add3A_857 = arith.addi %add3A_856, %iota3A : vector<16xi32>
        %mul3A_858 = arith.constant 16 : i32
        %mul3A_859 = arith.muli %scan3A_843, %mul3A_858 : i32
        %add3A_860 = arith.constant 0 : i32
        %add3A_861 = arith.addi %add3A_860, %mul3A_859 : i32
        %add3A_862 = vector.broadcast %add3A_861 : i32 to vector<16xi32>
        %add3A_863 = arith.addi %add3A_862, %iota3A : vector<16xi32>
        %lt3A = vector.broadcast %reduce_min3A_280 : i32 to vector<16xi32>
        %lt3A_864 = arith.cmpi slt, %add3A_857, %lt3A : vector<16xi32>
        %jit3A_865 = arith.constant 0x7F800000 : f32
        %broadcast_in_dim3A_866 = vector.broadcast %jit3A_865 : f32 to vector<16xf32>
        %select_n3A_867 = arith.select %lt3A_864, %get3A_852, %broadcast_in_dim3A_866 : vector<16xi1>, vector<16xf32>
        %lt3A_868 = arith.cmpf olt, %select_n3A_867, %scan3A_844 : vector<16xf32>
        %select_n3A_869 = arith.select %lt3A_868, %select_n3A_867, %scan3A_844 : vector<16xi1>, vector<16xf32>
        %select_n3A_870 = arith.select %lt3A_868, %add3A_857, %scan3A_845 : vector<16xi1>, vector<16xi32>
        %select_n3A_871 = arith.select %lt3A_868, %add3A_863, %scan3A_846 : vector<16xi1>, vector<16xi32>
        scf.yield %select_n3A_869, %select_n3A_870, %select_n3A_871 : vector<16xf32>, vector<16xi32>, vector<16xi32>
      }
      %scan3A_773 = arith.constant 8 : i32
      %scan3A_774 = arith.constant 0 : i32
      %scan3A_775 = arith.constant 8 : i32
      %scan3A_776 = arith.addi %scan3A_774, %scan3A_775 : i32
      %scan3A_777 = arith.constant 1 : i32
      %scan3A_778:3 = scf.for %scan3A_843 = %scan3A_774 to %scan3A_776 step %scan3A_777 iter_args(%scan3A_844 = %scan3A_772#0, %scan3A_845 = %scan3A_772#1, %scan3A_846 = %scan3A_772#2) -> (vector<16xf32>, vector<16xi32>, vector<16xi32>)  : i32 {
        %mul3A_847 = arith.constant 16 : i32
        %mul3A_848 = arith.muli %scan3A_843, %mul3A_847 : i32
        %get3A = arith.constant 1 : i32
        %get3A_849 = arith.index_cast %get3A : i32 to index
        %get3A_850 = arith.index_cast %and3A_340 : i32 to index
        %get3A_851 = arith.index_cast %mul3A_848 : i32 to index
        %get3A_852 = tpu.vector_load %arg6[%get3A_849, %get3A_850, %get3A_851] {strides = array<i32>} : memref<5x8x128xf32, #tpu.memory_space<vmem>>, vector<16xf32>,
        %mul3A_853 = arith.constant 16 : i32
        %mul3A_854 = arith.muli %scan3A_843, %mul3A_853 : i32
        %add3A_855 = arith.addi %reduce_min3A_215, %mul3A_854 : i32
        %add3A_856 = vector.broadcast %add3A_855 : i32 to vector<16xi32>
        %add3A_857 = arith.addi %add3A_856, %iota3A : vector<16xi32>
        %mul3A_858 = arith.constant 16 : i32
        %mul3A_859 = arith.muli %scan3A_843, %mul3A_858 : i32
        %add3A_860 = arith.constant 128 : i32
        %add3A_861 = arith.addi %add3A_860, %mul3A_859 : i32
        %add3A_862 = vector.broadcast %add3A_861 : i32 to vector<16xi32>
        %add3A_863 = arith.addi %add3A_862, %iota3A : vector<16xi32>
        %lt3A = vector.broadcast %reduce_min3A_294 : i32 to vector<16xi32>
        %lt3A_864 = arith.cmpi slt, %add3A_857, %lt3A : vector<16xi32>
        %jit3A_865 = arith.constant 0x7F800000 : f32
        %broadcast_in_dim3A_866 = vector.broadcast %jit3A_865 : f32 to vector<16xf32>
        %select_n3A_867 = arith.select %lt3A_864, %get3A_852, %broadcast_in_dim3A_866 : vector<16xi1>, vector<16xf32>
        %lt3A_868 = arith.cmpf olt, %select_n3A_867, %scan3A_844 : vector<16xf32>
        %select_n3A_869 = arith.select %lt3A_868, %select_n3A_867, %scan3A_844 : vector<16xi1>, vector<16xf32>
        %select_n3A_870 = arith.select %lt3A_868, %add3A_857, %scan3A_845 : vector<16xi1>, vector<16xi32>
        %select_n3A_871 = arith.select %lt3A_868, %add3A_863, %scan3A_846 : vector<16xi1>, vector<16xi32>
        scf.yield %select_n3A_869, %select_n3A_870, %select_n3A_871 : vector<16xf32>, vector<16xi32>, vector<16xi32>
      }
      %scan3A_779 = arith.constant 8 : i32
      %scan3A_780 = arith.constant 0 : i32
      %scan3A_781 = arith.constant 8 : i32
      %scan3A_782 = arith.addi %scan3A_780, %scan3A_781 : i32
      %scan3A_783 = arith.constant 1 : i32
      %scan3A_784:3 = scf.for %scan3A_843 = %scan3A_780 to %scan3A_782 step %scan3A_783 iter_args(%scan3A_844 = %scan3A_778#0, %scan3A_845 = %scan3A_778#1, %scan3A_846 = %scan3A_778#2) -> (vector<16xf32>, vector<16xi32>, vector<16xi32>)  : i32 {
        %mul3A_847 = arith.constant 16 : i32
        %mul3A_848 = arith.muli %scan3A_843, %mul3A_847 : i32
        %get3A = arith.constant 2 : i32
        %get3A_849 = arith.index_cast %get3A : i32 to index
        %get3A_850 = arith.index_cast %and3A_340 : i32 to index
        %get3A_851 = arith.index_cast %mul3A_848 : i32 to index
        %get3A_852 = tpu.vector_load %arg6[%get3A_849, %get3A_850, %get3A_851] {strides = array<i32>} : memref<5x8x128xf32, #tpu.memory_space<vmem>>, vector<16xf32>,
        %mul3A_853 = arith.constant 16 : i32
        %mul3A_854 = arith.muli %scan3A_843, %mul3A_853 : i32
        %add3A_855 = arith.addi %reduce_min3A_232, %mul3A_854 : i32
        %add3A_856 = vector.broadcast %add3A_855 : i32 to vector<16xi32>
        %add3A_857 = arith.addi %add3A_856, %iota3A : vector<16xi32>
        %mul3A_858 = arith.constant 16 : i32
        %mul3A_859 = arith.muli %scan3A_843, %mul3A_858 : i32
        %add3A_860 = arith.constant 256 : i32
        %add3A_861 = arith.addi %add3A_860, %mul3A_859 : i32
        %add3A_862 = vector.broadcast %add3A_861 : i32 to vector<16xi32>
        %add3A_863 = arith.addi %add3A_862, %iota3A : vector<16xi32>
        %lt3A = vector.broadcast %reduce_min3A_308 : i32 to vector<16xi32>
        %lt3A_864 = arith.cmpi slt, %add3A_857, %lt3A : vector<16xi32>
        %jit3A_865 = arith.constant 0x7F800000 : f32
        %broadcast_in_dim3A_866 = vector.broadcast %jit3A_865 : f32 to vector<16xf32>
        %select_n3A_867 = arith.select %lt3A_864, %get3A_852, %broadcast_in_dim3A_866 : vector<16xi1>, vector<16xf32>
        %lt3A_868 = arith.cmpf olt, %select_n3A_867, %scan3A_844 : vector<16xf32>
        %select_n3A_869 = arith.select %lt3A_868, %select_n3A_867, %scan3A_844 : vector<16xi1>, vector<16xf32>
        %select_n3A_870 = arith.select %lt3A_868, %add3A_857, %scan3A_845 : vector<16xi1>, vector<16xi32>
        %select_n3A_871 = arith.select %lt3A_868, %add3A_863, %scan3A_846 : vector<16xi1>, vector<16xi32>
        scf.yield %select_n3A_869, %select_n3A_870, %select_n3A_871 : vector<16xf32>, vector<16xi32>, vector<16xi32>
      }
      %scan3A_785 = arith.constant 8 : i32
      %scan3A_786 = arith.constant 0 : i32
      %scan3A_787 = arith.constant 8 : i32
      %scan3A_788 = arith.addi %scan3A_786, %scan3A_787 : i32
      %scan3A_789 = arith.constant 1 : i32
      %scan3A_790:3 = scf.for %scan3A_843 = %scan3A_786 to %scan3A_788 step %scan3A_789 iter_args(%scan3A_844 = %scan3A_784#0, %scan3A_845 = %scan3A_784#1, %scan3A_846 = %scan3A_784#2) -> (vector<16xf32>, vector<16xi32>, vector<16xi32>)  : i32 {
        %mul3A_847 = arith.constant 16 : i32
        %mul3A_848 = arith.muli %scan3A_843, %mul3A_847 : i32
        %get3A = arith.constant 3 : i32
        %get3A_849 = arith.index_cast %get3A : i32 to index
        %get3A_850 = arith.index_cast %and3A_340 : i32 to index
        %get3A_851 = arith.index_cast %mul3A_848 : i32 to index
        %get3A_852 = tpu.vector_load %arg6[%get3A_849, %get3A_850, %get3A_851] {strides = array<i32>} : memref<5x8x128xf32, #tpu.memory_space<vmem>>, vector<16xf32>,
        %mul3A_853 = arith.constant 16 : i32
        %mul3A_854 = arith.muli %scan3A_843, %mul3A_853 : i32
        %add3A_855 = arith.addi %reduce_min3A_249, %mul3A_854 : i32
        %add3A_856 = vector.broadcast %add3A_855 : i32 to vector<16xi32>
        %add3A_857 = arith.addi %add3A_856, %iota3A : vector<16xi32>
        %mul3A_858 = arith.constant 16 : i32
        %mul3A_859 = arith.muli %scan3A_843, %mul3A_858 : i32
        %add3A_860 = arith.constant 384 : i32
        %add3A_861 = arith.addi %add3A_860, %mul3A_859 : i32
        %add3A_862 = vector.broadcast %add3A_861 : i32 to vector<16xi32>
        %add3A_863 = arith.addi %add3A_862, %iota3A : vector<16xi32>
        %lt3A = vector.broadcast %reduce_min3A_322 : i32 to vector<16xi32>
        %lt3A_864 = arith.cmpi slt, %add3A_857, %lt3A : vector<16xi32>
        %jit3A_865 = arith.constant 0x7F800000 : f32
        %broadcast_in_dim3A_866 = vector.broadcast %jit3A_865 : f32 to vector<16xf32>
        %select_n3A_867 = arith.select %lt3A_864, %get3A_852, %broadcast_in_dim3A_866 : vector<16xi1>, vector<16xf32>
        %lt3A_868 = arith.cmpf olt, %select_n3A_867, %scan3A_844 : vector<16xf32>
        %select_n3A_869 = arith.select %lt3A_868, %select_n3A_867, %scan3A_844 : vector<16xi1>, vector<16xf32>
        %select_n3A_870 = arith.select %lt3A_868, %add3A_857, %scan3A_845 : vector<16xi1>, vector<16xi32>
        %select_n3A_871 = arith.select %lt3A_868, %add3A_863, %scan3A_846 : vector<16xi1>, vector<16xi32>
        scf.yield %select_n3A_869, %select_n3A_870, %select_n3A_871 : vector<16xf32>, vector<16xi32>, vector<16xi32>
      }
      %scan3A_791 = arith.constant 8 : i32
      %scan3A_792 = arith.constant 0 : i32
      %scan3A_793 = arith.constant 8 : i32
      %scan3A_794 = arith.addi %scan3A_792, %scan3A_793 : i32
      %scan3A_795 = arith.constant 1 : i32
      %scan3A_796:3 = scf.for %scan3A_843 = %scan3A_792 to %scan3A_794 step %scan3A_795 iter_args(%scan3A_844 = %scan3A_790#0, %scan3A_845 = %scan3A_790#1, %scan3A_846 = %scan3A_790#2) -> (vector<16xf32>, vector<16xi32>, vector<16xi32>)  : i32 {
        %mul3A_847 = arith.constant 16 : i32
        %mul3A_848 = arith.muli %scan3A_843, %mul3A_847 : i32
        %get3A = arith.constant 4 : i32
        %get3A_849 = arith.index_cast %get3A : i32 to index
        %get3A_850 = arith.index_cast %and3A_340 : i32 to index
        %get3A_851 = arith.index_cast %mul3A_848 : i32 to index
        %get3A_852 = tpu.vector_load %arg6[%get3A_849, %get3A_850, %get3A_851] {strides = array<i32>} : memref<5x8x128xf32, #tpu.memory_space<vmem>>, vector<16xf32>,
        %mul3A_853 = arith.constant 16 : i32
        %mul3A_854 = arith.muli %scan3A_843, %mul3A_853 : i32
        %add3A_855 = arith.addi %reduce_min3A_266, %mul3A_854 : i32
        %add3A_856 = vector.broadcast %add3A_855 : i32 to vector<16xi32>
        %add3A_857 = arith.addi %add3A_856, %iota3A : vector<16xi32>
        %mul3A_858 = arith.constant 16 : i32
        %mul3A_859 = arith.muli %scan3A_843, %mul3A_858 : i32
        %add3A_860 = arith.constant 512 : i32
        %add3A_861 = arith.addi %add3A_860, %mul3A_859 : i32
        %add3A_862 = vector.broadcast %add3A_861 : i32 to vector<16xi32>
        %add3A_863 = arith.addi %add3A_862, %iota3A : vector<16xi32>
        %lt3A = vector.broadcast %reduce_min3A_336 : i32 to vector<16xi32>
        %lt3A_864 = arith.cmpi slt, %add3A_857, %lt3A : vector<16xi32>
        %jit3A_865 = arith.constant 0x7F800000 : f32
        %broadcast_in_dim3A_866 = vector.broadcast %jit3A_865 : f32 to vector<16xf32>
        %select_n3A_867 = arith.select %lt3A_864, %get3A_852, %broadcast_in_dim3A_866 : vector<16xi1>, vector<16xf32>
        %lt3A_868 = arith.cmpf olt, %select_n3A_867, %scan3A_844 : vector<16xf32>
        %select_n3A_869 = arith.select %lt3A_868, %select_n3A_867, %scan3A_844 : vector<16xi1>, vector<16xf32>
        %select_n3A_870 = arith.select %lt3A_868, %add3A_857, %scan3A_845 : vector<16xi1>, vector<16xi32>
        %select_n3A_871 = arith.select %lt3A_868, %add3A_863, %scan3A_846 : vector<16xi1>, vector<16xi32>
        scf.yield %select_n3A_869, %select_n3A_870, %select_n3A_871 : vector<16xf32>, vector<16xi32>, vector<16xi32>
      }
      %scan3A_797 = arith.constant 8 : i32
      %reduce_min3A_798 = arith.constant true
      %reduce_min3A_799 = vector.broadcast %reduce_min3A_798 : i1 to vector<16xi1>
      %reduce_min3A_800 = tpu.scan <min>, %scan3A_796#0 masked %reduce_min3A_799 : vector<16xf32>, vector<16xi1> -> vector<16xf32>
      %reduce_min3A_801 = vector.extract %reduce_min3A_800[15] : f32 from vector<16xf32>
      %eq3A_802 = vector.broadcast %reduce_min3A_801 : f32 to vector<16xf32>
      %eq3A_803 = arith.cmpf oeq, %scan3A_796#0, %eq3A_802 : vector<16xf32>
      %jit3A_804 = arith.constant 1073741824 : i32
      %broadcast_in_dim3A_805 = vector.broadcast %jit3A_804 : i32 to vector<16xi32>
      %select_n3A_806 = arith.select %eq3A_803, %scan3A_796#1, %broadcast_in_dim3A_805 : vector<16xi1>, vector<16xi32>
      %reduce_min3A_807 = arith.constant true
      %reduce_min3A_808 = vector.broadcast %reduce_min3A_807 : i1 to vector<16xi1>
      %reduce_min3A_809 = arith.constant -2147483648 : i32
      %reduce_min3A_810 = vector.broadcast %reduce_min3A_809 : i32 to vector<16xi32>
      %reduce_min3A_811 = arith.xori %select_n3A_806, %reduce_min3A_810 : vector<16xi32>
      %reduce_min3A_812 = tpu.scan <min>, %reduce_min3A_811 masked %reduce_min3A_808 : vector<16xi32>, vector<16xi1> -> vector<16xi32>
      %reduce_min3A_813 = arith.xori %reduce_min3A_812, %reduce_min3A_810 : vector<16xi32>
      %reduce_min3A_814 = vector.extract %reduce_min3A_813[15] : i32 from vector<16xi32>
      %eq3A_815 = vector.broadcast %reduce_min3A_814 : i32 to vector<16xi32>
      %eq3A_816 = arith.cmpi eq, %scan3A_796#1, %eq3A_815 : vector<16xi32>
      %and3A_817 = arith.andi %eq3A_803, %eq3A_816 : vector<16xi1>
      %jit3A_818 = arith.constant 1073741824 : i32
      %broadcast_in_dim3A_819 = vector.broadcast %jit3A_818 : i32 to vector<16xi32>
      %select_n3A_820 = arith.select %and3A_817, %scan3A_796#2, %broadcast_in_dim3A_819 : vector<16xi1>, vector<16xi32>
      %reduce_min3A_821 = arith.constant true
      %reduce_min3A_822 = vector.broadcast %reduce_min3A_821 : i1 to vector<16xi1>
      %reduce_min3A_823 = arith.constant -2147483648 : i32
      %reduce_min3A_824 = vector.broadcast %reduce_min3A_823 : i32 to vector<16xi32>
      %reduce_min3A_825 = arith.xori %select_n3A_820, %reduce_min3A_824 : vector<16xi32>
      %reduce_min3A_826 = tpu.scan <min>, %reduce_min3A_825 masked %reduce_min3A_822 : vector<16xi32>, vector<16xi1> -> vector<16xi32>
      %reduce_min3A_827 = arith.xori %reduce_min3A_826, %reduce_min3A_824 : vector<16xi32>
      %reduce_min3A_828 = vector.extract %reduce_min3A_827[15] : i32 from vector<16xi32>
      %eq3A_829 = arith.constant 4 : i32
      %eq3A_830 = vector.broadcast %eq3A_829 : i32 to vector<16xi32>
      %eq3A_831 = arith.cmpi eq, %iota3A, %eq3A_830 : vector<16xi32>
      %broadcast_in_dim3A_832 = vector.broadcast %reduce_min3A_814 : i32 to vector<16xi32>
      %select_n3A_833 = arith.select %eq3A_831, %broadcast_in_dim3A_832, %select_n3A_756 : vector<16xi1>, vector<16xi32>
      %shift_right_arithmetic3A_834 = arith.constant 7 : i32
      %shift_right_arithmetic3A_835 = arith.shrsi %reduce_min3A_828, %shift_right_arithmetic3A_834 : i32
      %broadcast_in_dim3A_836 = vector.broadcast %shift_right_arithmetic3A_835 : i32 to vector<16xi32>
      %broadcast_in_dim3A_837 = vector.broadcast %and3A_340 : i32 to vector<16xi32>
      %and3A_838 = arith.constant 127 : i32
      %and3A_839 = arith.andi %reduce_min3A_828, %and3A_838 : i32
      %broadcast_in_dim3A_840 = vector.broadcast %and3A_839 : i32 to vector<16xi32>
      tpu.vector_store_idx %arg6[%broadcast_in_dim3A_836, %broadcast_in_dim3A_837, %broadcast_in_dim3A_840], %broadcast_in_dim3A_5 masked %eq3A_4 : memref<5x8x128xf32, #tpu.memory_space<vmem>>[vector<16xi32>, vector<16xi32>, vector<16xi32>], vector<16xf32>, vector<16xi1>
      %swap3A = arith.index_cast %scan3A_11 : i32 to index
      %swap3A_841 = arith.constant 0 : index
      %swap3A_842 = tpu.vector_load %arg7[%swap3A, %swap3A_841] {strides = array<i32>} : memref<32x16xi32, #tpu.memory_space<vmem>>, vector<16xi32>,
      tpu.vector_store %arg7[%swap3A, %swap3A_841], %select_n3A_833 {strides = array<i32>} : memref<32x16xi32, #tpu.memory_space<vmem>>, vector<16xi32>,
    }
    %scan3A_10 = arith.constant 32 : i32
    "tpu.region"() ({
      %run_scoped3A = tpu.sem_alloc : memref<!tpu.dma_semaphore, #tpu.memory_space<semaphore_mem>>
      %dma_start3A = arith.constant 0 : i32
      %dma_start3A_11 = tpu.memref_slice %arg4[%mul3A_2, %dma_start3A] : memref<1024x16xi32, #tpu.memory_space<hbm>> -> memref<32x16xi32, #tpu.memory_space<hbm>>
      %dma_start3A_12 = arith.constant 0 : i32
      %dma_start3A_13 = tpu.memref_slice %arg4[%mul3A_2, %dma_start3A_12] : memref<1024x16xi32, #tpu.memory_space<hbm>> -> memref<32x16xi32, #tpu.memory_space<hbm>>
      tpu.enqueue_dma source(%arg7 : memref<32x16xi32, #tpu.memory_space<vmem>>) target(%dma_start3A_13 : memref<32x16xi32, #tpu.memory_space<hbm>>) target_semaphore(%run_scoped3A : memref<!tpu.dma_semaphore, #tpu.memory_space<semaphore_mem>>)
      %dma_wait3A = arith.constant 0 : i32
      %dma_wait3A_14 = tpu.memref_slice %arg4[%mul3A_2, %dma_wait3A] : memref<1024x16xi32, #tpu.memory_space<hbm>> -> memref<32x16xi32, #tpu.memory_space<hbm>>
      %dma_wait3A_15 = arith.constant 0 : i32
      %dma_wait3A_16 = tpu.memref_slice %arg4[%mul3A_2, %dma_wait3A_15] : memref<1024x16xi32, #tpu.memory_space<hbm>> -> memref<32x16xi32, #tpu.memory_space<hbm>>
      tpu.wait_dma2 semaphore(%run_scoped3A : memref<!tpu.dma_semaphore, #tpu.memory_space<semaphore_mem>>) src(%arg7 : memref<32x16xi32, #tpu.memory_space<vmem>>) dst(%dma_wait3A_16 : memref<32x16xi32, #tpu.memory_space<hbm>>)
      tpu.yield
    }) : () -> ()
    return
  }
}

module attributes {stable_mosaic.version = 14 : i64} {
  func.func @_tc_body(%arg0: i32, %arg1: memref<1024x128xf32, #tpu.memory_space<vmem>>, %arg2: memref<2048x128xf32, #tpu.memory_space<vmem>>, %arg3: memref<1024x2048xf32, #tpu.memory_space<vmem>>, %arg4: memref<1x1024x16xf32, #tpu.memory_space<vmem>>) attributes {dimension_semantics = [#tpu.dimension_semantics<arbitrary>], iteration_bounds = array<i64: 49>, scalar_prefetch = 0 : i64, scratch_operands = 0 : i64, tpu.core_type = #tpu.core_type<tc>, window_params = [{pipeline_mode = #tpu.pipeline_mode<synchronous>, transform_indices = @transform_0, window_bounds = array<i64: 1024, 128>}, {transform_indices = @transform_1, window_bounds = array<i64: 2048, 128>}, {transform_indices = @transform_2, window_bounds = array<i64: 1024, 2048>}, {transform_indices = @transform_3, window_bounds = array<i64: 1, 1024, 16>}]} {
    %get3A = arith.constant 0 : index
    %get3A_0 = arith.constant 0 : index
    %get3A_1 = vector.load %arg1[%get3A, %get3A_0] : memref<1024x128xf32, #tpu.memory_space<vmem>>, vector<1024x128xf32>
    %get3A_2 = arith.constant 0 : index
    %get3A_3 = arith.constant 0 : index
    %get3A_4 = vector.load %arg2[%get3A_2, %get3A_3] : memref<2048x128xf32, #tpu.memory_space<vmem>>, vector<2048x128xf32>
    %dot_general3A = arith.constant dense<0.000000e+00> : vector<1024x2048xf32>
    %dot_general3A_5 = tpu.matmul %get3A_1, %get3A_4, %dot_general3A {dimension_numbers = #tpu.dot_dimension_numbers<[1], [1], [0], [0], [0, 0, 1, 0], [], []>, transpose_lhs_hint = false} : vector<1024x128xf32>, vector<2048x128xf32>, vector<1024x2048xf32> -> vector<1024x2048xf32>
    %mul3A = arith.mulf %get3A_1, %get3A_1 : vector<1024x128xf32>
    %reduce_sum3A = arith.constant dense<0.000000e+00> : vector<1024xf32>
    %reduce_sum3A_6 = vector.multi_reduction <add>, %mul3A, %reduce_sum3A [1] : vector<1024x128xf32> to vector<1024xf32>
    %broadcast_in_dim3A = vector.shape_cast %reduce_sum3A_6 : vector<1024xf32> to vector<1024x1xf32>
    %sqrt3A = math.sqrt %broadcast_in_dim3A : vector<1024x1xf32>
    %broadcast_in_dim3A_7 = arith.constant 1.000000e+00 : f32
    %broadcast_in_dim3A_8 = vector.broadcast %broadcast_in_dim3A_7 : f32 to vector<8x128xf32>
    %mul3A_9 = arith.mulf %get3A_4, %get3A_4 : vector<2048x128xf32>
    %dot_general3A_10 = arith.constant dense<0.000000e+00> : vector<8x2048xf32>
    %dot_general3A_11 = tpu.matmul %broadcast_in_dim3A_8, %mul3A_9, %dot_general3A_10 {dimension_numbers = #tpu.dot_dimension_numbers<[1], [1], [0], [0], [0, 0, 1, 0], [], []>, precision = #tpu.contract_precision<fp32>, transpose_lhs_hint = false} : vector<8x128xf32>, vector<2048x128xf32>, vector<8x2048xf32> -> vector<8x2048xf32>
    %slice3A = vector.extract_strided_slice %dot_general3A_11 {offsets = [0, 0], sizes = [1, 2048], strides = [1, 1]} : vector<8x2048xf32> to vector<1x2048xf32>
    %sqrt3A_12 = math.sqrt %slice3A : vector<1x2048xf32>
    %mul3A_13 = vector.broadcast %sqrt3A : vector<1024x1xf32> to vector<1024x2048xf32>
    %mul3A_14 = vector.broadcast %sqrt3A_12 : vector<1x2048xf32> to vector<1024x2048xf32>
    %mul3A_15 = arith.mulf %mul3A_13, %mul3A_14 : vector<1024x2048xf32>
    %max3A = arith.constant 9.99999993E-9 : f32
    %max3A_16 = vector.broadcast %max3A : f32 to vector<1024x2048xf32>
    %max3A_17 = arith.maximumf %mul3A_15, %max3A_16 : vector<1024x2048xf32>
    %div3A = arith.divf %dot_general3A_5, %max3A_17 : vector<1024x2048xf32>
    %sub3A = arith.constant 1.000000e+00 : f32
    %sub3A_18 = vector.broadcast %sub3A : f32 to vector<1024x2048xf32>
    %sub3A_19 = arith.subf %sub3A_18, %div3A : vector<1024x2048xf32>
    %swap3A = arith.constant 0 : index
    %swap3A_20 = arith.constant 0 : index
    %swap3A_21 = vector.load %arg3[%swap3A, %swap3A_20] : memref<1024x2048xf32, #tpu.memory_space<vmem>>, vector<1024x2048xf32>
    tpu.vector_store %arg3[%swap3A, %swap3A_20], %sub3A_19 {strides = array<i32>} : memref<1024x2048xf32, #tpu.memory_space<vmem>>, vector<1024x2048xf32>,
    %iota3A = tpu.iota {dimensions = array<i32: 1>} : vector<1024x2048xi32>
    %mul3A_22 = arith.constant 2048 : i32
    %mul3A_23 = arith.muli %arg0, %mul3A_22 : i32
    %add3A = vector.broadcast %mul3A_23 : i32 to vector<1024x2048xi32>
    %add3A_24 = arith.addi %iota3A, %add3A : vector<1024x2048xi32>
    %lt3A = arith.constant 100000 : i32
    %lt3A_25 = vector.broadcast %lt3A : i32 to vector<1024x2048xi32>
    %lt3A_26 = arith.cmpi slt, %add3A_24, %lt3A_25 : vector<1024x2048xi32>
    %jit3A = arith.constant 0x7F800000 : f32
    %broadcast_in_dim3A_27 = vector.broadcast %jit3A : f32 to vector<1024x2048xf32>
    %select_n3A = arith.select %lt3A_26, %sub3A_19, %broadcast_in_dim3A_27 : vector<1024x2048xi1>, vector<1024x2048xf32>
    %slice3A_28 = vector.extract_strided_slice %select_n3A {offsets = [0, 0], sizes = [1024, 128], strides = [1, 1]} : vector<1024x2048xf32> to vector<1024x128xf32>
    %reduce_min3A = arith.constant dense<0x7F800000> : vector<1024xf32>
    %reduce_min3A_29 = vector.multi_reduction <minimumf>, %slice3A_28, %reduce_min3A [1] : vector<1024x128xf32> to vector<1024xf32>
    %broadcast_in_dim3A_30 = vector.shape_cast %reduce_min3A_29 : vector<1024xf32> to vector<1024x1xf32>
    %swap3A_31 = arith.constant 0 : index
    %swap3A_32 = arith.constant 0 : index
    %swap3A_33 = arith.constant 0 : index
    %swap3A_34 = vector.load %arg4[%swap3A_31, %swap3A_32, %swap3A_33] : memref<1x1024x16xf32, #tpu.memory_space<vmem>>, vector<1x1024x1xf32>
    %swap3A_35 = vector.shape_cast %swap3A_34 : vector<1x1024x1xf32> to vector<1024x1xf32>
    %swap3A_36 = vector.shape_cast %broadcast_in_dim3A_30 : vector<1024x1xf32> to vector<1x1024x1xf32>
    tpu.vector_store %arg4[%swap3A_31, %swap3A_32, %swap3A_33], %swap3A_36 {strides = array<i32>} : memref<1x1024x16xf32, #tpu.memory_space<vmem>>, vector<1x1024x1xf32>,
    %slice3A_37 = vector.extract_strided_slice %select_n3A {offsets = [0, 128], sizes = [1024, 128], strides = [1, 1]} : vector<1024x2048xf32> to vector<1024x128xf32>
    %reduce_min3A_38 = arith.constant dense<0x7F800000> : vector<1024xf32>
    %reduce_min3A_39 = vector.multi_reduction <minimumf>, %slice3A_37, %reduce_min3A_38 [1] : vector<1024x128xf32> to vector<1024xf32>
    %broadcast_in_dim3A_40 = vector.shape_cast %reduce_min3A_39 : vector<1024xf32> to vector<1024x1xf32>
    %swap3A_41 = arith.constant 0 : index
    %swap3A_42 = arith.constant 0 : index
    %swap3A_43 = arith.constant 1 : index
    %swap3A_44 = vector.load %arg4[%swap3A_41, %swap3A_42, %swap3A_43] : memref<1x1024x16xf32, #tpu.memory_space<vmem>>, vector<1x1024x1xf32>
    %swap3A_45 = vector.shape_cast %swap3A_44 : vector<1x1024x1xf32> to vector<1024x1xf32>
    %swap3A_46 = vector.shape_cast %broadcast_in_dim3A_40 : vector<1024x1xf32> to vector<1x1024x1xf32>
    tpu.vector_store %arg4[%swap3A_41, %swap3A_42, %swap3A_43], %swap3A_46 {strides = array<i32>} : memref<1x1024x16xf32, #tpu.memory_space<vmem>>, vector<1x1024x1xf32>,
    %slice3A_47 = vector.extract_strided_slice %select_n3A {offsets = [0, 256], sizes = [1024, 128], strides = [1, 1]} : vector<1024x2048xf32> to vector<1024x128xf32>
    %reduce_min3A_48 = arith.constant dense<0x7F800000> : vector<1024xf32>
    %reduce_min3A_49 = vector.multi_reduction <minimumf>, %slice3A_47, %reduce_min3A_48 [1] : vector<1024x128xf32> to vector<1024xf32>
    %broadcast_in_dim3A_50 = vector.shape_cast %reduce_min3A_49 : vector<1024xf32> to vector<1024x1xf32>
    %swap3A_51 = arith.constant 0 : index
    %swap3A_52 = arith.constant 0 : index
    %swap3A_53 = arith.constant 2 : index
    %swap3A_54 = vector.load %arg4[%swap3A_51, %swap3A_52, %swap3A_53] : memref<1x1024x16xf32, #tpu.memory_space<vmem>>, vector<1x1024x1xf32>
    %swap3A_55 = vector.shape_cast %swap3A_54 : vector<1x1024x1xf32> to vector<1024x1xf32>
    %swap3A_56 = vector.shape_cast %broadcast_in_dim3A_50 : vector<1024x1xf32> to vector<1x1024x1xf32>
    tpu.vector_store %arg4[%swap3A_51, %swap3A_52, %swap3A_53], %swap3A_56 {strides = array<i32>} : memref<1x1024x16xf32, #tpu.memory_space<vmem>>, vector<1x1024x1xf32>,
    %slice3A_57 = vector.extract_strided_slice %select_n3A {offsets = [0, 384], sizes = [1024, 128], strides = [1, 1]} : vector<1024x2048xf32> to vector<1024x128xf32>
    %reduce_min3A_58 = arith.constant dense<0x7F800000> : vector<1024xf32>
    %reduce_min3A_59 = vector.multi_reduction <minimumf>, %slice3A_57, %reduce_min3A_58 [1] : vector<1024x128xf32> to vector<1024xf32>
    %broadcast_in_dim3A_60 = vector.shape_cast %reduce_min3A_59 : vector<1024xf32> to vector<1024x1xf32>
    %swap3A_61 = arith.constant 0 : index
    %swap3A_62 = arith.constant 0 : index
    %swap3A_63 = arith.constant 3 : index
    %swap3A_64 = vector.load %arg4[%swap3A_61, %swap3A_62, %swap3A_63] : memref<1x1024x16xf32, #tpu.memory_space<vmem>>, vector<1x1024x1xf32>
    %swap3A_65 = vector.shape_cast %swap3A_64 : vector<1x1024x1xf32> to vector<1024x1xf32>
    %swap3A_66 = vector.shape_cast %broadcast_in_dim3A_60 : vector<1024x1xf32> to vector<1x1024x1xf32>
    tpu.vector_store %arg4[%swap3A_61, %swap3A_62, %swap3A_63], %swap3A_66 {strides = array<i32>} : memref<1x1024x16xf32, #tpu.memory_space<vmem>>, vector<1x1024x1xf32>,
    %slice3A_67 = vector.extract_strided_slice %select_n3A {offsets = [0, 512], sizes = [1024, 128], strides = [1, 1]} : vector<1024x2048xf32> to vector<1024x128xf32>
    %reduce_min3A_68 = arith.constant dense<0x7F800000> : vector<1024xf32>
    %reduce_min3A_69 = vector.multi_reduction <minimumf>, %slice3A_67, %reduce_min3A_68 [1] : vector<1024x128xf32> to vector<1024xf32>
    %broadcast_in_dim3A_70 = vector.shape_cast %reduce_min3A_69 : vector<1024xf32> to vector<1024x1xf32>
    %swap3A_71 = arith.constant 0 : index
    %swap3A_72 = arith.constant 0 : index
    %swap3A_73 = arith.constant 4 : index
    %swap3A_74 = vector.load %arg4[%swap3A_71, %swap3A_72, %swap3A_73] : memref<1x1024x16xf32, #tpu.memory_space<vmem>>, vector<1x1024x1xf32>
    %swap3A_75 = vector.shape_cast %swap3A_74 : vector<1x1024x1xf32> to vector<1024x1xf32>
    %swap3A_76 = vector.shape_cast %broadcast_in_dim3A_70 : vector<1024x1xf32> to vector<1x1024x1xf32>
    tpu.vector_store %arg4[%swap3A_71, %swap3A_72, %swap3A_73], %swap3A_76 {strides = array<i32>} : memref<1x1024x16xf32, #tpu.memory_space<vmem>>, vector<1x1024x1xf32>,
    %slice3A_77 = vector.extract_strided_slice %select_n3A {offsets = [0, 640], sizes = [1024, 128], strides = [1, 1]} : vector<1024x2048xf32> to vector<1024x128xf32>
    %reduce_min3A_78 = arith.constant dense<0x7F800000> : vector<1024xf32>
    %reduce_min3A_79 = vector.multi_reduction <minimumf>, %slice3A_77, %reduce_min3A_78 [1] : vector<1024x128xf32> to vector<1024xf32>
    %broadcast_in_dim3A_80 = vector.shape_cast %reduce_min3A_79 : vector<1024xf32> to vector<1024x1xf32>
    %swap3A_81 = arith.constant 0 : index
    %swap3A_82 = arith.constant 0 : index
    %swap3A_83 = arith.constant 5 : index
    %swap3A_84 = vector.load %arg4[%swap3A_81, %swap3A_82, %swap3A_83] : memref<1x1024x16xf32, #tpu.memory_space<vmem>>, vector<1x1024x1xf32>
    %swap3A_85 = vector.shape_cast %swap3A_84 : vector<1x1024x1xf32> to vector<1024x1xf32>
    %swap3A_86 = vector.shape_cast %broadcast_in_dim3A_80 : vector<1024x1xf32> to vector<1x1024x1xf32>
    tpu.vector_store %arg4[%swap3A_81, %swap3A_82, %swap3A_83], %swap3A_86 {strides = array<i32>} : memref<1x1024x16xf32, #tpu.memory_space<vmem>>, vector<1x1024x1xf32>,
    %slice3A_87 = vector.extract_strided_slice %select_n3A {offsets = [0, 768], sizes = [1024, 128], strides = [1, 1]} : vector<1024x2048xf32> to vector<1024x128xf32>
    %reduce_min3A_88 = arith.constant dense<0x7F800000> : vector<1024xf32>
    %reduce_min3A_89 = vector.multi_reduction <minimumf>, %slice3A_87, %reduce_min3A_88 [1] : vector<1024x128xf32> to vector<1024xf32>
    %broadcast_in_dim3A_90 = vector.shape_cast %reduce_min3A_89 : vector<1024xf32> to vector<1024x1xf32>
    %swap3A_91 = arith.constant 0 : index
    %swap3A_92 = arith.constant 0 : index
    %swap3A_93 = arith.constant 6 : index
    %swap3A_94 = vector.load %arg4[%swap3A_91, %swap3A_92, %swap3A_93] : memref<1x1024x16xf32, #tpu.memory_space<vmem>>, vector<1x1024x1xf32>
    %swap3A_95 = vector.shape_cast %swap3A_94 : vector<1x1024x1xf32> to vector<1024x1xf32>
    %swap3A_96 = vector.shape_cast %broadcast_in_dim3A_90 : vector<1024x1xf32> to vector<1x1024x1xf32>
    tpu.vector_store %arg4[%swap3A_91, %swap3A_92, %swap3A_93], %swap3A_96 {strides = array<i32>} : memref<1x1024x16xf32, #tpu.memory_space<vmem>>, vector<1x1024x1xf32>,
    %slice3A_97 = vector.extract_strided_slice %select_n3A {offsets = [0, 896], sizes = [1024, 128], strides = [1, 1]} : vector<1024x2048xf32> to vector<1024x128xf32>
    %reduce_min3A_98 = arith.constant dense<0x7F800000> : vector<1024xf32>
    %reduce_min3A_99 = vector.multi_reduction <minimumf>, %slice3A_97, %reduce_min3A_98 [1] : vector<1024x128xf32> to vector<1024xf32>
    %broadcast_in_dim3A_100 = vector.shape_cast %reduce_min3A_99 : vector<1024xf32> to vector<1024x1xf32>
    %swap3A_101 = arith.constant 0 : index
    %swap3A_102 = arith.constant 0 : index
    %swap3A_103 = arith.constant 7 : index
    %swap3A_104 = vector.load %arg4[%swap3A_101, %swap3A_102, %swap3A_103] : memref<1x1024x16xf32, #tpu.memory_space<vmem>>, vector<1x1024x1xf32>
    %swap3A_105 = vector.shape_cast %swap3A_104 : vector<1x1024x1xf32> to vector<1024x1xf32>
    %swap3A_106 = vector.shape_cast %broadcast_in_dim3A_100 : vector<1024x1xf32> to vector<1x1024x1xf32>
    tpu.vector_store %arg4[%swap3A_101, %swap3A_102, %swap3A_103], %swap3A_106 {strides = array<i32>} : memref<1x1024x16xf32, #tpu.memory_space<vmem>>, vector<1x1024x1xf32>,
    %slice3A_107 = vector.extract_strided_slice %select_n3A {offsets = [0, 1024], sizes = [1024, 128], strides = [1, 1]} : vector<1024x2048xf32> to vector<1024x128xf32>
    %reduce_min3A_108 = arith.constant dense<0x7F800000> : vector<1024xf32>
    %reduce_min3A_109 = vector.multi_reduction <minimumf>, %slice3A_107, %reduce_min3A_108 [1] : vector<1024x128xf32> to vector<1024xf32>
    %broadcast_in_dim3A_110 = vector.shape_cast %reduce_min3A_109 : vector<1024xf32> to vector<1024x1xf32>
    %swap3A_111 = arith.constant 0 : index
    %swap3A_112 = arith.constant 0 : index
    %swap3A_113 = arith.constant 8 : index
    %swap3A_114 = vector.load %arg4[%swap3A_111, %swap3A_112, %swap3A_113] : memref<1x1024x16xf32, #tpu.memory_space<vmem>>, vector<1x1024x1xf32>
    %swap3A_115 = vector.shape_cast %swap3A_114 : vector<1x1024x1xf32> to vector<1024x1xf32>
    %swap3A_116 = vector.shape_cast %broadcast_in_dim3A_110 : vector<1024x1xf32> to vector<1x1024x1xf32>
    tpu.vector_store %arg4[%swap3A_111, %swap3A_112, %swap3A_113], %swap3A_116 {strides = array<i32>} : memref<1x1024x16xf32, #tpu.memory_space<vmem>>, vector<1x1024x1xf32>,
    %slice3A_117 = vector.extract_strided_slice %select_n3A {offsets = [0, 1152], sizes = [1024, 128], strides = [1, 1]} : vector<1024x2048xf32> to vector<1024x128xf32>
    %reduce_min3A_118 = arith.constant dense<0x7F800000> : vector<1024xf32>
    %reduce_min3A_119 = vector.multi_reduction <minimumf>, %slice3A_117, %reduce_min3A_118 [1] : vector<1024x128xf32> to vector<1024xf32>
    %broadcast_in_dim3A_120 = vector.shape_cast %reduce_min3A_119 : vector<1024xf32> to vector<1024x1xf32>
    %swap3A_121 = arith.constant 0 : index
    %swap3A_122 = arith.constant 0 : index
    %swap3A_123 = arith.constant 9 : index
    %swap3A_124 = vector.load %arg4[%swap3A_121, %swap3A_122, %swap3A_123] : memref<1x1024x16xf32, #tpu.memory_space<vmem>>, vector<1x1024x1xf32>
    %swap3A_125 = vector.shape_cast %swap3A_124 : vector<1x1024x1xf32> to vector<1024x1xf32>
    %swap3A_126 = vector.shape_cast %broadcast_in_dim3A_120 : vector<1024x1xf32> to vector<1x1024x1xf32>
    tpu.vector_store %arg4[%swap3A_121, %swap3A_122, %swap3A_123], %swap3A_126 {strides = array<i32>} : memref<1x1024x16xf32, #tpu.memory_space<vmem>>, vector<1x1024x1xf32>,
    %slice3A_127 = vector.extract_strided_slice %select_n3A {offsets = [0, 1280], sizes = [1024, 128], strides = [1, 1]} : vector<1024x2048xf32> to vector<1024x128xf32>
    %reduce_min3A_128 = arith.constant dense<0x7F800000> : vector<1024xf32>
    %reduce_min3A_129 = vector.multi_reduction <minimumf>, %slice3A_127, %reduce_min3A_128 [1] : vector<1024x128xf32> to vector<1024xf32>
    %broadcast_in_dim3A_130 = vector.shape_cast %reduce_min3A_129 : vector<1024xf32> to vector<1024x1xf32>
    %swap3A_131 = arith.constant 0 : index
    %swap3A_132 = arith.constant 0 : index
    %swap3A_133 = arith.constant 10 : index
    %swap3A_134 = vector.load %arg4[%swap3A_131, %swap3A_132, %swap3A_133] : memref<1x1024x16xf32, #tpu.memory_space<vmem>>, vector<1x1024x1xf32>
    %swap3A_135 = vector.shape_cast %swap3A_134 : vector<1x1024x1xf32> to vector<1024x1xf32>
    %swap3A_136 = vector.shape_cast %broadcast_in_dim3A_130 : vector<1024x1xf32> to vector<1x1024x1xf32>
    tpu.vector_store %arg4[%swap3A_131, %swap3A_132, %swap3A_133], %swap3A_136 {strides = array<i32>} : memref<1x1024x16xf32, #tpu.memory_space<vmem>>, vector<1x1024x1xf32>,
    %slice3A_137 = vector.extract_strided_slice %select_n3A {offsets = [0, 1408], sizes = [1024, 128], strides = [1, 1]} : vector<1024x2048xf32> to vector<1024x128xf32>
    %reduce_min3A_138 = arith.constant dense<0x7F800000> : vector<1024xf32>
    %reduce_min3A_139 = vector.multi_reduction <minimumf>, %slice3A_137, %reduce_min3A_138 [1] : vector<1024x128xf32> to vector<1024xf32>
    %broadcast_in_dim3A_140 = vector.shape_cast %reduce_min3A_139 : vector<1024xf32> to vector<1024x1xf32>
    %swap3A_141 = arith.constant 0 : index
    %swap3A_142 = arith.constant 0 : index
    %swap3A_143 = arith.constant 11 : index
    %swap3A_144 = vector.load %arg4[%swap3A_141, %swap3A_142, %swap3A_143] : memref<1x1024x16xf32, #tpu.memory_space<vmem>>, vector<1x1024x1xf32>
    %swap3A_145 = vector.shape_cast %swap3A_144 : vector<1x1024x1xf32> to vector<1024x1xf32>
    %swap3A_146 = vector.shape_cast %broadcast_in_dim3A_140 : vector<1024x1xf32> to vector<1x1024x1xf32>
    tpu.vector_store %arg4[%swap3A_141, %swap3A_142, %swap3A_143], %swap3A_146 {strides = array<i32>} : memref<1x1024x16xf32, #tpu.memory_space<vmem>>, vector<1x1024x1xf32>,
    %slice3A_147 = vector.extract_strided_slice %select_n3A {offsets = [0, 1536], sizes = [1024, 128], strides = [1, 1]} : vector<1024x2048xf32> to vector<1024x128xf32>
    %reduce_min3A_148 = arith.constant dense<0x7F800000> : vector<1024xf32>
    %reduce_min3A_149 = vector.multi_reduction <minimumf>, %slice3A_147, %reduce_min3A_148 [1] : vector<1024x128xf32> to vector<1024xf32>
    %broadcast_in_dim3A_150 = vector.shape_cast %reduce_min3A_149 : vector<1024xf32> to vector<1024x1xf32>
    %swap3A_151 = arith.constant 0 : index
    %swap3A_152 = arith.constant 0 : index
    %swap3A_153 = arith.constant 12 : index
    %swap3A_154 = vector.load %arg4[%swap3A_151, %swap3A_152, %swap3A_153] : memref<1x1024x16xf32, #tpu.memory_space<vmem>>, vector<1x1024x1xf32>
    %swap3A_155 = vector.shape_cast %swap3A_154 : vector<1x1024x1xf32> to vector<1024x1xf32>
    %swap3A_156 = vector.shape_cast %broadcast_in_dim3A_150 : vector<1024x1xf32> to vector<1x1024x1xf32>
    tpu.vector_store %arg4[%swap3A_151, %swap3A_152, %swap3A_153], %swap3A_156 {strides = array<i32>} : memref<1x1024x16xf32, #tpu.memory_space<vmem>>, vector<1x1024x1xf32>,
    %slice3A_157 = vector.extract_strided_slice %select_n3A {offsets = [0, 1664], sizes = [1024, 128], strides = [1, 1]} : vector<1024x2048xf32> to vector<1024x128xf32>
    %reduce_min3A_158 = arith.constant dense<0x7F800000> : vector<1024xf32>
    %reduce_min3A_159 = vector.multi_reduction <minimumf>, %slice3A_157, %reduce_min3A_158 [1] : vector<1024x128xf32> to vector<1024xf32>
    %broadcast_in_dim3A_160 = vector.shape_cast %reduce_min3A_159 : vector<1024xf32> to vector<1024x1xf32>
    %swap3A_161 = arith.constant 0 : index
    %swap3A_162 = arith.constant 0 : index
    %swap3A_163 = arith.constant 13 : index
    %swap3A_164 = vector.load %arg4[%swap3A_161, %swap3A_162, %swap3A_163] : memref<1x1024x16xf32, #tpu.memory_space<vmem>>, vector<1x1024x1xf32>
    %swap3A_165 = vector.shape_cast %swap3A_164 : vector<1x1024x1xf32> to vector<1024x1xf32>
    %swap3A_166 = vector.shape_cast %broadcast_in_dim3A_160 : vector<1024x1xf32> to vector<1x1024x1xf32>
    tpu.vector_store %arg4[%swap3A_161, %swap3A_162, %swap3A_163], %swap3A_166 {strides = array<i32>} : memref<1x1024x16xf32, #tpu.memory_space<vmem>>, vector<1x1024x1xf32>,
    %slice3A_167 = vector.extract_strided_slice %select_n3A {offsets = [0, 1792], sizes = [1024, 128], strides = [1, 1]} : vector<1024x2048xf32> to vector<1024x128xf32>
    %reduce_min3A_168 = arith.constant dense<0x7F800000> : vector<1024xf32>
    %reduce_min3A_169 = vector.multi_reduction <minimumf>, %slice3A_167, %reduce_min3A_168 [1] : vector<1024x128xf32> to vector<1024xf32>
    %broadcast_in_dim3A_170 = vector.shape_cast %reduce_min3A_169 : vector<1024xf32> to vector<1024x1xf32>
    %swap3A_171 = arith.constant 0 : index
    %swap3A_172 = arith.constant 0 : index
    %swap3A_173 = arith.constant 14 : index
    %swap3A_174 = vector.load %arg4[%swap3A_171, %swap3A_172, %swap3A_173] : memref<1x1024x16xf32, #tpu.memory_space<vmem>>, vector<1x1024x1xf32>
    %swap3A_175 = vector.shape_cast %swap3A_174 : vector<1x1024x1xf32> to vector<1024x1xf32>
    %swap3A_176 = vector.shape_cast %broadcast_in_dim3A_170 : vector<1024x1xf32> to vector<1x1024x1xf32>
    tpu.vector_store %arg4[%swap3A_171, %swap3A_172, %swap3A_173], %swap3A_176 {strides = array<i32>} : memref<1x1024x16xf32, #tpu.memory_space<vmem>>, vector<1x1024x1xf32>,
    %slice3A_177 = vector.extract_strided_slice %select_n3A {offsets = [0, 1920], sizes = [1024, 128], strides = [1, 1]} : vector<1024x2048xf32> to vector<1024x128xf32>
    %reduce_min3A_178 = arith.constant dense<0x7F800000> : vector<1024xf32>
    %reduce_min3A_179 = vector.multi_reduction <minimumf>, %slice3A_177, %reduce_min3A_178 [1] : vector<1024x128xf32> to vector<1024xf32>
    %broadcast_in_dim3A_180 = vector.shape_cast %reduce_min3A_179 : vector<1024xf32> to vector<1024x1xf32>
    %swap3A_181 = arith.constant 0 : index
    %swap3A_182 = arith.constant 0 : index
    %swap3A_183 = arith.constant 15 : index
    %swap3A_184 = vector.load %arg4[%swap3A_181, %swap3A_182, %swap3A_183] : memref<1x1024x16xf32, #tpu.memory_space<vmem>>, vector<1x1024x1xf32>
    %swap3A_185 = vector.shape_cast %swap3A_184 : vector<1x1024x1xf32> to vector<1024x1xf32>
    %swap3A_186 = vector.shape_cast %broadcast_in_dim3A_180 : vector<1024x1xf32> to vector<1x1024x1xf32>
    tpu.vector_store %arg4[%swap3A_181, %swap3A_182, %swap3A_183], %swap3A_186 {strides = array<i32>} : memref<1x1024x16xf32, #tpu.memory_space<vmem>>, vector<1x1024x1xf32>,
    return
  }
  func.func @transform_0(%arg0: i32) -> (i32, i32) {
    %c0_i32 = arith.constant 0 : i32
    %c0_i32_0 = arith.constant 0 : i32
    %c0_i32_1 = arith.constant 0 : i32
    return %c0_i32, %c0_i32_0 : i32, i32
  }
  func.func @transform_1(%arg0: i32) -> (i32, i32) {
    %c0_i32 = arith.constant 0 : i32
    %c0_i32_0 = arith.constant 0 : i32
    return %arg0, %c0_i32 : i32, i32
  }
  func.func @transform_2(%arg0: i32) -> (i32, i32) {
    %c0_i32 = arith.constant 0 : i32
    %c0_i32_0 = arith.constant 0 : i32
    return %c0_i32, %arg0 : i32, i32
  }
  func.func @transform_3(%arg0: i32) -> (i32, i32, i32) {
    %c0_i32 = arith.constant 0 : i32
    %c0_i32_0 = arith.constant 0 : i32
    %c0_i32_1 = arith.constant 0 : i32
    return %arg0, %c0_i32, %c0_i32_0 : i32, i32, i32
  }
}

</mosaic_0001>

<sc_bundles>
// kernel: kernel.4.cloned.1.call-start
scs
__scs_entry_jumppad:
0x0: {  	(pc) =	sbr.rel $0x88, $3  }
0x1: {  	(tag) =	ssettag $0x0;
	lr =	simm.s32 $0x1  }
0x2: {  	[smem:$0x3F9F] =	sst lr;
	_ =	strace $0xD0000000  }
0x3: {  	_ = 	snop  }
0x4: {  	_ = 	snop  }
0x5: {  	_ = 	snop  }
0x6: {  	_ = 	snop  }
0x7: {  	_ = 	snop  }
__scs_overlays_trampoline_lowered:
0x8: {  	[smem:$0x3FAE] =	sst s0  }
0x9: {  	[smem:$0x3FAF] =	sst s1  }
0xa: {  	[smem:$0x3FB0] =	sst s2  }
0xb: {  	[smem:$0x3FB1] =	sst s3  }
0xc: {  	[smem:$0x3FB2] =	sst s4  }
0xd: {  	[smem:$0x3FB3] =	sst s5  }
0xe: {  	[smem:$0x3FB4] =	sst s6  }
0xf: {  	[smem:$0x3FB5] =	sst s7  }
0x10: {  	[smem:$0x3FB6] =	sst s8  }
0x11: {  	[smem:$0x3FB7] =	sst s9;
	s0 =	simm.s32 @!p0 $0x0  }
0x12: {  	s1 =	sld [smem:$0x3F9D];
	s0 =	simm.s32 @p0 $0x1  }
0x13: {  	[smem:$0x3FB8] =	sst s0;
	s0 =	simm.s32 @!p1 $0x0  }
0x14: {  	s2 =	sld [smem:$0x3F9C];
	s0 =	simm.s32 @p1 $0x1  }
0x15: {  	[smem:$0x3FB9] =	sst s0;
	s0 =	simm.s32 @!p2 $0x0  }
0x16: {  	s3 =	sld [smem:$0x3FDB];
	s0 =	simm.s32 @p2 $0x1  }
0x17: {  	s4 =	simm.s32 $0x1BF5;
	[smem:$0x3FBB] =	sst s0  }
0x18: {  	s0 =	sld [smem:$0x3F9E];
	_ =	swait.ge [sflag:s4], $0x0  }
0x19: {  	s7 =	sld [smem:$0x3F9F]  }
0x1a: {  	s8 =	sadd.s32 $0xFFFFE003, lr  }
0x1b: {  	s9 =	sadd.s32 $0xFFFFFEF7, lr;
	s5 =	simm.s32 $0xFFFFFFFF;
	p2 =	slt.u32 s8, $0xFFFFF086  }
0x1c: {  	p1 =	slt.u32 s9, $0xF7A;
	s5 =	simm.s32 @!p2 $0x0  }
0x1d: {  	s5 =	simm.s32 @p1 $0x1;
	p0 =	seq.s32 s7, s2  }
0x1e: {  	s7 =	smul.u32 @!p0 $0xF7A, s2;
	p2 =	seq.s32 @!p0 s5, $0x0  }
0x1f: {  	s9 =	smul.u32 $0xF7A, s1;
	s8 =	simm.s32 @!p0 $0x1BF5;
	p2 =	por !p2, p0  }
0x20: {  	[sflag:s8] =	ssyncset.s32 @!p0 $0xFFFFF086;
	s6 =	sadd.s32 @!p0 s3, s7;
	s7 =	simm.s32 @!p0 $0x108  }
0x21: {  	s3 =	sadd.s32 s3, s9;
	s6 =	sadd.s32 @!p0 $0x88, s6;
	s7 =	simm.s32 @p2 $0x1082  }
0x22: {  	[simem:s7], [sflag:s8] =	dma.local @!p0 [hbm:s6], $0xF7A  }
0x23: {  	s9 =	sor.u32 $0xD0000000, s2;
	s6 =	simm.s32 $0x108;
	_ =	swait.ge @!p0 [sflag:s8], $0x0  }
0x24: {  	s3 =	sadd.s32 $0x88, s3;
	s6 =	simm.s32 @!p1 $0x1082;
	[sflag:s4] =	ssyncset.s32 $0xFFFFF086  }
0x25: {  	[simem:s6], [sflag:s4] =	dma.local [hbm:s3], $0xF7A  }
0x26: {  	[smem:$0x3F9F] =	sst s1;
	(tag) =	ssettag s2;
	_ =	strace s9  }
0x27: {  	s1 =	sld [smem:$0x3FAF]  }
0x28: {  	s2 =	sld [smem:$0x3FB0]  }
0x29: {  	s4 =	sld [smem:$0x3FB2]  }
0x2a: {  	p0 =	seq.s32 s5, $0x0;
	s5 =	sld [smem:$0x3FB3]  }
0x2b: {  	s6 =	sld [smem:$0x3FB4]  }
0x2c: {  	s7 =	sld [smem:$0x3FB5]  }
0x2d: {  	s3 =	simm.s32 $0x108;
	s8 =	sld [smem:$0x3FB6]  }
0x2e: {  	s3 =	simm.s32 @!p0 $0x1082;
	s9 =	sld [smem:$0x3FB7]  }
0x2f: {  	lr =	sadd.s32 s0, s3;
	s0 =	sld [smem:$0x3FAE]  }
0x30: {  	s3 =	sld [smem:$0x3FB1]  }
0x31: {  	[smem:$0x3FBA] =	sst s10  }
0x32: {  	s10 =	sld [smem:$0x3FB8];
	_ =	sdelay $0x3  }
0x33: {  	p0 =	seq.s32 s10, $0x1;
	s10 =	sld [smem:$0x3FBA];
	_ =	sdelay $0x3  }
0x34: {  	[smem:$0x3FBA] =	sst s10  }
0x35: {  	s10 =	sld [smem:$0x3FB9];
	_ =	sdelay $0x3  }
0x36: {  	p1 =	seq.s32 s10, $0x1;
	s10 =	sld [smem:$0x3FBA];
	_ =	sdelay $0x3  }
0x37: {  	[smem:$0x3FBA] =	sst s10  }
0x38: {  	s10 =	sld [smem:$0x3FBB]  }
0x39: {  	_ = 	snop;
	(pc) =	sbr.ind lr, $3  }
0x3a: {  	_ = 	snop  }
0x3b: {  	_ = 	snop  }
0x3c: {  	p2 =	seq.s32 s10, $0x1;
	s10 =	sld [smem:$0x3FBA]  }
0x3d: {  	_ =	shalt  }
0x3e: {  	_ =	shalt  }
0x3f: {  	_ =	shalt  }
0x40: {  	_ =	shalt  }
0x41: {  	_ =	shalt  }
0x42: {  	_ =	shalt  }
0x43: {  	_ =	shalt  }
0x44: {  	_ =	shalt  }
0x45: {  	_ =	shalt  }
0x46: {  	_ =	shalt  }
0x47: {  	_ =	shalt  }
0x48: {  	_ =	shalt  }
0x49: {  	_ =	shalt  }
0x4a: {  	_ =	shalt  }
0x4b: {  	_ =	shalt  }
0x4c: {  	_ =	shalt  }
0x4d: {  	_ =	shalt  }
0x4e: {  	_ =	shalt  }
0x4f: {  	_ =	shalt  }
0x50: {  	_ =	shalt  }
0x51: {  	_ =	shalt  }
0x52: {  	_ =	shalt  }
0x53: {  	_ =	shalt  }
0x54: {  	_ =	shalt  }
0x55: {  	_ =	shalt  }
0x56: {  	_ =	shalt  }
0x57: {  	_ =	shalt  }
0x58: {  	_ =	shalt  }
0x59: {  	_ =	shalt  }
0x5a: {  	_ =	shalt  }
0x5b: {  	_ =	shalt  }
0x5c: {  	_ =	shalt  }
0x5d: {  	_ =	shalt  }
0x5e: {  	_ =	shalt  }
0x5f: {  	_ =	shalt  }
0x60: {  	_ =	shalt  }
0x61: {  	_ =	shalt  }
0x62: {  	_ =	shalt  }
0x63: {  	_ =	shalt  }
0x64: {  	_ =	shalt  }
0x65: {  	_ =	shalt  }
0x66: {  	_ =	shalt  }
0x67: {  	_ =	shalt  }
0x68: {  	_ =	shalt  }
0x69: {  	_ =	shalt  }
0x6a: {  	_ =	shalt  }
0x6b: {  	_ =	shalt  }
0x6c: {  	_ =	shalt  }
0x6d: {  	_ =	shalt  }
0x6e: {  	_ =	shalt  }
0x6f: {  	_ =	shalt  }
0x70: {  	_ =	shalt  }
0x71: {  	_ =	shalt  }
0x72: {  	_ =	shalt  }
0x73: {  	_ =	shalt  }
0x74: {  	_ =	shalt  }
0x75: {  	_ =	shalt  }
0x76: {  	_ =	shalt  }
0x77: {  	_ =	shalt  }
0x78: {  	_ =	shalt  }
0x79: {  	_ =	shalt  }
0x7a: {  	_ =	shalt  }
0x7b: {  	_ =	shalt  }
0x7c: {  	_ =	shalt  }
0x7d: {  	_ =	shalt  }
0x7e: {  	_ =	shalt  }
0x7f: {  	_ =	shalt  }
0x80: {  	_ =	shalt  }
0x81: {  	_ =	shalt  }
0x82: {  	_ =	shalt  }
0x83: {  	_ =	shalt  }
0x84: {  	_ =	shalt  }
0x85: {  	_ =	shalt  }
0x86: {  	_ =	shalt  }
0x87: {  	_ =	shalt  }
.Lfunc_end0:
.L_simem_size_0:
called_computation_lowered:
.L_overlay_start_0:
0x88: {  	s2 =	sld [smem:$0x3FD9]  }
0x89: {  	s3 =	sld [smem:$0x3FFE];
	_ =	sdelay $0x1  }
0x8a: {  	s1 =	srdreg.scid  }
0x8b: {  	s0 =	sand.u32 $0x1, s1  }
0x8c: {  	s16 =	sshll.u32 s0, $0xA;
	s2 =	sadd.s32 s3, s2  }
0x8d: {  	s2 =	sadd.s32 s2, s16  }
0x8e: {  	[smem:$0x3FC6] =	sst s2  }
0x8f: {  	_ = 	snop  }
0x90: {  	(tm) =	ssettm $0x1  }
0x91: {  	s17 =	sld [smem:$0x3FFB];
	_ =	sdelay $0x3  }
0x92: {  	_ =	strace s17  }
0x93: {  	s2 =	sld [smem:$0x3FFC];
	_ =	sdelay $0x3  }
0x94: {  	_ =	strace s2  }
0x95: {  	s2 =	sld [smem:$0x3FFD];
	_ =	sdelay $0x3  }
0x96: {  	_ =	strace s2  }
0x97: {  	_ =	strace $0x8FFFFFFF  }
0x98: {  	s18 =	sld [smem:$0x3FDB];
	_ =	sdelay $0x1  }
0x99: {  	s19 =	simm.s32 $_scs_section_size  }
0x9a: {  	s4 =	simm.s32 $_size__tile_overlayer_lowered;
	s5 =	simm.s32 $_tile_overlayer_lowered  }
0x9b: {  	s22 =	simm.s32 $0x1BFF;
	s21 =	sshll.u32 s5, $0x1;
	s2 =	sadd.s32 s19, s18  }
0x9c: {  	s6 =	simm.s32 $0x0;
	s20 =	sshll.u32 s4, $0x1;
	s4 =	sadd.s32 s21, s2  }
0x9d: {  	[timem:s6], [sflag:s22] =	dma.local [hbm:s4], s20  }
0x9e: {  	_ =	swait.ge [sflag:s22], s20  }
0x9f: {  	s3 =	ssub.s32 $0x0, s20;
	[sflag:s22] =	ssyncset.done $0x0  }
0xa0: {  	[sflag:s22] =	ssyncadd.s32 s3;
	_ =	sdelay $0x1  }
0xa1: {  	s23 =	simm.s32 $0x1B8B  }
0xa2: {  	_ =	swait.ge [sflag:s23], $0x1  }
0xa3: {  	[sflag:s23] =	ssyncset.done $0x0  }
0xa4: {  	s25 =	simm.s32 $0x1B8E;
	s24 =	sld [smem:$0x3FFE];
	[sflag:s23] =	ssyncadd.s32 $0xFFFFFFFF  }
0xa5: {  	s26 =	simm.s32 $execute0_lowered;
	[smem:$0x3FD2] =	sst s25  }
0xa6: {  	s4 =	sshll.u32 s26, $0x1;
	_ =	strace $0x80000046;
	[dreg:$0x1] =	wrdreg $0xFFFFFFFF  }
0xa7: {  	s28 =	simm.s32 $_size_execute0_lowered;
	s2 =	sadd.s32 s2, s4;
	[dreg:$0x0] =	wrdreg $0x0  }
0xa8: {  	s4 =	sshll.u32 s28, $0x1;
	[dreg:$0x2] =	wrdreg s2  }
0xa9: {  	[dreg:$0x3] =	wrdreg s4  }
0xaa: {  	[dreg:$0x4] =	wrdreg $0xC0  }
0xab: {  	_ =	task [dreg:s6], $0x5FFFF  }
0xac: {  	[dreg:$0x1] =	wrdreg $0xFFFFFFFF  }
0xad: {  	[dreg:$0x0] =	wrdreg $0x60  }
0xae: {  	[dreg:$0x2] =	wrdreg s24  }
0xaf: {  	[dreg:$0x3] =	wrdreg $0x9  }
0xb0: {  	_ =	task.clear_ibuf [dreg:s6], $0x4FFFF;
	_ =	strace $0x90000046  }
0xb1: {  	s29 =	simm.s32 $0x9;
	_ =	strace $0x80000048  }
0xb2: {  	_ =	swait.ge [sflag:s29], $0x1  }
0xb3: {  	[sflag:s29] =	ssyncadd.s32 $0xFFFFFFFF  }
0xb4: {  	_ =	strace $0x90000048  }
0xb5: {  	_ =	sfence  }
0xb6: {  	s30 =	sld [smem:$0x0];
	_ =	sdelay $0x2  }
0xb7: {  	s31 =	sshll.u32 s1, $0xD;
	s1 =	sshrl.u32 s1, $0x2  }
0xb8: {  	s3 =	sand.u32 $0x4000, s31;
	s1 =	sadd.s32 s1, s30  }
0xb9: {  	s0 =	sor.u32 s3, s0;
	s1 =	sshll.u32 s1, $0x11  }
0xba: {  	s0 =	sor.u32 s1, s0  }
0xbb: {  	s0 =	sadd.s32 $0x8F2B, s0  }
0xbc: {  	[sflag:s0] =	ssyncadd.remote.s32 $0x1  }
0xbd: {  	_ =	sfence.sel $0xFFFF  }
0xbe: {  	[dreg:$0x0] =	wrdreg $0xFFFFFFFF;
	(pc) =	sbr.abs _section_cstart, $3  }
0xbf: {  	[dreg:$0x1] =	wrdreg $0xFFFFFFFF  }
0xc0: {  	_ =	task.clear_ibuf [dreg:s6], $0x2FFFF;
	_ =	strace $0x9FFFFFFF  }
0xc1: {  	(tm) =	ssettm $0x7FFFFFFF  }
tec
execute0_lowered:
.L_overlay_start_1:
0x0: {  	(tag) =	ssettag $0x1  }
0x1: {  	s0 =	srdreg.scid  }
0x2: {  	s1 =	stileid.u32;
	s3 =	rddreg [dreg:$0x0];
	s15 =	simm.s32 $0x0  }
0x3: {  	s8 =	simm.s32 $0x2;
	s9 =	simm.s32 $0x7000;
	s0 =	sand.u32 $0x1, s0  }
0x4: {  	s10 =	simm.s32 $0x7400;
	s1 =	sshll.u32 s1, $0x6;
	s2 =	sshll.u32 s0, $0x5  }
0x5: {  	s11 =	simm.s32 $0x7800;
	s12 =	simm.s32 $0x7C00;
	s2 =	sor.u32 s2, s1  }
0x6: {  	s13 =	simm.s32 $0x8000;
	s14 =	simm.s32 $0x1;
	s1 =	sshrl.u32 s2, $0x3  }
0x7: {  	s16 =	simm.s32 $0x0;
	[smem:$0x7FF] =	sst s15;
	s1 =	smul.u32 $0x380, s1  }
0x8: {  	v0 =	vlaneseq.u32;
	vm0 =	vcmask $0x300;
	s4 =	sadd.s32 $0x800, s3;
	_ =	strace $0x80000047;
	s0 =	ssub.s32 $0x2, s0  }
0x9: {  	vm1 =	vcmask $0x314;
	vm2 =	vcmask $0x714;
	vm3 =	vcmask $0xB14;
	s6 =	sshrl.u32 s0, $0x1;
	s5 =	sshll.u32 s2, $0x4;
	s1 =	sadd.s32 s1, s3  }
0xa: {  	vm4 =	vcmask $0xF14;
	vm5 =	vmmov $0x1;
	vm6 =	vcmask $0x308;
	s0 =	ssub.s32 s0, s6;
	s3 =	sadd.s32 s5, s3;
	s1 =	sadd.s32 $0xC38800, s1  }
0xb: {  	vm7 =	vcmask $0x70C;
	vm8 =	vcmask $0xB10;
	v1 =	vimm.f32 $+Inf;
	s7 =	smax.u32 s0, $0x1;
	s6 =	sadd.s32 $0xC54800, s3;
	[dreg:$0x2] =	wrdreg s1  }
.LBB2_1:
0xc: {  	s0 =	rddreg [dreg:$0x2]  }
0xd: {  	[tilespmem:s15], [sflag:$0x2] =	stream.linear.gather [hbm4b:s0+s15], $0x7000, $0x38;
	[tilespmem:$0x9400] =	vst v63  }
0xe: {  	_ =	swait.ge [sflag:s8], $0x7000  }
0xf: {  	[sflag:s8] =	ssyncset.done $0x0  }
0x10: {  	s17 =	simm.s32 $0x0;
	s18 =	simm.s32 $0x0;
	[sflag:s8] =	ssyncadd.s32 $0xFFFF9000  }
.LBB2_2:
0x11: {  	s0 =	sshrl.u32 s18, $0x3  }
0x12: {  	s0 =	smul.u32 $0x7000, s0  }
0x13: {  	s1 =	sshll.u32 s17, $0x7;
	s19 =	sshll.u32 s18, $0x7  }
0x14: {  	s25 =	simm.s32 $0x0;
	s30 =	sand.u32 $0x380, s19;
	s0 =	sshra.s32 s0, $0x2  }
0x15: {  	s3 =	sand.u32 $0x380, s1;
	s31 =	sand.u32 $0x1C00, s25;
	s1 =	sor.u32 s30, s0  }
0x16: {  	s15 =	sand.u32 $0x70, s25;
	s0 =	sadd.s32 s31, s1  }
0x17: {  	s20 =	sor.u32 $0x8000, s3;
	s15 =	sadd.s32 s15, s0  }
0x18: {  	s21 =	sor.u32 $0x7C00, s3;
	s22 =	sor.u32 $0x7800, s3;
	s23 =	sor.u32 $0x7400, s3;
	v4 =	vld [tilespmem:s15+$0x0]  }
0x19: {  	v3 =	vimm.f32 $+Inf;
	v2 =	vimm.s32 $0x0;
	s24 =	sor.u32 $0x7000, s3;
	s3 =	simm.s32 $0x80;
	s0 =	simm.s32 $0x10  }
.LBB2_3:
0x1a: {  	s15 =	sand.u32 $0x1C00, s3  }
0x1b: {  	p0 =	sne.s32 s0, $0x300;
	s26 =	smov.u32 s0;
	s0 =	sadd.s32 $0x10, s0  }
.Ltmp0:
0x1c: {  	s28 =	sand.u32 $0x70, s26;
	s15 =	sadd.s32 s15, s1;
	(pc) =	sbr.rel @p0 .LBB2_3-.Ltmp0, $3  }
0x1d: {  	v5 =	vor.u32 s25, v0;
	s25 =	smov.u32 s26;
	s15 =	sadd.s32 s28, s15;
	vm9 =	vlt.f32 v4, v3  }
0x1e: {  	v3 =	vsel vm9, v4, v3;
	v4 =	vld [tilespmem:s15+$0x0];
	v2 =	vsel vm9, v5, v2;
	_ =	sdelay $0x1  }
0x1f: {  	s3 =	sadd.s32 $0x80, s3  }
0x20: {  	_ =	sdelay $0x1  }
0x21: {  	vm9 =	vlt.f32 v4, v3  }
0x22: {  	v3 =	vsel vm9, v4, v3  }
0x23: {  	(xrf0) =	vmin.scan.msk.f32 $0xffff, v3;
	_ =	sdelay $0x5  }
0x24: {  	v4, _, _ =	vpop (xrf0)  }
0x25: {  	v5 =	vor.u32 s25, v0;
	v4 =	vbroadcast v4, $0xF  }
0x26: {  	v2 =	vsel vm9, v5, v2  }
0x27: {  	v2 =	vxor.u32 $0x80000000, v2;
	vm9 =	veq.f32 v3, v4  }
0x28: {  	v2 =	vnsel vm9, $0xC0000000, v2  }
0x29: {  	(xrf0) =	vmin.scan.msk.u32 $0xffff, v2;
	_ =	sdelay $0x5  }
0x2a: {  	v2, _, _ =	vpop (xrf0)  }
0x2b: {  	(v2sf) =	vpush v2, $0xF;
	_ =	sdelay $0xe  }
0x2c: {  	s0 =	spop (v2sf)  }
0x2d: {  	v3 =	vmov s18;
	s0 =	sxor.u32 $0x80000000, s0  }
0x2e: {  	v2 =	vshrl.u32 v3, $0x3;
	v4 =	vmov s0  }
0x2f: {  	v2 =	vmul.u32 $0x1C00, v2;
	v5 =	vshll.u32 v4, $0x3  }
0x30: {  	v5 =	vand.u32 $0xFFFFFC00, v5  }
0x31: {  	v3 =	vshll.u32 v3, $0x7;
	v6 =	vand.u32 $0x7F, v4;
	v5 =	vadd.s32 v2, v5  }
0x32: {  	v3 =	vand.u32 $0x380, v3;
	v5 =	vor.u32 v6, v5  }
0x33: {  	v6 =	vor.u32 v3, v5;
	_ =	sdelay $0x1  }
0x34: {  	s25 =	simm.s32 $0x0  }
0x35: {  	s31 =	sand.u32 $0x1C00, s25  }
0x36: {  	s3 =	sand.u32 $0x70, s25;
	s0 =	sadd.s32 s31, s1;
	v5 =	vimm.f32 $+Inf  }
0x37: {  	s3 =	sadd.s32 s3, s0;
	[tilespmem:v6+s25+$0x0] =	vst.idx.msk $0x1, v5  }
0x38: {  	v7 =	vld [tilespmem:s3+$0x0]  }
0x39: {  	s0 =	simm.s32 $0x10;
	v6 =	vimm.s32 $0x0;
	s3 =	simm.s32 $0x80  }
.LBB2_5:
0x3a: {  	s15 =	sand.u32 $0x1C00, s3  }
0x3b: {  	p0 =	sne.s32 s0, $0x300;
	s26 =	smov.u32 s0;
	s0 =	sadd.s32 $0x10, s0  }
.Ltmp1:
0x3c: {  	s28 =	sand.u32 $0x70, s26;
	s15 =	sadd.s32 s15, s1;
	(pc) =	sbr.rel @p0 .LBB2_5-.Ltmp1, $3  }
0x3d: {  	v8 =	vor.u32 s25, v0;
	s25 =	smov.u32 s26;
	s15 =	sadd.s32 s28, s15;
	vm9 =	vlt.f32 v7, v5  }
0x3e: {  	v5 =	vsel vm9, v7, v5;
	v7 =	vld [tilespmem:s15+$0x0];
	v6 =	vsel vm9, v8, v6;
	_ =	sdelay $0x1  }
0x3f: {  	s3 =	sadd.s32 $0x80, s3  }
0x40: {  	_ =	sdelay $0x1  }
0x41: {  	vm9 =	vlt.f32 v7, v5  }
0x42: {  	v5 =	vsel vm9, v7, v5  }
0x43: {  	(xrf0) =	vmin.scan.msk.f32 $0xffff, v5;
	_ =	sdelay $0x5  }
0x44: {  	v7, _, _ =	vpop (xrf0)  }
0x45: {  	v8 =	vor.u32 s25, v0;
	v7 =	vbroadcast v7, $0xF  }
0x46: {  	v6 =	vsel vm9, v8, v6  }
0x47: {  	vm9 =	veq.f32 v5, v7;
	v5 =	vxor.u32 $0x80000000, v6  }
0x48: {  	v5 =	vnsel vm9, $0xC0000000, v5  }
0x49: {  	(xrf0) =	vmin.scan.msk.u32 $0xffff, v5;
	_ =	sdelay $0x5  }
0x4a: {  	v5, _, _ =	vpop (xrf0)  }
0x4b: {  	(v2sf) =	vpush v5, $0xF;
	_ =	sdelay $0xe  }
0x4c: {  	s0 =	spop (v2sf)  }
0x4d: {  	s0 =	sxor.u32 $0x80000000, s0  }
0x4e: {  	v5 =	vmov s0  }
0x4f: {  	v6 =	vshll.u32 v5, $0x3  }
0x50: {  	v6 =	vand.u32 $0xFFFFFC00, v6  }
0x51: {  	v7 =	vand.u32 $0x7F, v5;
	v6 =	vadd.s32 v2, v6  }
0x52: {  	v6 =	vor.u32 v7, v6  }
0x53: {  	v7 =	vor.u32 v3, v6;
	_ =	sdelay $0x1  }
0x54: {  	s25 =	simm.s32 $0x0  }
0x55: {  	s31 =	sand.u32 $0x1C00, s25  }
0x56: {  	s3 =	sand.u32 $0x70, s25;
	s0 =	sadd.s32 s31, s1;
	v6 =	vimm.f32 $+Inf  }
0x57: {  	s3 =	sadd.s32 s3, s0;
	[tilespmem:v7+s25+$0x0] =	vst.idx.msk $0x1, v6  }
0x58: {  	v8 =	vld [tilespmem:s3+$0x0]  }
0x59: {  	s0 =	simm.s32 $0x10;
	v7 =	vimm.s32 $0x0;
	s3 =	simm.s32 $0x80  }
.LBB2_7:
0x5a: {  	s15 =	sand.u32 $0x1C00, s3  }
0x5b: {  	p0 =	sne.s32 s0, $0x300;
	s26 =	smov.u32 s0;
	s0 =	sadd.s32 $0x10, s0  }
.Ltmp2:
0x5c: {  	s28 =	sand.u32 $0x70, s26;
	s15 =	sadd.s32 s15, s1;
	(pc) =	sbr.rel @p0 .LBB2_7-.Ltmp2, $3  }
0x5d: {  	v9 =	vor.u32 s25, v0;
	s25 =	smov.u32 s26;
	s15 =	sadd.s32 s28, s15;
	vm9 =	vlt.f32 v8, v6  }
0x5e: {  	v6 =	vsel vm9, v8, v6;
	v8 =	vld [tilespmem:s15+$0x0];
	v7 =	vsel vm9, v9, v7;
	_ =	sdelay $0x1  }
0x5f: {  	s3 =	sadd.s32 $0x80, s3  }
0x60: {  	_ =	sdelay $0x1  }
0x61: {  	vm9 =	vlt.f32 v8, v6  }
0x62: {  	v6 =	vsel vm9, v8, v6  }
0x63: {  	(xrf0) =	vmin.scan.msk.f32 $0xffff, v6;
	_ =	sdelay $0x5  }
0x64: {  	v8, _, _ =	vpop (xrf0)  }
0x65: {  	v9 =	vor.u32 s25, v0;
	v8 =	vbroadcast v8, $0xF  }
0x66: {  	v7 =	vsel vm9, v9, v7  }
0x67: {  	vm9 =	veq.f32 v6, v8;
	v6 =	vxor.u32 $0x80000000, v7  }
0x68: {  	v6 =	vnsel vm9, $0xC0000000, v6  }
0x69: {  	(xrf0) =	vmin.scan.msk.u32 $0xffff, v6;
	_ =	sdelay $0x5  }
0x6a: {  	v6, _, _ =	vpop (xrf0)  }
0x6b: {  	(v2sf) =	vpush v6, $0xF;
	_ =	sdelay $0xe  }
0x6c: {  	s0 =	spop (v2sf)  }
0x6d: {  	s0 =	sxor.u32 $0x80000000, s0  }
0x6e: {  	v6 =	vmov s0  }
0x6f: {  	v7 =	vshll.u32 v6, $0x3  }
0x70: {  	v7 =	vand.u32 $0xFFFFFC00, v7  }
0x71: {  	v8 =	vand.u32 $0x7F, v6;
	v7 =	vadd.s32 v2, v7  }
0x72: {  	v7 =	vor.u32 v8, v7  }
0x73: {  	v8 =	vor.u32 v3, v7;
	_ =	sdelay $0x1  }
0x74: {  	s25 =	simm.s32 $0x0  }
0x75: {  	s31 =	sand.u32 $0x1C00, s25  }
0x76: {  	s3 =	sand.u32 $0x70, s25;
	s0 =	sadd.s32 s31, s1;
	v7 =	vimm.f32 $+Inf  }
0x77: {  	s3 =	sadd.s32 s3, s0;
	[tilespmem:v8+s25+$0x0] =	vst.idx.msk $0x1, v7  }
0x78: {  	v9 =	vld [tilespmem:s3+$0x0]  }
0x79: {  	s0 =	simm.s32 $0x10;
	v8 =	vimm.s32 $0x0;
	s3 =	simm.s32 $0x80  }
.LBB2_9:
0x7a: {  	s15 =	sand.u32 $0x1C00, s3  }
0x7b: {  	p0 =	sne.s32 s0, $0x300;
	s26 =	smov.u32 s0;
	s0 =	sadd.s32 $0x10, s0  }
.Ltmp3:
0x7c: {  	s28 =	sand.u32 $0x70, s26;
	s15 =	sadd.s32 s15, s1;
	(pc) =	sbr.rel @p0 .LBB2_9-.Ltmp3, $3  }
0x7d: {  	v10 =	vor.u32 s25, v0;
	s25 =	smov.u32 s26;
	s15 =	sadd.s32 s28, s15;
	vm9 =	vlt.f32 v9, v7  }
0x7e: {  	v7 =	vsel vm9, v9, v7;
	v9 =	vld [tilespmem:s15+$0x0];
	v8 =	vsel vm9, v10, v8;
	_ =	sdelay $0x1  }
0x7f: {  	s3 =	sadd.s32 $0x80, s3  }
0x80: {  	_ =	sdelay $0x1  }
0x81: {  	vm9 =	vlt.f32 v9, v7  }
0x82: {  	v7 =	vsel vm9, v9, v7  }
0x83: {  	(xrf0) =	vmin.scan.msk.f32 $0xffff, v7;
	_ =	sdelay $0x5  }
0x84: {  	v9, _, _ =	vpop (xrf0)  }
0x85: {  	v10 =	vor.u32 s25, v0;
	v9 =	vbroadcast v9, $0xF  }
0x86: {  	v8 =	vsel vm9, v10, v8  }
0x87: {  	vm9 =	veq.f32 v7, v9;
	v7 =	vxor.u32 $0x80000000, v8  }
0x88: {  	v7 =	vnsel vm9, $0xC0000000, v7  }
0x89: {  	(xrf0) =	vmin.scan.msk.u32 $0xffff, v7;
	_ =	sdelay $0x5  }
0x8a: {  	v7, _, _ =	vpop (xrf0)  }
0x8b: {  	(v2sf) =	vpush v7, $0xF;
	_ =	sdelay $0xe  }
0x8c: {  	s0 =	spop (v2sf)  }
0x8d: {  	s0 =	sxor.u32 $0x80000000, s0  }
0x8e: {  	v7 =	vmov s0  }
0x8f: {  	v8 =	vshll.u32 v7, $0x3  }
0x90: {  	v8 =	vand.u32 $0xFFFFFC00, v8  }
0x91: {  	v9 =	vand.u32 $0x7F, v7;
	v8 =	vadd.s32 v2, v8  }
0x92: {  	v8 =	vor.u32 v9, v8  }
0x93: {  	v9 =	vor.u32 v3, v8;
	_ =	sdelay $0x1  }
0x94: {  	s25 =	simm.s32 $0x0  }
0x95: {  	s31 =	sand.u32 $0x1C00, s25  }
0x96: {  	s3 =	sand.u32 $0x70, s25;
	s0 =	sadd.s32 s31, s1;
	v8 =	vimm.f32 $+Inf  }
0x97: {  	s3 =	sadd.s32 s3, s0;
	[tilespmem:v9+s25+$0x0] =	vst.idx.msk $0x1, v8  }
0x98: {  	v10 =	vld [tilespmem:s3+$0x0]  }
0x99: {  	s0 =	simm.s32 $0x10;
	v9 =	vimm.s32 $0x0;
	s3 =	simm.s32 $0x80  }
.LBB2_11:
0x9a: {  	s15 =	sand.u32 $0x1C00, s3  }
0x9b: {  	p0 =	sne.s32 s0, $0x300;
	s26 =	smov.u32 s0;
	s0 =	sadd.s32 $0x10, s0  }
.Ltmp4:
0x9c: {  	s28 =	sand.u32 $0x70, s26;
	s15 =	sadd.s32 s15, s1;
	(pc) =	sbr.rel @p0 .LBB2_11-.Ltmp4, $3  }
0x9d: {  	v11 =	vor.u32 s25, v0;
	s25 =	smov.u32 s26;
	s15 =	sadd.s32 s28, s15;
	vm9 =	vlt.f32 v10, v8  }
0x9e: {  	v8 =	vsel vm9, v10, v8;
	v10 =	vld [tilespmem:s15+$0x0];
	v9 =	vsel vm9, v11, v9;
	_ =	sdelay $0x1  }
0x9f: {  	s3 =	sadd.s32 $0x80, s3  }
0xa0: {  	_ =	sdelay $0x1  }
0xa1: {  	vm9 =	vlt.f32 v10, v8  }
0xa2: {  	v8 =	vsel vm9, v10, v8  }
0xa3: {  	(xrf0) =	vmin.scan.msk.f32 $0xffff, v8;
	_ =	sdelay $0x5  }
0xa4: {  	v10, _, _ =	vpop (xrf0)  }
0xa5: {  	v11 =	vor.u32 s25, v0;
	v10 =	vbroadcast v10, $0xF  }
0xa6: {  	v9 =	vsel vm9, v11, v9  }
0xa7: {  	vm9 =	veq.f32 v8, v10;
	v8 =	vxor.u32 $0x80000000, v9  }
0xa8: {  	v8 =	vnsel vm9, $0xC0000000, v8  }
0xa9: {  	(xrf0) =	vmin.scan.msk.u32 $0xffff, v8;
	_ =	sdelay $0x5  }
0xaa: {  	v8, _, _ =	vpop (xrf0)  }
0xab: {  	(v2sf) =	vpush v8, $0xF;
	_ =	sdelay $0xc  }
0xac: {  	v4 =	vnsel vm0, $0x30E, v4  }
0xad: {  	v4 =	vsel vm1, v4, v5  }
0xae: {  	v4 =	vsel vm2, v4, v6;
	s0 =	spop (v2sf)  }
0xaf: {  	v4 =	vsel vm3, v4, v7;
	s0 =	sxor.u32 $0x80000000, s0  }
0xb0: {  	v4 =	vnsel vm4, s0, v4  }
0xb1: {  	v4 =	vxor.u32 $0x80000000, v4  }
0xb2: {  	(xrf1) =	vsort.ascd.msk.u32 $0xffff, v4, v0;
	_ =	sdelay $0xd  }
0xb3: {  	v4, _, _ =	vpop (xrf1)  }
0xb4: {  	v4 =	vshll.u32 v4, $0x7  }
0xb5: {  	v5 =	vnsel vm5, $0x40000000, v4  }
0xb6: {  	v5 =	vxor.u32 $0x80000000, v5  }
0xb7: {  	(xrf0) =	vmin.scan.msk.u32 $0xffff, v5;
	_ =	sdelay $0x1  }
0xb8: {  	v5 =	vsel vm6, $0x40000000, v4  }
0xb9: {  	v5 =	vxor.u32 $0x80000000, v5  }
0xba: {  	(xrf0) =	vmin.scan.msk.u32 $0xffff, v5;
	_ =	sdelay $0x1  }
0xbb: {  	v5, _, _ =	vpop (xrf0)  }
0xbc: {  	(v2sf) =	vpush v5, $0xF;
	v5 =	vsel vm7, $0x40000000, v4  }
0xbd: {  	v5 =	vxor.u32 $0x80000000, v5  }
0xbe: {  	(xrf0) =	vmin.scan.msk.u32 $0xffff, v5  }
0xbf: {  	v6, _, _ =	vpop (xrf0)  }
0xc0: {  	(v2sf) =	vpush v6, $0xF;
	_ =	sdelay $0x1  }
0xc1: {  	v5 =	vsel vm8, $0x40000000, v4  }
0xc2: {  	v5 =	vxor.u32 $0x80000000, v5  }
0xc3: {  	v6 =	vmov s0;
	v7, _, _ =	vpop (xrf0);
	(xrf0) =	vmin.scan.msk.u32 $0xffff, v5  }
0xc4: {  	v5 =	vshll.u32 v6, $0x3  }
0xc5: {  	(v2sf) =	vpush v7, $0xF;
	v5 =	vand.u32 $0xFFFFFC00, v5  }
0xc6: {  	v6 =	vand.u32 $0x7F, v6;
	v2 =	vadd.s32 v2, v5;
	v5 =	vsel vm4, $0x40000000, v4  }
0xc7: {  	v2 =	vor.u32 v6, v2  }
0xc8: {  	v2 =	vor.u32 v3, v2;
	v3 =	vxor.u32 $0x80000000, v5  }
0xc9: {  	s15 =	sor.u32 s2, s18;
	v5, _, _ =	vpop (xrf0);
	(xrf0) =	vmin.scan.msk.u32 $0xffff, v3  }
0xca: {  	s0 =	sshrl.u32 s15, $0x3;
	v4 =	vadd.s32 $0x80, v4;
	s1 =	spop (v2sf)  }
0xcb: {  	s0 =	smul.u32 $0xC3800, s0;
	vm9 =	vlt.s32 v4, $0x186A0;
	(v2sf) =	vpush v5, $0xF;
	s3 =	sshll.u32 s1, $0x3  }
0xcc: {  	s31 =	simm.s32 $0x0;
	v6 =	vnsel vm9, $0x186A0, v4;
	v3 =	vimm.f32 $+Inf;
	s3 =	sand.u32 $0x7FFFFC00, s3  }
0xcd: {  	[tilespmem:v2+s31+$0x0] =	vst.idx.msk $0x1, v3;
	v2 =	vnsel vm5, $0x40000000, v6;
	s3 =	sadd.s32 s0, s3  }
0xce: {  	s15 =	spop (v2sf);
	v2 =	vxor.u32 $0x80000000, v2;
	s3 =	sshrl.u32 s3, $0x3  }
0xcf: {  	s25 =	sshll.u32 s15, $0x3;
	s3 =	sadd.s32 s4, s3;
	v4, _, _ =	vpop (xrf0);
	(xrf0) =	vmin.scan.msk.u32 $0xffff, v2  }
0xd0: {  	[tilespmem:s9], [sflag:$0x1] =	stream.linear.gather [hbm4b:s3+s31], $0x400, $0x38;
	[tilespmem:$0x9400] =	vst v63  }
0xd1: {  	(v2sf) =	vpush v4, $0xF;
	s3 =	sand.u32 $0x7FFFFC00, s25  }
0xd2: {  	s3 =	sadd.s32 s0, s3  }
0xd3: {  	s3 =	sshrl.u32 s3, $0x3  }
0xd4: {  	s25 =	spop (v2sf);
	s3 =	sadd.s32 s4, s3  }
0xd5: {  	[tilespmem:s10], [sflag:$0x1] =	stream.linear.gather [hbm4b:s3+s31], $0x400, $0x38;
	[tilespmem:$0x9400] =	vst v63  }
0xd6: {  	s26 =	sshll.u32 s25, $0x3;
	v2, _, _ =	vpop (xrf0)  }
0xd7: {  	s3 =	sand.u32 $0x7FFFFC00, s26;
	(v2sf) =	vpush v2, $0xF  }
0xd8: {  	s3 =	sadd.s32 s0, s3  }
0xd9: {  	s3 =	sshrl.u32 s3, $0x3  }
0xda: {  	s3 =	sadd.s32 s4, s3;
	s26 =	spop (v2sf)  }
0xdb: {  	[tilespmem:s11], [sflag:$0x1] =	stream.linear.gather [hbm4b:s3+s31], $0x400, $0x38;
	[tilespmem:$0x9400] =	vst v63  }
0xdc: {  	s5 =	sshll.u32 s26, $0x3  }
0xdd: {  	s3 =	sand.u32 $0x7FFFFC00, s5  }
0xde: {  	s3 =	sadd.s32 s0, s3  }
0xdf: {  	s3 =	sshrl.u32 s3, $0x3  }
0xe0: {  	s3 =	sadd.s32 s4, s3;
	s5 =	spop (v2sf)  }
0xe1: {  	[tilespmem:s12], [sflag:$0x1] =	stream.linear.gather [hbm4b:s3+s31], $0x400, $0x38;
	[tilespmem:$0x9400] =	vst v63  }
0xe2: {  	s3 =	sshll.u32 s5, $0x3  }
0xe3: {  	s3 =	sand.u32 $0x7FFFFC00, s3  }
0xe4: {  	s0 =	sadd.s32 s0, s3  }
0xe5: {  	s0 =	sshrl.u32 s0, $0x3  }
0xe6: {  	s0 =	sadd.s32 s4, s0;
	s3 =	spop (v2sf)  }
0xe7: {  	[tilespmem:s13], [sflag:$0x1] =	stream.linear.gather [hbm4b:s0+s31], $0x400, $0x38;
	[tilespmem:$0x9400] =	vst v63  }
0xe8: {  	_ =	swait.ge [sflag:s14], $0x400  }
0xe9: {  	[sflag:s14] =	ssyncset.done $0x0  }
0xea: {  	[sflag:s14] =	ssyncadd.s32 $0xFFFFFC00  }
0xeb: {  	_ =	swait.ge [sflag:s14], $0x400  }
0xec: {  	[sflag:s14] =	ssyncset.done $0x0  }
0xed: {  	[sflag:s14] =	ssyncadd.s32 $0xFFFFFC00  }
0xee: {  	_ =	swait.ge [sflag:s14], $0x400  }
0xef: {  	[sflag:s14] =	ssyncset.done $0x0  }
0xf0: {  	[sflag:s14] =	ssyncadd.s32 $0xFFFFFC00  }
0xf1: {  	_ =	swait.ge [sflag:s14], $0x400  }
0xf2: {  	[sflag:s14] =	ssyncset.done $0x0  }
0xf3: {  	[sflag:s14] =	ssyncadd.s32 $0xFFFFFC00  }
0xf4: {  	_ =	swait.ge [sflag:s14], $0x400  }
0xf5: {  	[sflag:s14] =	ssyncset.done $0x0  }
0xf6: {  	[sflag:s14] =	ssyncadd.s32 $0xFFFFFC00  }
0xf7: {  	v4 =	vld [tilespmem:s24+$0x0]  }
0xf8: {  	s30 =	sxor.u32 $0x80000000, s1  }
0xf9: {  	s29 =	sxor.u32 $0x80000000, s15;
	s15 =	sadd.s32 $0x0, s30;
	s3 =	sxor.u32 $0x80000000, s3  }
0xfa: {  	v8 =	vadd.s32 s15, v0;
	v2 =	vmov s3  }
0xfb: {  	s1 =	sand.u32 $0x7, s18;
	s15 =	sadd.s32 $0x10, s24;
	s28 =	sxor.u32 $0x80000000, s25;
	vm9 =	vlt.s32 v8, v2  }
0xfc: {  	v7 =	vimm.s32 $0x0;
	v5 =	vimm.s32 $0x0;
	s26 =	sxor.u32 $0x80000000, s26;
	s25 =	sxor.u32 $0x80000000, s5;
	s0 =	simm.s32 $0x10;
	v4 =	vnsel vm9, $0x7F800000, v4  }
.LBB2_13:
0xfd: {  	v9 =	vld [tilespmem:s15+$0x0];
	p0 =	seq.s32 s0, $0x70;
	v10 =	vor.u32 s31, v0;
	vm9 =	vlt.f32 v4, v3;
	s31 =	smov.u32 s0;
	s0 =	sadd.s32 $0x10, s0  }
.Ltmp5:
0xfe: {  	v3 =	vsel vm9, v4, v3;
	v5 =	vsel vm9, v8, v5;
	v7 =	vsel vm9, v10, v7;
	(pc) =	sbr.rel @!p0 .LBB2_13-.Ltmp5, $4  }
0xff: {  	s3 =	sadd.s32 s31, s30  }
0x100: {  	v8 =	vadd.s32 s3, v0  }
0x101: {  	vm9 =	vlt.s32 v8, v2  }
0x102: {  	s15 =	sadd.s32 $0x10, s15;
	v4 =	vnsel vm9, $0x7F800000, v9  }
0x103: {  	vm9 =	vlt.f32 v4, v3  }
0x104: {  	v4 =	vsel vm9, v4, v3;
	v3 =	vsel vm6, $0x40000000, v6  }
0x105: {  	v3 =	vxor.u32 $0x80000000, v3  }
0x106: {  	(xrf0) =	vmin.scan.msk.u32 $0xffff, v3;
	_ =	sdelay $0x5  }
0x107: {  	v3, _, _ =	vpop (xrf0)  }
0x108: {  	(v2sf) =	vpush v3, $0xF;
	_ =	sdelay $0xd  }
0x109: {  	v5 =	vsel vm9, v8, v5;
	v8 =	vld [tilespmem:s23+$0x0]  }
0x10a: {  	s0 =	spop (v2sf)  }
0x10b: {  	v9 =	vor.u32 s31, v0;
	s31 =	sadd.s32 $0x0, s29;
	s0 =	sxor.u32 $0x80000000, s0  }
0x10c: {  	v7 =	vsel vm9, v9, v7;
	v9 =	vadd.s32 s31, v0;
	v3 =	vmov s0  }
0x10d: {  	vm9 =	vlt.s32 v9, v3  }
0x10e: {  	s3 =	simm.s32 $0x80;
	s15 =	sadd.s32 $0x10, s23;
	s0 =	simm.s32 $0x10;
	v8 =	vnsel vm9, $0x7F800000, v8  }
.LBB2_15:
0x10f: {  	v10 =	vld [tilespmem:s15+$0x0];
	p0 =	seq.s32 s0, $0x70;
	v11 =	vor.u32 s3, v0;
	vm9 =	vlt.f32 v8, v4;
	s3 =	smov.u32 s0;
	s0 =	sadd.s32 $0x10, s0  }
.Ltmp6:
0x110: {  	v4 =	vsel vm9, v8, v4;
	v5 =	vsel vm9, v9, v5;
	v7 =	vsel vm9, v11, v7;
	(pc) =	sbr.rel @!p0 .LBB2_15-.Ltmp6, $4  }
0x111: {  	s5 =	sadd.s32 s3, s29  }
0x112: {  	v9 =	vadd.s32 s5, v0  }
0x113: {  	vm9 =	vlt.s32 v9, v3  }
0x114: {  	s15 =	sadd.s32 $0x10, s15;
	s3 =	sadd.s32 $0x80, s3;
	v8 =	vnsel vm9, $0x7F800000, v10  }
0x115: {  	vm9 =	vlt.f32 v8, v4  }
0x116: {  	v8 =	vsel vm9, v8, v4;
	v4 =	vsel vm7, $0x40000000, v6  }
0x117: {  	v4 =	vxor.u32 $0x80000000, v4  }
0x118: {  	(xrf0) =	vmin.scan.msk.u32 $0xffff, v4;
	_ =	sdelay $0x5  }
0x119: {  	v4, _, _ =	vpop (xrf0)  }
0x11a: {  	(v2sf) =	vpush v4, $0xF;
	_ =	sdelay $0xc  }
0x11b: {  	v10 =	vor.u32 s3, v0  }
0x11c: {  	v7 =	vsel vm9, v10, v7;
	v10 =	vld [tilespmem:s22+$0x0]  }
0x11d: {  	s0 =	spop (v2sf)  }
0x11e: {  	s31 =	sadd.s32 $0x0, s28;
	s0 =	sxor.u32 $0x80000000, s0  }
0x11f: {  	v5 =	vsel vm9, v9, v5;
	v9 =	vadd.s32 s31, v0;
	v4 =	vmov s0  }
0x120: {  	vm9 =	vlt.s32 v9, v4  }
0x121: {  	s3 =	simm.s32 $0x100;
	s15 =	sadd.s32 $0x10, s22;
	s0 =	simm.s32 $0x10;
	v10 =	vnsel vm9, $0x7F800000, v10  }
.LBB2_17:
0x122: {  	v11 =	vld [tilespmem:s15+$0x0];
	p0 =	seq.s32 s0, $0x70;
	v12 =	vor.u32 s3, v0;
	vm9 =	vlt.f32 v10, v8;
	s3 =	smov.u32 s0;
	s0 =	sadd.s32 $0x10, s0  }
.Ltmp7:
0x123: {  	v8 =	vsel vm9, v10, v8;
	v5 =	vsel vm9, v9, v5;
	v7 =	vsel vm9, v12, v7;
	(pc) =	sbr.rel @!p0 .LBB2_17-.Ltmp7, $4  }
0x124: {  	s5 =	sadd.s32 s3, s28  }
0x125: {  	v9 =	vadd.s32 s5, v0  }
0x126: {  	vm9 =	vlt.s32 v9, v4  }
0x127: {  	s15 =	sadd.s32 $0x10, s15;
	s3 =	sadd.s32 $0x100, s3;
	v10 =	vnsel vm9, $0x7F800000, v11  }
0x128: {  	vm9 =	vlt.f32 v10, v8  }
0x129: {  	v9 =	vsel vm9, v9, v5;
	v5 =	vsel vm8, $0x40000000, v6  }
0x12a: {  	v5 =	vxor.u32 $0x80000000, v5  }
0x12b: {  	(xrf0) =	vmin.scan.msk.u32 $0xffff, v5;
	_ =	sdelay $0x5  }
0x12c: {  	v5, _, _ =	vpop (xrf0)  }
0x12d: {  	(v2sf) =	vpush v5, $0xF;
	_ =	sdelay $0xd  }
0x12e: {  	v8 =	vsel vm9, v10, v8;
	v10 =	vld [tilespmem:s21+$0x0]  }
0x12f: {  	s0 =	spop (v2sf)  }
0x130: {  	v11 =	vor.u32 s3, v0;
	s31 =	sadd.s32 $0x0, s26;
	s0 =	sxor.u32 $0x80000000, s0  }
0x131: {  	v7 =	vsel vm9, v11, v7;
	v11 =	vadd.s32 s31, v0;
	v5 =	vmov s0  }
0x132: {  	vm9 =	vlt.s32 v11, v5  }
0x133: {  	s3 =	simm.s32 $0x180;
	s15 =	sadd.s32 $0x10, s21;
	s0 =	simm.s32 $0x10;
	v10 =	vnsel vm9, $0x7F800000, v10  }
.LBB2_19:
0x134: {  	v12 =	vld [tilespmem:s15+$0x0];
	p0 =	seq.s32 s0, $0x70;
	v13 =	vor.u32 s3, v0;
	vm9 =	vlt.f32 v10, v8;
	s3 =	smov.u32 s0;
	s0 =	sadd.s32 $0x10, s0  }
.Ltmp8:
0x135: {  	v8 =	vsel vm9, v10, v8;
	v9 =	vsel vm9, v11, v9;
	v7 =	vsel vm9, v13, v7;
	(pc) =	sbr.rel @!p0 .LBB2_19-.Ltmp8, $4  }
0x136: {  	s5 =	sadd.s32 s3, s26  }
0x137: {  	v11 =	vadd.s32 s5, v0  }
0x138: {  	vm9 =	vlt.s32 v11, v5  }
0x139: {  	s15 =	sadd.s32 $0x10, s15;
	s3 =	sadd.s32 $0x180, s3;
	v10 =	vnsel vm9, $0x7F800000, v12  }
0x13a: {  	v6 =	vsel vm4, $0x40000000, v6  }
0x13b: {  	v6 =	vxor.u32 $0x80000000, v6  }
0x13c: {  	(xrf0) =	vmin.scan.msk.u32 $0xffff, v6;
	_ =	sdelay $0x5  }
0x13d: {  	v6, _, _ =	vpop (xrf0)  }
0x13e: {  	(v2sf) =	vpush v6, $0xF;
	_ =	sdelay $0xc  }
0x13f: {  	vm9 =	vlt.f32 v10, v8  }
0x140: {  	v10 =	vsel vm9, v10, v8;
	v8 =	vsel vm9, v11, v9;
	v11 =	vld [tilespmem:s20+$0x0]  }
0x141: {  	s0 =	spop (v2sf)  }
0x142: {  	s15 =	sadd.s32 $0x0, s25;
	s0 =	sxor.u32 $0x80000000, s0  }
0x143: {  	v12 =	vor.u32 s3, v0;
	v9 =	vadd.s32 s15, v0;
	v6 =	vmov s0  }
0x144: {  	v7 =	vsel vm9, v12, v7;
	vm9 =	vlt.s32 v9, v6  }
0x145: {  	s31 =	sadd.s32 $0x10, s20;
	s15 =	simm.s32 $0x200;
	s0 =	simm.s32 $0x10;
	v11 =	vnsel vm9, $0x7F800000, v11  }
.LBB2_21:
0x146: {  	v12 =	vld [tilespmem:s31+$0x0];
	p0 =	sne.s32 s0, $0x70;
	v13 =	vor.u32 s15, v0;
	vm9 =	vlt.f32 v11, v10;
	s3 =	smov.u32 s0;
	s0 =	sadd.s32 $0x10, s0  }
.Ltmp9:
0x147: {  	v10 =	vsel vm9, v11, v10;
	v8 =	vsel vm9, v9, v8;
	v7 =	vsel vm9, v13, v7;
	(pc) =	sbr.rel @p0 .LBB2_21-.Ltmp9, $4  }
0x148: {  	s5 =	sadd.s32 s3, s25  }
0x149: {  	v9 =	vadd.s32 s5, v0  }
0x14a: {  	vm9 =	vlt.s32 v9, v6  }
0x14b: {  	s31 =	sadd.s32 $0x10, s31;
	s15 =	sadd.s32 $0x200, s3;
	v11 =	vnsel vm9, $0x7F800000, v12  }
0x14c: {  	vm9 =	vlt.f32 v11, v10  }
0x14d: {  	v10 =	vsel vm9, v11, v10  }
0x14e: {  	(xrf0) =	vmin.scan.msk.f32 $0xffff, v10;
	_ =	sdelay $0x5  }
0x14f: {  	v11, _, _ =	vpop (xrf0)  }
0x150: {  	v11 =	vbroadcast v11, $0xF  }
0x151: {  	v8 =	vsel vm9, v9, v8  }
0x152: {  	v9 =	vxor.u32 $0x80000000, v8;
	vm10 =	veq.f32 v10, v11  }
0x153: {  	v9 =	vnsel vm10, $0xC0000000, v9  }
0x154: {  	(xrf0) =	vmin.scan.msk.u32 $0xffff, v9;
	_ =	sdelay $0x5  }
0x155: {  	v9, _, _ =	vpop (xrf0)  }
0x156: {  	(v2sf) =	vpush v9, $0xF;
	_ =	sdelay $0xe  }
0x157: {  	s0 =	spop (v2sf)  }
0x158: {  	v9 =	vor.u32 s15, v0;
	s31 =	sxor.u32 $0x80000000, s0  }
0x159: {  	v7 =	vsel vm9, v9, v7;
	vm9 =	veq.s32 v8, s31  }
0x15a: {  	v7 =	vxor.u32 $0x80000000, v7;
	vm9 =	vmand vm10, vm9  }
0x15b: {  	v7 =	vnsel vm9, $0xC0000000, v7  }
0x15c: {  	(xrf0) =	vmin.scan.msk.u32 $0xffff, v7;
	_ =	sdelay $0x5  }
0x15d: {  	v7, _, _ =	vpop (xrf0)  }
0x15e: {  	(v2sf) =	vpush v7, $0xF;
	_ =	sdelay $0xe  }
0x15f: {  	s5 =	spop (v2sf)  }
0x160: {  	s1 =	sshll.u32 s1, $0x7;
	s3 =	sand.u32 $0x7F, s5;
	s0 =	sshll.u32 s5, $0x3  }
0x161: {  	s0 =	sand.u32 $0xFFFFFC00, s0;
	s3 =	sor.u32 s1, s3  }
0x162: {  	s0 =	sor.u32 s0, s3  }
0x163: {  	v8 =	vmov s0;
	_ =	sdelay $0x3  }
0x164: {  	v7 =	vimm.f32 $+Inf  }
0x165: {  	[tilespmem:v8+s9+$0x0] =	vst.idx.msk $0x1, v7  }
0x166: {  	v10 =	vld [tilespmem:s24+$0x0];
	_ =	sdelay $0x1  }
0x167: {  	s15 =	sadd.s32 $0x0, s30  }
0x168: {  	v9 =	vadd.s32 s15, v0  }
0x169: {  	vm9 =	vlt.s32 v9, v2  }
0x16a: {  	v11 =	vimm.s32 $0x0;
	s15 =	simm.s32 $0x10;
	s3 =	sadd.s32 $0x10, s24;
	s0 =	simm.s32 $0x0;
	v8 =	vimm.s32 $0x0;
	v12 =	vnsel vm9, $0x7F800000, v10  }
.LBB2_23:
0x16b: {  	v10 =	vld [tilespmem:s3+$0x0];
	p0 =	sne.s32 s15, $0x70;
	v13 =	vor.u32 s0, v0;
	vm9 =	vlt.f32 v12, v7;
	s0 =	smov.u32 s15;
	s15 =	sadd.s32 $0x10, s15  }
.Ltmp10:
0x16c: {  	v7 =	vsel vm9, v12, v7;
	v8 =	vsel vm9, v9, v8;
	v11 =	vsel vm9, v13, v11;
	(pc) =	sbr.rel @p0 .LBB2_23-.Ltmp10, $4  }
0x16d: {  	s5 =	sadd.s32 s0, s30  }
0x16e: {  	v9 =	vadd.s32 s5, v0  }
0x16f: {  	vm9 =	vlt.s32 v9, v2  }
0x170: {  	s3 =	sadd.s32 $0x10, s3;
	v12 =	vnsel vm9, $0x7F800000, v10  }
0x171: {  	v13 =	vld [tilespmem:s23+$0x0];
	_ =	sdelay $0x1  }
0x172: {  	s3 =	sadd.s32 $0x0, s29  }
0x173: {  	vm9 =	vlt.f32 v12, v7;
	v10 =	vadd.s32 s3, v0  }
0x174: {  	v14 =	vor.u32 s0, v0;
	v7 =	vsel vm9, v12, v7;
	vm10 =	vlt.s32 v10, v3  }
0x175: {  	s0 =	simm.s32 $0x10;
	s15 =	simm.s32 $0x80;
	v8 =	vsel vm9, v9, v8;
	v9 =	vsel vm9, v14, v11;
	s3 =	sadd.s32 $0x10, s23;
	v12 =	vnsel vm10, $0x7F800000, v13  }
.LBB2_25:
0x176: {  	v11 =	vld [tilespmem:s3+$0x0];
	p0 =	sne.s32 s0, $0x70;
	v13 =	vor.u32 s15, v0;
	vm9 =	vlt.f32 v12, v7;
	s5 =	smov.u32 s0;
	s0 =	sadd.s32 $0x10, s0  }
.Ltmp11:
0x177: {  	v7 =	vsel vm9, v12, v7;
	v8 =	vsel vm9, v10, v8;
	v9 =	vsel vm9, v13, v9;
	(pc) =	sbr.rel @p0 .LBB2_25-.Ltmp11, $4  }
0x178: {  	s15 =	sadd.s32 s5, s29  }
0x179: {  	v10 =	vadd.s32 s15, v0  }
0x17a: {  	vm9 =	vlt.s32 v10, v3  }
0x17b: {  	s3 =	sadd.s32 $0x10, s3;
	s15 =	sadd.s32 $0x80, s5;
	v12 =	vnsel vm9, $0x7F800000, v11  }
0x17c: {  	v13 =	vld [tilespmem:s22+$0x0];
	_ =	sdelay $0x1  }
0x17d: {  	s0 =	sadd.s32 $0x0, s28  }
0x17e: {  	vm9 =	vlt.f32 v12, v7;
	v11 =	vadd.s32 s0, v0  }
0x17f: {  	v14 =	vor.u32 s15, v0;
	v7 =	vsel vm9, v12, v7;
	vm10 =	vlt.s32 v11, v4  }
0x180: {  	s15 =	simm.s32 $0x100;
	s3 =	sadd.s32 $0x10, s22;
	v8 =	vsel vm9, v10, v8;
	v9 =	vsel vm9, v14, v9;
	s0 =	simm.s32 $0x10;
	v12 =	vnsel vm10, $0x7F800000, v13  }
.LBB2_27:
0x181: {  	v10 =	vld [tilespmem:s3+$0x0];
	p0 =	sne.s32 s0, $0x70;
	v13 =	vor.u32 s15, v0;
	vm9 =	vlt.f32 v12, v7;
	s5 =	smov.u32 s0;
	s0 =	sadd.s32 $0x10, s0  }
.Ltmp12:
0x182: {  	v7 =	vsel vm9, v12, v7;
	v8 =	vsel vm9, v11, v8;
	v9 =	vsel vm9, v13, v9;
	(pc) =	sbr.rel @p0 .LBB2_27-.Ltmp12, $4  }
0x183: {  	s15 =	sadd.s32 s5, s28  }
0x184: {  	v11 =	vadd.s32 s15, v0  }
0x185: {  	vm9 =	vlt.s32 v11, v4  }
0x186: {  	s3 =	sadd.s32 $0x10, s3;
	s15 =	sadd.s32 $0x100, s5;
	v12 =	vnsel vm9, $0x7F800000, v10  }
0x187: {  	v13 =	vld [tilespmem:s21+$0x0];
	_ =	sdelay $0x1  }
0x188: {  	s0 =	sadd.s32 $0x0, s26  }
0x189: {  	vm9 =	vlt.f32 v12, v7;
	v10 =	vadd.s32 s0, v0  }
0x18a: {  	v14 =	vor.u32 s15, v0;
	v7 =	vsel vm9, v12, v7;
	vm10 =	vlt.s32 v10, v5  }
0x18b: {  	s15 =	simm.s32 $0x180;
	s3 =	sadd.s32 $0x10, s21;
	v8 =	vsel vm9, v11, v8;
	v9 =	vsel vm9, v14, v9;
	s0 =	simm.s32 $0x10;
	v12 =	vnsel vm10, $0x7F800000, v13  }
.LBB2_29:
0x18c: {  	v11 =	vld [tilespmem:s3+$0x0];
	p0 =	sne.s32 s0, $0x70;
	v13 =	vor.u32 s15, v0;
	vm9 =	vlt.f32 v12, v7;
	s5 =	smov.u32 s0;
	s0 =	sadd.s32 $0x10, s0  }
.Ltmp13:
0x18d: {  	v7 =	vsel vm9, v12, v7;
	v8 =	vsel vm9, v10, v8;
	v9 =	vsel vm9, v13, v9;
	(pc) =	sbr.rel @p0 .LBB2_29-.Ltmp13, $4  }
0x18e: {  	s15 =	sadd.s32 s5, s26  }
0x18f: {  	v10 =	vadd.s32 s15, v0  }
0x190: {  	vm9 =	vlt.s32 v10, v5  }
0x191: {  	s3 =	sadd.s32 $0x10, s3;
	s15 =	sadd.s32 $0x180, s5;
	v12 =	vnsel vm9, $0x7F800000, v11  }
0x192: {  	v13 =	vld [tilespmem:s20+$0x0];
	_ =	sdelay $0x1  }
0x193: {  	s0 =	sadd.s32 $0x0, s25  }
0x194: {  	vm9 =	vlt.f32 v12, v7;
	v11 =	vadd.s32 s0, v0  }
0x195: {  	v14 =	vor.u32 s15, v0;
	v12 =	vsel vm9, v12, v7;
	vm10 =	vlt.s32 v11, v6  }
0x196: {  	s15 =	simm.s32 $0x200;
	s3 =	sadd.s32 $0x10, s20;
	v8 =	vsel vm9, v10, v8;
	v7 =	vsel vm9, v14, v9;
	s0 =	simm.s32 $0x10;
	v9 =	vnsel vm10, $0x7F800000, v13  }
.LBB2_31:
0x197: {  	v10 =	vld [tilespmem:s3+$0x0];
	p0 =	sne.s32 s0, $0x70;
	v13 =	vor.u32 s15, v0;
	vm9 =	vlt.f32 v9, v12;
	s5 =	smov.u32 s0;
	s0 =	sadd.s32 $0x10, s0  }
.Ltmp14:
0x198: {  	v12 =	vsel vm9, v9, v12;
	v8 =	vsel vm9, v11, v8;
	v7 =	vsel vm9, v13, v7;
	(pc) =	sbr.rel @p0 .LBB2_31-.Ltmp14, $4  }
0x199: {  	s15 =	sadd.s32 s5, s25  }
0x19a: {  	v11 =	vadd.s32 s15, v0  }
0x19b: {  	vm9 =	vlt.s32 v11, v6  }
0x19c: {  	s3 =	sadd.s32 $0x10, s3;
	s15 =	sadd.s32 $0x200, s5;
	v9 =	vnsel vm9, $0x7F800000, v10  }
0x19d: {  	vm9 =	vlt.f32 v9, v12  }
0x19e: {  	v9 =	vsel vm9, v9, v12  }
0x19f: {  	(xrf0) =	vmin.scan.msk.f32 $0xffff, v9;
	_ =	sdelay $0x5  }
0x1a0: {  	v10, _, _ =	vpop (xrf0)  }
0x1a1: {  	v10 =	vbroadcast v10, $0xF  }
0x1a2: {  	v8 =	vsel vm9, v11, v8  }
0x1a3: {  	vm10 =	veq.f32 v9, v10;
	v9 =	vxor.u32 $0x80000000, v8  }
0x1a4: {  	v9 =	vnsel vm10, $0xC0000000, v9  }
0x1a5: {  	(xrf0) =	vmin.scan.msk.u32 $0xffff, v9;
	_ =	sdelay $0x5  }
0x1a6: {  	v9, _, _ =	vpop (xrf0)  }
0x1a7: {  	(v2sf) =	vpush v9, $0xF;
	_ =	sdelay $0xe  }
0x1a8: {  	s0 =	spop (v2sf)  }
0x1a9: {  	v9 =	vor.u32 s15, v0;
	s0 =	sxor.u32 $0x80000000, s0  }
0x1aa: {  	v7 =	vsel vm9, v9, v7;
	vm9 =	veq.s32 v8, s0  }
0x1ab: {  	v7 =	vxor.u32 $0x80000000, v7;
	vm9 =	vmand vm10, vm9  }
0x1ac: {  	v7 =	vnsel vm9, $0xC0000000, v7  }
0x1ad: {  	(xrf0) =	vmin.scan.msk.u32 $0xffff, v7;
	_ =	sdelay $0x5  }
0x1ae: {  	v7, _, _ =	vpop (xrf0)  }
0x1af: {  	(v2sf) =	vpush v7, $0xF;
	_ =	sdelay $0xe  }
0x1b0: {  	s3 =	spop (v2sf)  }
0x1b1: {  	s5 =	sand.u32 $0x7F, s3;
	s3 =	sshll.u32 s3, $0x3  }
0x1b2: {  	s3 =	sand.u32 $0xFFFFFC00, s3;
	s5 =	sadd.s32 s1, s5  }
0x1b3: {  	s3 =	sadd.s32 s3, s5  }
0x1b4: {  	v7 =	vmov s3;
	_ =	sdelay $0x3  }
0x1b5: {  	v8 =	vimm.f32 $+Inf  }
0x1b6: {  	[tilespmem:v7+s9+$0x0] =	vst.idx.msk $0x1, v8  }
0x1b7: {  	v11 =	vld [tilespmem:s24+$0x0];
	_ =	sdelay $0x1  }
0x1b8: {  	s15 =	sadd.s32 $0x0, s30  }
0x1b9: {  	v10 =	vadd.s32 s15, v0  }
0x1ba: {  	v12 =	vimm.s32 $0x0;
	vm9 =	vlt.s32 v10, v2  }
0x1bb: {  	v9 =	vimm.s32 $0x0;
	s15 =	simm.s32 $0x10;
	s3 =	sadd.s32 $0x10, s24;
	v7 =	vmov s0;
	s0 =	simm.s32 $0x0;
	v13 =	vnsel vm9, $0x7F800000, v11  }
.LBB2_33:
0x1bc: {  	v11 =	vld [tilespmem:s3+$0x0];
	p0 =	sne.s32 s15, $0x70;
	v14 =	vor.u32 s0, v0;
	vm9 =	vlt.f32 v13, v8;
	s0 =	smov.u32 s15;
	s15 =	sadd.s32 $0x10, s15  }
.Ltmp15:
0x1bd: {  	v8 =	vsel vm9, v13, v8;
	v9 =	vsel vm9, v10, v9;
	v12 =	vsel vm9, v14, v12;
	(pc) =	sbr.rel @p0 .LBB2_33-.Ltmp15, $4  }
0x1be: {  	s5 =	sadd.s32 s0, s30  }
0x1bf: {  	v10 =	vadd.s32 s5, v0  }
0x1c0: {  	vm9 =	vlt.s32 v10, v2  }
0x1c1: {  	s3 =	sadd.s32 $0x10, s3;
	v13 =	vnsel vm9, $0x7F800000, v11  }
0x1c2: {  	v14 =	vld [tilespmem:s23+$0x0];
	_ =	sdelay $0x1  }
0x1c3: {  	s3 =	sadd.s32 $0x0, s29  }
0x1c4: {  	vm9 =	vlt.f32 v13, v8;
	v11 =	vadd.s32 s3, v0  }
0x1c5: {  	v15 =	vor.u32 s0, v0;
	v8 =	vsel vm9, v13, v8;
	vm10 =	vlt.s32 v11, v3  }
0x1c6: {  	s0 =	simm.s32 $0x10;
	s15 =	simm.s32 $0x80;
	v9 =	vsel vm9, v10, v9;
	v10 =	vsel vm9, v15, v12;
	s3 =	sadd.s32 $0x10, s23;
	v13 =	vnsel vm10, $0x7F800000, v14  }
.LBB2_35:
0x1c7: {  	v12 =	vld [tilespmem:s3+$0x0];
	p0 =	sne.s32 s0, $0x70;
	v14 =	vor.u32 s15, v0;
	vm9 =	vlt.f32 v13, v8;
	s5 =	smov.u32 s0;
	s0 =	sadd.s32 $0x10, s0  }
.Ltmp16:
0x1c8: {  	v8 =	vsel vm9, v13, v8;
	v9 =	vsel vm9, v11, v9;
	v10 =	vsel vm9, v14, v10;
	(pc) =	sbr.rel @p0 .LBB2_35-.Ltmp16, $4  }
0x1c9: {  	s15 =	sadd.s32 s5, s29  }
0x1ca: {  	v11 =	vadd.s32 s15, v0  }
0x1cb: {  	vm9 =	vlt.s32 v11, v3  }
0x1cc: {  	s3 =	sadd.s32 $0x10, s3;
	s15 =	sadd.s32 $0x80, s5;
	v13 =	vnsel vm9, $0x7F800000, v12  }
0x1cd: {  	v14 =	vld [tilespmem:s22+$0x0];
	_ =	sdelay $0x1  }
0x1ce: {  	s0 =	sadd.s32 $0x0, s28  }
0x1cf: {  	vm9 =	vlt.f32 v13, v8;
	v12 =	vadd.s32 s0, v0  }
0x1d0: {  	v15 =	vor.u32 s15, v0;
	v8 =	vsel vm9, v13, v8;
	vm10 =	vlt.s32 v12, v4  }
0x1d1: {  	s15 =	simm.s32 $0x100;
	s3 =	sadd.s32 $0x10, s22;
	v9 =	vsel vm9, v11, v9;
	v10 =	vsel vm9, v15, v10;
	s0 =	simm.s32 $0x10;
	v13 =	vnsel vm10, $0x7F800000, v14  }
.LBB2_37:
0x1d2: {  	v11 =	vld [tilespmem:s3+$0x0];
	p0 =	sne.s32 s0, $0x70;
	v14 =	vor.u32 s15, v0;
	vm9 =	vlt.f32 v13, v8;
	s5 =	smov.u32 s0;
	s0 =	sadd.s32 $0x10, s0  }
.Ltmp17:
0x1d3: {  	v8 =	vsel vm9, v13, v8;
	v9 =	vsel vm9, v12, v9;
	v10 =	vsel vm9, v14, v10;
	(pc) =	sbr.rel @p0 .LBB2_37-.Ltmp17, $4  }
0x1d4: {  	s15 =	sadd.s32 s5, s28  }
0x1d5: {  	v12 =	vadd.s32 s15, v0  }
0x1d6: {  	vm9 =	vlt.s32 v12, v4  }
0x1d7: {  	s3 =	sadd.s32 $0x10, s3;
	s15 =	sadd.s32 $0x100, s5;
	v13 =	vnsel vm9, $0x7F800000, v11  }
0x1d8: {  	v14 =	vld [tilespmem:s21+$0x0];
	_ =	sdelay $0x1  }
0x1d9: {  	s0 =	sadd.s32 $0x0, s26  }
0x1da: {  	vm9 =	vlt.f32 v13, v8;
	v11 =	vadd.s32 s0, v0  }
0x1db: {  	v15 =	vor.u32 s15, v0;
	v8 =	vsel vm9, v13, v8;
	vm10 =	vlt.s32 v11, v5  }
0x1dc: {  	s15 =	simm.s32 $0x180;
	s3 =	sadd.s32 $0x10, s21;
	v9 =	vsel vm9, v12, v9;
	v10 =	vsel vm9, v15, v10;
	s0 =	simm.s32 $0x10;
	v13 =	vnsel vm10, $0x7F800000, v14  }
.LBB2_39:
0x1dd: {  	v12 =	vld [tilespmem:s3+$0x0];
	p0 =	sne.s32 s0, $0x70;
	v14 =	vor.u32 s15, v0;
	vm9 =	vlt.f32 v13, v8;
	s5 =	smov.u32 s0;
	s0 =	sadd.s32 $0x10, s0  }
.Ltmp18:
0x1de: {  	v8 =	vsel vm9, v13, v8;
	v9 =	vsel vm9, v11, v9;
	v10 =	vsel vm9, v14, v10;
	(pc) =	sbr.rel @p0 .LBB2_39-.Ltmp18, $4  }
0x1df: {  	s15 =	sadd.s32 s5, s26  }
0x1e0: {  	v11 =	vadd.s32 s15, v0  }
0x1e1: {  	vm9 =	vlt.s32 v11, v5  }
0x1e2: {  	s3 =	sadd.s32 $0x10, s3;
	s15 =	sadd.s32 $0x180, s5;
	v13 =	vnsel vm9, $0x7F800000, v12  }
0x1e3: {  	v14 =	vld [tilespmem:s20+$0x0];
	_ =	sdelay $0x1  }
0x1e4: {  	s0 =	sadd.s32 $0x0, s25  }
0x1e5: {  	vm9 =	vlt.f32 v13, v8;
	v12 =	vadd.s32 s0, v0  }
0x1e6: {  	v15 =	vor.u32 s15, v0;
	v13 =	vsel vm9, v13, v8;
	vm10 =	vlt.s32 v12, v6  }
0x1e7: {  	s15 =	simm.s32 $0x200;
	s3 =	sadd.s32 $0x10, s20;
	v9 =	vsel vm9, v11, v9;
	v8 =	vsel vm9, v15, v10;
	s0 =	simm.s32 $0x10;
	v10 =	vnsel vm10, $0x7F800000, v14  }
.LBB2_41:
0x1e8: {  	v11 =	vld [tilespmem:s3+$0x0];
	p0 =	sne.s32 s0, $0x70;
	v14 =	vor.u32 s15, v0;
	vm9 =	vlt.f32 v10, v13;
	s5 =	smov.u32 s0;
	s0 =	sadd.s32 $0x10, s0  }
.Ltmp19:
0x1e9: {  	v13 =	vsel vm9, v10, v13;
	v9 =	vsel vm9, v12, v9;
	v8 =	vsel vm9, v14, v8;
	(pc) =	sbr.rel @p0 .LBB2_41-.Ltmp19, $4  }
0x1ea: {  	s15 =	sadd.s32 s5, s25  }
0x1eb: {  	v12 =	vadd.s32 s15, v0  }
0x1ec: {  	vm9 =	vlt.s32 v12, v6  }
0x1ed: {  	s3 =	sadd.s32 $0x10, s3;
	s15 =	sadd.s32 $0x200, s5;
	v10 =	vnsel vm9, $0x7F800000, v11  }
0x1ee: {  	vm9 =	vlt.f32 v10, v13  }
0x1ef: {  	v10 =	vsel vm9, v10, v13  }
0x1f0: {  	(xrf0) =	vmin.scan.msk.f32 $0xffff, v10;
	_ =	sdelay $0x5  }
0x1f1: {  	v11, _, _ =	vpop (xrf0)  }
0x1f2: {  	v11 =	vbroadcast v11, $0xF  }
0x1f3: {  	v9 =	vsel vm9, v12, v9  }
0x1f4: {  	vm10 =	veq.f32 v10, v11;
	v10 =	vxor.u32 $0x80000000, v9  }
0x1f5: {  	v10 =	vnsel vm10, $0xC0000000, v10  }
0x1f6: {  	(xrf0) =	vmin.scan.msk.u32 $0xffff, v10;
	_ =	sdelay $0x5  }
0x1f7: {  	v10, _, _ =	vpop (xrf0)  }
0x1f8: {  	(v2sf) =	vpush v10, $0xF;
	_ =	sdelay $0xe  }
0x1f9: {  	s0 =	spop (v2sf)  }
0x1fa: {  	v10 =	vor.u32 s15, v0;
	s0 =	sxor.u32 $0x80000000, s0  }
0x1fb: {  	v8 =	vsel vm9, v10, v8;
	vm9 =	veq.s32 v9, s0  }
0x1fc: {  	v8 =	vxor.u32 $0x80000000, v8;
	vm9 =	vmand vm10, vm9  }
0x1fd: {  	v8 =	vnsel vm9, $0xC0000000, v8  }
0x1fe: {  	(xrf0) =	vmin.scan.msk.u32 $0xffff, v8;
	_ =	sdelay $0x5  }
0x1ff: {  	v8, _, _ =	vpop (xrf0)  }
0x200: {  	(v2sf) =	vpush v8, $0xF;
	_ =	sdelay $0xe  }
0x201: {  	s3 =	spop (v2sf)  }
0x202: {  	s5 =	sand.u32 $0x7F, s3;
	s3 =	sshll.u32 s3, $0x3  }
0x203: {  	s3 =	sand.u32 $0xFFFFFC00, s3;
	s5 =	sadd.s32 s1, s5  }
0x204: {  	s3 =	sadd.s32 s3, s5  }
0x205: {  	v8 =	vmov s3;
	_ =	sdelay $0x3  }
0x206: {  	v9 =	vimm.f32 $+Inf  }
0x207: {  	[tilespmem:v8+s9+$0x0] =	vst.idx.msk $0x1, v9  }
0x208: {  	v12 =	vld [tilespmem:s24+$0x0];
	_ =	sdelay $0x1  }
0x209: {  	s15 =	sadd.s32 $0x0, s30  }
0x20a: {  	v11 =	vadd.s32 s15, v0  }
0x20b: {  	v13 =	vimm.s32 $0x0;
	vm9 =	vlt.s32 v11, v2  }
0x20c: {  	v10 =	vimm.s32 $0x0;
	s15 =	simm.s32 $0x10;
	s3 =	sadd.s32 $0x10, s24;
	v8 =	vmov s0;
	s0 =	simm.s32 $0x0;
	v14 =	vnsel vm9, $0x7F800000, v12  }
.LBB2_43:
0x20d: {  	v12 =	vld [tilespmem:s3+$0x0];
	p0 =	sne.s32 s15, $0x70;
	v15 =	vor.u32 s0, v0;
	vm9 =	vlt.f32 v14, v9;
	s0 =	smov.u32 s15;
	s15 =	sadd.s32 $0x10, s15  }
.Ltmp20:
0x20e: {  	v9 =	vsel vm9, v14, v9;
	v10 =	vsel vm9, v11, v10;
	v13 =	vsel vm9, v15, v13;
	(pc) =	sbr.rel @p0 .LBB2_43-.Ltmp20, $4  }
0x20f: {  	s5 =	sadd.s32 s0, s30  }
0x210: {  	v11 =	vadd.s32 s5, v0  }
0x211: {  	vm9 =	vlt.s32 v11, v2  }
0x212: {  	s3 =	sadd.s32 $0x10, s3;
	v14 =	vnsel vm9, $0x7F800000, v12  }
0x213: {  	v15 =	vld [tilespmem:s23+$0x0];
	_ =	sdelay $0x1  }
0x214: {  	s3 =	sadd.s32 $0x0, s29  }
0x215: {  	vm9 =	vlt.f32 v14, v9;
	v12 =	vadd.s32 s3, v0  }
0x216: {  	v16 =	vor.u32 s0, v0;
	v9 =	vsel vm9, v14, v9;
	vm10 =	vlt.s32 v12, v3  }
0x217: {  	s0 =	simm.s32 $0x10;
	s15 =	simm.s32 $0x80;
	v10 =	vsel vm9, v11, v10;
	v11 =	vsel vm9, v16, v13;
	s3 =	sadd.s32 $0x10, s23;
	v14 =	vnsel vm10, $0x7F800000, v15  }
.LBB2_45:
0x218: {  	v13 =	vld [tilespmem:s3+$0x0];
	p0 =	sne.s32 s0, $0x70;
	v15 =	vor.u32 s15, v0;
	vm9 =	vlt.f32 v14, v9;
	s5 =	smov.u32 s0;
	s0 =	sadd.s32 $0x10, s0  }
.Ltmp21:
0x219: {  	v9 =	vsel vm9, v14, v9;
	v10 =	vsel vm9, v12, v10;
	v11 =	vsel vm9, v15, v11;
	(pc) =	sbr.rel @p0 .LBB2_45-.Ltmp21, $4  }
0x21a: {  	s15 =	sadd.s32 s5, s29  }
0x21b: {  	v12 =	vadd.s32 s15, v0  }
0x21c: {  	vm9 =	vlt.s32 v12, v3  }
0x21d: {  	s3 =	sadd.s32 $0x10, s3;
	s15 =	sadd.s32 $0x80, s5;
	v14 =	vnsel vm9, $0x7F800000, v13  }
0x21e: {  	v15 =	vld [tilespmem:s22+$0x0];
	_ =	sdelay $0x1  }
0x21f: {  	s0 =	sadd.s32 $0x0, s28  }
0x220: {  	vm9 =	vlt.f32 v14, v9;
	v13 =	vadd.s32 s0, v0  }
0x221: {  	v16 =	vor.u32 s15, v0;
	v9 =	vsel vm9, v14, v9;
	vm10 =	vlt.s32 v13, v4  }
0x222: {  	s15 =	simm.s32 $0x100;
	s3 =	sadd.s32 $0x10, s22;
	v10 =	vsel vm9, v12, v10;
	v11 =	vsel vm9, v16, v11;
	s0 =	simm.s32 $0x10;
	v14 =	vnsel vm10, $0x7F800000, v15  }
.LBB2_47:
0x223: {  	v12 =	vld [tilespmem:s3+$0x0];
	p0 =	sne.s32 s0, $0x70;
	v15 =	vor.u32 s15, v0;
	vm9 =	vlt.f32 v14, v9;
	s5 =	smov.u32 s0;
	s0 =	sadd.s32 $0x10, s0  }
.Ltmp22:
0x224: {  	v9 =	vsel vm9, v14, v9;
	v10 =	vsel vm9, v13, v10;
	v11 =	vsel vm9, v15, v11;
	(pc) =	sbr.rel @p0 .LBB2_47-.Ltmp22, $4  }
0x225: {  	s15 =	sadd.s32 s5, s28  }
0x226: {  	v13 =	vadd.s32 s15, v0  }
0x227: {  	vm9 =	vlt.s32 v13, v4  }
0x228: {  	s3 =	sadd.s32 $0x10, s3;
	s15 =	sadd.s32 $0x100, s5;
	v14 =	vnsel vm9, $0x7F800000, v12  }
0x229: {  	v15 =	vld [tilespmem:s21+$0x0];
	_ =	sdelay $0x1  }
0x22a: {  	s0 =	sadd.s32 $0x0, s26  }
0x22b: {  	vm9 =	vlt.f32 v14, v9;
	v12 =	vadd.s32 s0, v0  }
0x22c: {  	v16 =	vor.u32 s15, v0;
	v9 =	vsel vm9, v14, v9;
	vm10 =	vlt.s32 v12, v5  }
0x22d: {  	s15 =	simm.s32 $0x180;
	s3 =	sadd.s32 $0x10, s21;
	v10 =	vsel vm9, v13, v10;
	v11 =	vsel vm9, v16, v11;
	s0 =	simm.s32 $0x10;
	v14 =	vnsel vm10, $0x7F800000, v15  }
.LBB2_49:
0x22e: {  	v13 =	vld [tilespmem:s3+$0x0];
	p0 =	sne.s32 s0, $0x70;
	v15 =	vor.u32 s15, v0;
	vm9 =	vlt.f32 v14, v9;
	s5 =	smov.u32 s0;
	s0 =	sadd.s32 $0x10, s0  }
.Ltmp23:
0x22f: {  	v9 =	vsel vm9, v14, v9;
	v10 =	vsel vm9, v12, v10;
	v11 =	vsel vm9, v15, v11;
	(pc) =	sbr.rel @p0 .LBB2_49-.Ltmp23, $4  }
0x230: {  	s15 =	sadd.s32 s5, s26  }
0x231: {  	v12 =	vadd.s32 s15, v0  }
0x232: {  	vm9 =	vlt.s32 v12, v5  }
0x233: {  	s3 =	sadd.s32 $0x10, s3;
	s15 =	sadd.s32 $0x180, s5;
	v14 =	vnsel vm9, $0x7F800000, v13  }
0x234: {  	v15 =	vld [tilespmem:s20+$0x0];
	_ =	sdelay $0x1  }
0x235: {  	s0 =	sadd.s32 $0x0, s25  }
0x236: {  	vm9 =	vlt.f32 v14, v9;
	v13 =	vadd.s32 s0, v0  }
0x237: {  	v16 =	vor.u32 s15, v0;
	v14 =	vsel vm9, v14, v9;
	vm10 =	vlt.s32 v13, v6  }
0x238: {  	s15 =	simm.s32 $0x200;
	s3 =	sadd.s32 $0x10, s20;
	v10 =	vsel vm9, v12, v10;
	v9 =	vsel vm9, v16, v11;
	s0 =	simm.s32 $0x10;
	v11 =	vnsel vm10, $0x7F800000, v15  }
.LBB2_51:
0x239: {  	v12 =	vld [tilespmem:s3+$0x0];
	p0 =	sne.s32 s0, $0x70;
	v15 =	vor.u32 s15, v0;
	vm9 =	vlt.f32 v11, v14;
	s5 =	smov.u32 s0;
	s0 =	sadd.s32 $0x10, s0  }
.Ltmp24:
0x23a: {  	v14 =	vsel vm9, v11, v14;
	v10 =	vsel vm9, v13, v10;
	v9 =	vsel vm9, v15, v9;
	(pc) =	sbr.rel @p0 .LBB2_51-.Ltmp24, $4  }
0x23b: {  	s15 =	sadd.s32 s5, s25  }
0x23c: {  	v13 =	vadd.s32 s15, v0  }
0x23d: {  	vm9 =	vlt.s32 v13, v6  }
0x23e: {  	s3 =	sadd.s32 $0x10, s3;
	s15 =	sadd.s32 $0x200, s5;
	v11 =	vnsel vm9, $0x7F800000, v12  }
0x23f: {  	vm9 =	vlt.f32 v11, v14  }
0x240: {  	v11 =	vsel vm9, v11, v14  }
0x241: {  	(xrf0) =	vmin.scan.msk.f32 $0xffff, v11;
	_ =	sdelay $0x5  }
0x242: {  	v12, _, _ =	vpop (xrf0)  }
0x243: {  	v12 =	vbroadcast v12, $0xF  }
0x244: {  	v10 =	vsel vm9, v13, v10  }
0x245: {  	vm10 =	veq.f32 v11, v12;
	v11 =	vxor.u32 $0x80000000, v10  }
0x246: {  	v11 =	vnsel vm10, $0xC0000000, v11  }
0x247: {  	(xrf0) =	vmin.scan.msk.u32 $0xffff, v11;
	_ =	sdelay $0x5  }
0x248: {  	v11, _, _ =	vpop (xrf0)  }
0x249: {  	(v2sf) =	vpush v11, $0xF;
	_ =	sdelay $0xe  }
0x24a: {  	s0 =	spop (v2sf)  }
0x24b: {  	v11 =	vor.u32 s15, v0;
	s0 =	sxor.u32 $0x80000000, s0  }
0x24c: {  	v9 =	vsel vm9, v11, v9;
	vm9 =	veq.s32 v10, s0  }
0x24d: {  	v9 =	vxor.u32 $0x80000000, v9;
	vm9 =	vmand vm10, vm9  }
0x24e: {  	v9 =	vnsel vm9, $0xC0000000, v9  }
0x24f: {  	(xrf0) =	vmin.scan.msk.u32 $0xffff, v9;
	_ =	sdelay $0x5  }
0x250: {  	v9, _, _ =	vpop (xrf0)  }
0x251: {  	(v2sf) =	vpush v9, $0xF;
	_ =	sdelay $0xe  }
0x252: {  	s3 =	spop (v2sf)  }
0x253: {  	s5 =	sand.u32 $0x7F, s3;
	s3 =	sshll.u32 s3, $0x3  }
0x254: {  	s3 =	sand.u32 $0xFFFFFC00, s3;
	s5 =	sadd.s32 s1, s5  }
0x255: {  	s3 =	sadd.s32 s3, s5  }
0x256: {  	v9 =	vmov s3;
	_ =	sdelay $0x3  }
0x257: {  	v10 =	vimm.f32 $+Inf  }
0x258: {  	[tilespmem:v9+s9+$0x0] =	vst.idx.msk $0x1, v10  }
0x259: {  	v12 =	vld [tilespmem:s24+$0x0];
	_ =	sdelay $0x1  }
0x25a: {  	s15 =	sadd.s32 $0x0, s30  }
0x25b: {  	v13 =	vadd.s32 s15, v0  }
0x25c: {  	v14 =	vimm.s32 $0x0;
	vm9 =	vlt.s32 v13, v2  }
0x25d: {  	v11 =	vimm.s32 $0x0;
	s15 =	simm.s32 $0x10;
	s3 =	sadd.s32 $0x10, s24;
	v9 =	vmov s0;
	s0 =	simm.s32 $0x0;
	v15 =	vnsel vm9, $0x7F800000, v12  }
.LBB2_53:
0x25e: {  	v12 =	vld [tilespmem:s3+$0x0];
	p0 =	sne.s32 s15, $0x70;
	v16 =	vor.u32 s0, v0;
	vm9 =	vlt.f32 v15, v10;
	s0 =	smov.u32 s15;
	s15 =	sadd.s32 $0x10, s15  }
.Ltmp25:
0x25f: {  	v10 =	vsel vm9, v15, v10;
	v11 =	vsel vm9, v13, v11;
	v14 =	vsel vm9, v16, v14;
	(pc) =	sbr.rel @p0 .LBB2_53-.Ltmp25, $4  }
0x260: {  	s5 =	sadd.s32 s0, s30  }
0x261: {  	v13 =	vadd.s32 s5, v0  }
0x262: {  	vm9 =	vlt.s32 v13, v2  }
0x263: {  	s3 =	sadd.s32 $0x10, s3;
	v15 =	vnsel vm9, $0x7F800000, v12  }
0x264: {  	v16 =	vld [tilespmem:s23+$0x0];
	_ =	sdelay $0x1  }
0x265: {  	s3 =	sadd.s32 $0x0, s29  }
0x266: {  	vm9 =	vlt.f32 v15, v10;
	v12 =	vadd.s32 s3, v0  }
0x267: {  	v17 =	vor.u32 s0, v0;
	v2 =	vsel vm9, v15, v10;
	vm10 =	vlt.s32 v12, v3  }
0x268: {  	s0 =	simm.s32 $0x10;
	s15 =	simm.s32 $0x80;
	v10 =	vsel vm9, v13, v11;
	v11 =	vsel vm9, v17, v14;
	s3 =	sadd.s32 $0x10, s23;
	v14 =	vnsel vm10, $0x7F800000, v16  }
.LBB2_55:
0x269: {  	v13 =	vld [tilespmem:s3+$0x0];
	p0 =	sne.s32 s0, $0x70;
	v15 =	vor.u32 s15, v0;
	vm9 =	vlt.f32 v14, v2;
	s5 =	smov.u32 s0;
	s0 =	sadd.s32 $0x10, s0  }
.Ltmp26:
0x26a: {  	v2 =	vsel vm9, v14, v2;
	v10 =	vsel vm9, v12, v10;
	v11 =	vsel vm9, v15, v11;
	(pc) =	sbr.rel @p0 .LBB2_55-.Ltmp26, $4  }
0x26b: {  	s15 =	sadd.s32 s5, s29  }
0x26c: {  	v12 =	vadd.s32 s15, v0  }
0x26d: {  	vm9 =	vlt.s32 v12, v3  }
0x26e: {  	s3 =	sadd.s32 $0x10, s3;
	s15 =	sadd.s32 $0x80, s5;
	v14 =	vnsel vm9, $0x7F800000, v13  }
0x26f: {  	v15 =	vld [tilespmem:s22+$0x0];
	_ =	sdelay $0x1  }
0x270: {  	s0 =	sadd.s32 $0x0, s28  }
0x271: {  	vm9 =	vlt.f32 v14, v2;
	v13 =	vadd.s32 s0, v0  }
0x272: {  	v16 =	vor.u32 s15, v0;
	v2 =	vsel vm9, v14, v2;
	vm10 =	vlt.s32 v13, v4  }
0x273: {  	s15 =	simm.s32 $0x100;
	s3 =	sadd.s32 $0x10, s22;
	v3 =	vsel vm9, v12, v10;
	v10 =	vsel vm9, v16, v11;
	s0 =	simm.s32 $0x10;
	v12 =	vnsel vm10, $0x7F800000, v15  }
.LBB2_57:
0x274: {  	v11 =	vld [tilespmem:s3+$0x0];
	p0 =	sne.s32 s0, $0x70;
	v14 =	vor.u32 s15, v0;
	vm9 =	vlt.f32 v12, v2;
	s5 =	smov.u32 s0;
	s0 =	sadd.s32 $0x10, s0  }
.Ltmp27:
0x275: {  	v2 =	vsel vm9, v12, v2;
	v3 =	vsel vm9, v13, v3;
	v10 =	vsel vm9, v14, v10;
	(pc) =	sbr.rel @p0 .LBB2_57-.Ltmp27, $4  }
0x276: {  	s15 =	sadd.s32 s5, s28  }
0x277: {  	v13 =	vadd.s32 s15, v0  }
0x278: {  	vm9 =	vlt.s32 v13, v4  }
0x279: {  	s3 =	sadd.s32 $0x10, s3;
	s15 =	sadd.s32 $0x100, s5;
	v12 =	vnsel vm9, $0x7F800000, v11  }
0x27a: {  	v14 =	vld [tilespmem:s21+$0x0];
	_ =	sdelay $0x1  }
0x27b: {  	s0 =	sadd.s32 $0x0, s26  }
0x27c: {  	vm9 =	vlt.f32 v12, v2;
	v11 =	vadd.s32 s0, v0  }
0x27d: {  	v4 =	vor.u32 s15, v0;
	v2 =	vsel vm9, v12, v2;
	vm10 =	vlt.s32 v11, v5  }
0x27e: {  	s15 =	simm.s32 $0x180;
	s3 =	sadd.s32 $0x10, s21;
	v3 =	vsel vm9, v13, v3;
	v4 =	vsel vm9, v4, v10;
	s0 =	simm.s32 $0x10;
	v10 =	vnsel vm10, $0x7F800000, v14  }
.LBB2_59:
0x27f: {  	v12 =	vld [tilespmem:s3+$0x0];
	p0 =	sne.s32 s0, $0x70;
	v13 =	vor.u32 s15, v0;
	vm9 =	vlt.f32 v10, v2;
	s5 =	smov.u32 s0;
	s0 =	sadd.s32 $0x10, s0  }
.Ltmp28:
0x280: {  	v2 =	vsel vm9, v10, v2;
	v3 =	vsel vm9, v11, v3;
	v4 =	vsel vm9, v13, v4;
	(pc) =	sbr.rel @p0 .LBB2_59-.Ltmp28, $4  }
0x281: {  	s15 =	sadd.s32 s5, s26  }
0x282: {  	v11 =	vadd.s32 s15, v0  }
0x283: {  	vm9 =	vlt.s32 v11, v5  }
0x284: {  	s3 =	sadd.s32 $0x10, s3;
	s15 =	sadd.s32 $0x180, s5;
	v10 =	vnsel vm9, $0x7F800000, v12  }
0x285: {  	v12 =	vld [tilespmem:s20+$0x0];
	_ =	sdelay $0x1  }
0x286: {  	s0 =	sadd.s32 $0x0, s25  }
0x287: {  	vm9 =	vlt.f32 v10, v2;
	v5 =	vadd.s32 s0, v0  }
0x288: {  	v13 =	vor.u32 s15, v0;
	v10 =	vsel vm9, v10, v2;
	vm10 =	vlt.s32 v5, v6  }
0x289: {  	s15 =	simm.s32 $0x200;
	s3 =	sadd.s32 $0x10, s20;
	v3 =	vsel vm9, v11, v3;
	v2 =	vsel vm9, v13, v4;
	s0 =	simm.s32 $0x10;
	v4 =	vnsel vm10, $0x7F800000, v12  }
.LBB2_61:
0x28a: {  	v11 =	vld [tilespmem:s3+$0x0];
	p0 =	sne.s32 s0, $0x70;
	v12 =	vor.u32 s15, v0;
	vm9 =	vlt.f32 v4, v10;
	s5 =	smov.u32 s0;
	s0 =	sadd.s32 $0x10, s0  }
.Ltmp29:
0x28b: {  	v10 =	vsel vm9, v4, v10;
	v3 =	vsel vm9, v5, v3;
	v2 =	vsel vm9, v12, v2;
	(pc) =	sbr.rel @p0 .LBB2_61-.Ltmp29, $4  }
0x28c: {  	s15 =	sadd.s32 s5, s25  }
0x28d: {  	v5 =	vadd.s32 s15, v0  }
0x28e: {  	vm9 =	vlt.s32 v5, v6  }
0x28f: {  	s3 =	sadd.s32 $0x10, s3;
	s15 =	sadd.s32 $0x200, s5;
	v4 =	vnsel vm9, $0x7F800000, v11  }
0x290: {  	vm9 =	vlt.f32 v4, v10  }
0x291: {  	v4 =	vsel vm9, v4, v10  }
0x292: {  	(xrf0) =	vmin.scan.msk.f32 $0xffff, v4;
	_ =	sdelay $0x5  }
0x293: {  	v6, _, _ =	vpop (xrf0)  }
0x294: {  	v6 =	vbroadcast v6, $0xF  }
0x295: {  	v3 =	vsel vm9, v5, v3  }
0x296: {  	v62 =	vxor.u32 $0x80000000, v3;
	vm10 =	veq.f32 v4, v6  }
0x297: {  	v4 =	vnsel vm10, $0xC0000000, v62  }
0x298: {  	(xrf0) =	vmin.scan.msk.u32 $0xffff, v4;
	_ =	sdelay $0x5  }
0x299: {  	v4, _, _ =	vpop (xrf0)  }
0x29a: {  	(v2sf) =	vpush v4, $0xF;
	_ =	sdelay $0xe  }
0x29b: {  	s0 =	spop (v2sf)  }
0x29c: {  	v63 =	vor.u32 s15, v0;
	s0 =	sxor.u32 $0x80000000, s0  }
0x29d: {  	v2 =	vsel vm9, v63, v2;
	vm9 =	veq.s32 v3, s0  }
0x29e: {  	v2 =	vxor.u32 $0x80000000, v2;
	vm9 =	vmand vm10, vm9  }
0x29f: {  	v2 =	vnsel vm9, $0xC0000000, v2  }
0x2a0: {  	(xrf0) =	vmin.scan.msk.u32 $0xffff, v2;
	_ =	sdelay $0x5  }
0x2a1: {  	v2, _, _ =	vpop (xrf0)  }
0x2a2: {  	(v2sf) =	vpush v2, $0xF;
	_ =	sdelay $0xe  }
0x2a3: {  	s3 =	spop (v2sf)  }
0x2a4: {  	s5 =	sand.u32 $0x7F, s3;
	s3 =	sshll.u32 s3, $0x3  }
0x2a5: {  	s1 =	sadd.s32 s1, s5;
	s3 =	sand.u32 $0xFFFFFC00, s3  }
0x2a6: {  	s1 =	sadd.s32 s3, s1  }
0x2a7: {  	s18 =	sadd.s32 $0x1, s18;
	v2 =	vmov s31;
	v3 =	vmov s1  }
0x2a8: {  	p0 =	sne.s32 s18, $0x20;
	v2 =	vnsel vm0, $0x0, v2  }
.Ltmp30:
0x2a9: {  	v2 =	vsel vm1, v2, v7;
	(pc) =	sbr.rel @p0 .LBB2_2-.Ltmp30, $4  }
0x2aa: {  	v2 =	vsel vm2, v2, v8  }
0x2ab: {  	v2 =	vsel vm3, v2, v9  }
0x2ac: {  	s31 =	sand.u32 $0x3FFFFF80, s19;
	v2 =	vnsel vm4, s0, v2;
	[tilespmem:v3+s9+$0x0] =	vst.idx.msk $0x1, v1  }
0x2ad: {  	s17 =	sadd.s32 $0x1, s17;
	[tilespmem:s31+$0x8400] =	vst v2  }
0x2ae: {  	s16 =	sadd.s32 $0x1, s16  }
0x2af: {  	p0 =	sne.s32 s16, s7  }
.Ltmp31:
0x2b0: {  	s15 =	simm.s32 $0x0;
	s0 =	simm.s32 $0x8400;
	(pc) =	sbr.rel @p0 .LBB2_1-.Ltmp31, $4  }
0x2b1: {  	[hbm4b:s6+s15] =	stream.linear.scatter [tilespmem:s0], [sflag:$0x2], $0x1000, $0x38;
	[tilespmem:$0x9400] =	vst v63  }
0x2b2: {  	_ =	swait.ge [sflag:s8], $0x1000  }
0x2b3: {  	[sflag:s8] =	ssyncset.done $0x0  }
0x2b4: {  	[sflag:s8] =	ssyncadd.s32 $0xFFFFF000  }
0x2b5: {  	_ =	sfence.sel $0x180000  }
0x2b6: {  	[bflag:$0x0] =	sbarrier.arrive $0xFFFF  }
0x2b7: {  	_ =	strace $0x90000047  }
0x2b8: {  	s0 =	stileid.u32;
	[bflag:$0x2] =	sbarrier.arrive $0xFFFF  }
0x2b9: {  	p0 =	sne.s32 s0, $0x0;
	s0 =	rddreg [dreg:$0x1]  }
0x2ba: {  	s0 =	sadd.s32 @!p0 $0x100000, s0  }
0x2bb: {  	[sflag:s0] =	ssyncadd.tile.s32 @!p0 $0x1;
	_ =	shalt  }
.Lfunc_end2:
_tile_overlayer_lowered:
.L_overlay_start_2:
0x2bc: {  	(tag) =	ssettag $0x2  }
0x2bd: {  	s0 =	rddreg [dreg:$0x0];
	s2 =	stileid.u32  }
0x2be: {  	s1 =	rddreg [dreg:$0x1];
	p0 =	sne.s32 s2, $0x0  }
0x2bf: {  	s3 =	rddreg [dreg:$0x2];
	[bflag:$0x3] =	sbarrier.arrive $0xFFFF;
	s2 =	simm.s32 @!p0 $0x1C02  }
0x2c0: {  	[timem:s3], [sflag:s2] =	dma.local @!p0 [hbm:s0], s1  }
0x2c1: {  	s0 =	simm.s32 @!p0 $0x2  }
0x2c2: {  	_ =	swait.ge @!p0 [sflag:s0], s1  }
0x2c3: {  	s1 =	ssub.s32 @!p0 $0x0, s1;
	[sflag:s0] =	ssyncset.done @!p0 $0x0  }
0x2c4: {  	[sflag:s0] =	ssyncadd.s32 @!p0 s1  }
0x2c5: {  	[bflag:$0x3] =	sbarrier.arrive $0xFFFF  }
0x2c6: {  	_ =	shalt  }

</sc_bundles>
